<compile_context>
chip_gen: v7x
topology: tpu7x:2x2x1
jax: 0.10.2.dev20260603
libtpu: 0.0.44.dev20260713+nightly
codegen_flags: <defaults>
</compile_context>

<pallas_src>
import functools

import jax
import jax.numpy as jnp
from jax import lax
from jax.experimental import pallas as pl
from jax.experimental.pallas import tpu as pltpu
from jax.experimental.pallas import tpu_sc as plsc

NC = 2
NS = 16
NW = NC * NS
CH = 128
PADROWS = 512
DUPROWS = 128


def _gn(h, g, b, eps=1e-5):
    mu = jnp.mean(h, axis=-1, keepdims=True)
    d = h - mu
    var = jnp.mean(d * d, axis=-1, keepdims=True)
    return d * lax.rsqrt(var + eps) * g + b


def _lrelu(h):
    return jnp.where(h >= 0, h, 0.01 * h)



def _tc_edge_body(v_ref, pdx_ref, pdy_ref, w_ref,
                  d1t_ref, d1b_ref, d2t_ref, d2b_ref, dng_ref, dnb_ref,
                  u_ref, ax_ref):
    be = v_ref.shape[0]
    pdx = pdx_ref[...]
    pdy = pdy_ref[...]
    a = pdx * d1t_ref[0:1, :] + pdy * d1t_ref[1:2, :] + d1b_ref[...]
    h1 = _lrelu(a)
    h2 = jnp.dot(h1, d2t_ref[...], preferred_element_type=jnp.float32)
    h2 = h2 + d2b_ref[...]
    de = _gn(h2, dng_ref[...], dnb_ref[...])
    w = w_ref[...]
    u = w * (v_ref[...] + de)
    lane = lax.broadcasted_iota(jnp.int32, (be, 32), 1)
    aux = jnp.where(lane == 0, w, jnp.where(lane == 1, 1.0, 0.0))
    u_ref[...] = u
    ax_ref[...] = aux


def _tc_node_body(x_ref, s_ref, aux_ref,
                  attt_ref, attb_ref, ng_ref, nb_ref, ftx_ref, ftc_ref,
                  fb_ref, fng_ref, fnb_ref, out_ref):
    x = x_ref[...]
    aux = aux_ref[...]
    ws = aux[:, 0:1]
    cnt = aux[:, 1:2]
    s = s_ref[...]
    copy = jnp.dot(s, attt_ref[...], preferred_element_type=jnp.float32)
    copy = copy + ws * attb_ref[...]
    copy = _gn(copy, ng_ref[...], nb_ref[...])
    f = (jnp.dot(x, ftx_ref[...], preferred_element_type=jnp.float32)
         + jnp.dot(copy, ftc_ref[...], preferred_element_type=jnp.float32)
         + fb_ref[...])
    f = _lrelu(_gn(f, fng_ref[...], fnb_ref[...]))
    out_ref[...] = jnp.where(cnt > 0, f, x)



def _sc_gather_body(epad, x_hbm, ptab_hbm, pre_hbm, ip_hbm, is_hbm,
                    v_out, pdx_out, pdy_out,
                    ptab_v, preb, ipb, isb, vbuf, pdxb, pdyb, sem0):
    ew = epad // NW
    nchunk = ew // CH
    c = lax.axis_index("c")
    s = lax.axis_index("s")
    base = (s * NC + c) * ew

    pltpu.sync_copy(ptab_hbm, ptab_v)

    def body(k, carry):
        off = base + k * CH
        pltpu.sync_copy(pre_hbm.at[pl.ds(off, CH)], preb)
        pltpu.sync_copy(ip_hbm.at[pl.ds(off, CH)], ipb)
        pltpu.sync_copy(is_hbm.at[pl.ds(off, CH)], isb)
        cp0 = pltpu.async_copy(x_hbm.at[preb], vbuf, sem0)
        for g in range(CH // 16):
            ip_v = ipb[pl.ds(g * 16, 16)] * 2
            is_v = isb[pl.ds(g * 16, 16)] * 2
            ppx = plsc.load_gather(ptab_v, [ip_v])
            ppy = plsc.load_gather(ptab_v, [ip_v + 1])
            psx = plsc.load_gather(ptab_v, [is_v])
            psy = plsc.load_gather(ptab_v, [is_v + 1])
            pdxb[pl.ds(g * 16, 16)] = psx - ppx
            pdyb[pl.ds(g * 16, 16)] = psy - ppy
        pltpu.sync_copy(pdxb, pdx_out.at[pl.ds(off, CH)])
        pltpu.sync_copy(pdyb, pdy_out.at[pl.ds(off, CH)])
        cp0.wait()
        pltpu.sync_copy(vbuf, v_out.at[pl.ds(off, CH)])
        return carry

    lax.fori_loop(0, nchunk, body, 0)



def kernel(graph_feat, edge, weight, position, att_W, att_b, norm_g, norm_b,
           fuse_W, fuse_b, fn_g, fn_b, d1_W, d1_b, d2_W, d2_b, dn_g, dn_b):
    B, T, HW, C = graph_feat.shape
    N = B * T * HW
    E = edge.shape[0]
    THW = T * HW
    f32 = jnp.float32

    x = graph_feat.reshape(N, C)

    eb = edge[:, 0]
    et = edge[:, 1]
    ep = edge[:, 2]
    es = edge[:, 3]
    pre = eb * THW + et * HW + ep
    suc = eb * THW + (et + 1) * HW + es
    ip = et * HW + ep
    isc = (et + 1) * HW + es

    epad = ((E + NW * CH - 1) // (NW * CH)) * (NW * CH)
    npad = epad - E
    nacc = ((N + PADROWS + DUPROWS + 63) // 64) * 64
    ar = jnp.arange(npad, dtype=jnp.int32)
    pre_p = jnp.concatenate([pre, (ar * 97) % N])
    suc_p = jnp.concatenate([suc, N + (ar % PADROWS)])
    ip_p = jnp.concatenate([ip, ar % THW])
    is_p = jnp.concatenate([isc, ar % THW])
    w_p = jnp.concatenate([weight, jnp.zeros((npad,), f32)])

    ptab_flat = position.reshape(THW * 2)

    mesh = plsc.VectorSubcoreMesh(core_axis_name="c", subcore_axis_name="s",
                                  num_cores=NC, num_subcores=NS)

    sc_gather = pl.kernel(
        functools.partial(_sc_gather_body, epad),
        out_type=[
            jax.ShapeDtypeStruct((epad, C), f32),
            jax.ShapeDtypeStruct((epad,), f32),
            jax.ShapeDtypeStruct((epad,), f32),
        ],
        mesh=mesh,
        compiler_params=pltpu.CompilerParams(needs_layout_passes=False),
        scratch_types=[
            pltpu.VMEM((THW * 2,), f32),
            pltpu.VMEM((CH,), jnp.int32),
            pltpu.VMEM((CH,), jnp.int32),
            pltpu.VMEM((CH,), jnp.int32),
            pltpu.VMEM((CH, C), f32),
            pltpu.VMEM((CH,), f32),
            pltpu.VMEM((CH,), f32),
            pltpu.SemaphoreType.DMA,
        ],
    )
    v_rows, pdx, pdy = sc_gather(x, ptab_flat, pre_p, ip_p, is_p)

    be = 1024
    grid_e = epad // be
    u_full, aux32 = pl.pallas_call(
        _tc_edge_body,
        grid=(grid_e,),
        in_specs=[
            pl.BlockSpec((be, C), lambda i: (i, 0)),
            pl.BlockSpec((be, 1), lambda i: (i, 0)),
            pl.BlockSpec((be, 1), lambda i: (i, 0)),
            pl.BlockSpec((be, 1), lambda i: (i, 0)),
            pl.BlockSpec((2, C), lambda i: (0, 0)),
            pl.BlockSpec((1, C), lambda i: (0, 0)),
            pl.BlockSpec((C, C), lambda i: (0, 0)),
            pl.BlockSpec((1, C), lambda i: (0, 0)),
            pl.BlockSpec((1, C), lambda i: (0, 0)),
            pl.BlockSpec((1, C), lambda i: (0, 0)),
        ],
        out_specs=[pl.BlockSpec((be, C), lambda i: (i, 0)),
                   pl.BlockSpec((be, 32), lambda i: (i, 0))],
        out_shape=[jax.ShapeDtypeStruct((epad, C), f32),
                   jax.ShapeDtypeStruct((epad, 32), f32)],
    )(v_rows, pdx.reshape(epad, 1), pdy.reshape(epad, 1),
      w_p.reshape(epad, 1), d1_W.T, d1_b.reshape(1, C), d2_W.T,
      d2_b.reshape(1, C), dn_g.reshape(1, C), dn_b.reshape(1, C))

    s_acc = jnp.zeros((nacc, C), f32).at[suc_p].add(u_full)[:N]
    ax_acc = jnp.zeros((nacc, 32), f32).at[suc_p].add(aux32)[:N]

    bn = 1024
    grid_n = N // bn
    fuse_t = fuse_W.T
    out = pl.pallas_call(
        _tc_node_body,
        grid=(grid_n,),
        in_specs=[
            pl.BlockSpec((bn, C), lambda i: (i, 0)),
            pl.BlockSpec((bn, C), lambda i: (i, 0)),
            pl.BlockSpec((bn, 32), lambda i: (i, 0)),
            pl.BlockSpec((C, C), lambda i: (0, 0)),
            pl.BlockSpec((1, C), lambda i: (0, 0)),
            pl.BlockSpec((1, C), lambda i: (0, 0)),
            pl.BlockSpec((1, C), lambda i: (0, 0)),
            pl.BlockSpec((C, C), lambda i: (0, 0)),
            pl.BlockSpec((C, C), lambda i: (0, 0)),
            pl.BlockSpec((1, C), lambda i: (0, 0)),
            pl.BlockSpec((1, C), lambda i: (0, 0)),
            pl.BlockSpec((1, C), lambda i: (0, 0)),
        ],
        out_specs=pl.BlockSpec((bn, C), lambda i: (i, 0)),
        out_shape=jax.ShapeDtypeStruct((N, C), f32),
    )(x, s_acc, ax_acc, att_W.T,
      att_b.reshape(1, C), norm_g.reshape(1, C), norm_b.reshape(1, C),
      fuse_t[:C], fuse_t[C:], fuse_b.reshape(1, C), fn_g.reshape(1, C),
      fn_b.reshape(1, C))

    return out.reshape(B, T, HW, C)

# --- scband reference (transcript-rebuilt; emitter-appended) ---
"""Pipeline reference for scband-graph-att-61959198212617 (READ-ONLY COPY).

The authoritative reference and input builder live on the scoring server;
editing this copy changes nothing except your own understanding.
"""

import jax, jax.numpy as jnp
import numpy as np

B, T, HW, C = 4, 16, 784, 128
E = 500000


def _gn(x, g, b, eps=1e-5):
    mu = jnp.mean(x, axis=-1, keepdims=True)
    var = jnp.mean((x - mu) ** 2, axis=-1, keepdims=True)
    return (x - mu) / jnp.sqrt(var + eps) * g + b


def _lrelu(x):
    return jnp.where(x >= 0, x, 0.01 * x)


def setup_inputs(seed: int = 0) -> dict:
    key = jax.random.key(seed)
    ks = jax.random.split(key, 20)
    graph_feat = jax.random.normal(ks[0], (B, T, HW, C), dtype=jnp.float32)
    eb = jax.random.randint(ks[1], (E,), 0, B)
    et = jax.random.randint(ks[2], (E,), 0, T - 1)
    ep = jax.random.randint(ks[3], (E,), 0, HW)
    es = jax.random.randint(ks[4], (E,), 0, HW)
    edge = jnp.stack([eb, et, ep, es], axis=1)
    weight = jax.random.uniform(ks[5], (E,), dtype=jnp.float32)
    position = jax.random.uniform(ks[6], (1, T, HW, 2), dtype=jnp.float32)
    s = 1.0 / np.sqrt(C)
    att_W = jax.random.normal(ks[7], (C, C), jnp.float32) * s
    att_b = jnp.zeros((C,), jnp.float32)
    norm_g = jnp.ones((C,), jnp.float32)
    norm_b = jnp.zeros((C,), jnp.float32)
    fuse_W = jax.random.normal(ks[8], (C, 2 * C), jnp.float32) * (1.0 / np.sqrt(2 * C))
    fuse_b = jnp.zeros((C,), jnp.float32)
    fn_g = jnp.ones((C,), jnp.float32)
    fn_b = jnp.zeros((C,), jnp.float32)
    d1_W = jax.random.normal(ks[9], (C, 2), jnp.float32) * (1.0 / np.sqrt(2))
    d1_b = jnp.zeros((C,), jnp.float32)
    d2_W = jax.random.normal(ks[10], (C, C), jnp.float32) * s
    d2_b = jnp.zeros((C,), jnp.float32)
    dn_g = jnp.ones((C,), jnp.float32)
    dn_b = jnp.zeros((C,), jnp.float32)
    return {"graph_feat": graph_feat, "edge": edge, "weight": weight, "position": position,
            "att_W": att_W, "att_b": att_b, "norm_g": norm_g, "norm_b": norm_b,
            "fuse_W": fuse_W, "fuse_b": fuse_b, "fn_g": fn_g, "fn_b": fn_b,
            "d1_W": d1_W, "d1_b": d1_b, "d2_W": d2_W, "d2_b": d2_b,
            "dn_g": dn_g, "dn_b": dn_b}


def reference(graph_feat, edge, weight, position, att_W, att_b, norm_g, norm_b,
              fuse_W, fuse_b, fn_g, fn_b, d1_W, d1_b, d2_W, d2_b, dn_g, dn_b):
    x = graph_feat.reshape(-1, C)
    pos = jnp.tile(position, (B, 1, 1, 1)).reshape(B * T * HW, -1)
    # edge_type == 'forward'
    flat_pre = edge[:, 0] * (T * HW) + edge[:, 1] * HW + edge[:, 2]
    flat_suc = edge[:, 0] * (T * HW) + (edge[:, 1] + 1) * HW + edge[:, 3]
    value = jnp.take(x, flat_pre, axis=0)
    pos_dist = jnp.take(pos, flat_suc, axis=0) - jnp.take(pos, flat_pre, axis=0)
    h = _lrelu(pos_dist @ d1_W.T + d1_b)
    h = h @ d2_W.T + d2_b
    dist_emb = _gn(h, dn_g, dn_b)
    att_result = (value + dist_emb) @ att_W.T + att_b
    copy = jnp.zeros((B * T * HW, C), x.dtype).at[flat_suc].add(att_result * weight[:, None])
    copy = _gn(copy, norm_g, norm_b)
    mask = jnp.zeros((B * T * HW,), dtype=bool).at[flat_suc].set(True)
    cat = jnp.concatenate([x, copy], axis=-1)
    fused = _lrelu(_gn(cat @ fuse_W.T + fuse_b, fn_g, fn_b))
    x = jnp.where(mask[:, None], fused, x)
    return x.reshape(B, T, HW, C)

if __name__ == "__main__":
    import jax
    _d = setup_inputs()
    print(jax.jit(kernel)(*tuple(_d.values())))

</pallas_src>

<mosaic_0001>
#map = affine_map<(d0, d1) -> (0, 0)>
#map1 = affine_map<(d0, d1) -> (0)>
module attributes {stable_mosaic.version = 14 : i64} {
  func.func @_sc_gather_body(%arg0: i32, %arg1: i32, %arg2: memref<50176x128xf32, #tpu.memory_space<hbm>>, %arg3: memref<25088xf32, #tpu.memory_space<hbm>>, %arg4: memref<503808xi32, #tpu.memory_space<hbm>>, %arg5: memref<503808xi32, #tpu.memory_space<hbm>>, %arg6: memref<503808xi32, #tpu.memory_space<hbm>>, %arg7: memref<503808x128xf32, #tpu.memory_space<hbm>>, %arg8: memref<503808xf32, #tpu.memory_space<hbm>>, %arg9: memref<503808xf32, #tpu.memory_space<hbm>>, %arg10: memref<25088xf32, #tpu.memory_space<vmem>>, %arg11: memref<128xi32, #tpu.memory_space<vmem>>, %arg12: memref<128xi32, #tpu.memory_space<vmem>>, %arg13: memref<128xi32, #tpu.memory_space<vmem>>, %arg14: memref<128x128xf32, #tpu.memory_space<vmem>>, %arg15: memref<128xf32, #tpu.memory_space<vmem>>, %arg16: memref<128xf32, #tpu.memory_space<vmem>>, %arg17: memref<!tpu.dma_semaphore, #tpu.memory_space<semaphore_mem>>) attributes {dimension_semantics = [#tpu.dimension_semantics<core_parallel>, #tpu.dimension_semantics<subcore_parallel>], iteration_bounds = array<i64: 2, 16>, scalar_prefetch = 0 : i64, scratch_operands = 8 : i64, tpu.core_type = #tpu.core_type<sc_vector_subcore>, window_params = [{transform_indices = #map}, {transform_indices = #map1}, {transform_indices = #map1}, {transform_indices = #map1}, {transform_indices = #map1}, {transform_indices = #map}, {transform_indices = #map1}, {transform_indices = #map1}]} {
    %mul3A = arith.constant 2 : i32
    %mul3A_0 = arith.muli %arg1, %mul3A : i32
    %add3A = arith.addi %mul3A_0, %arg0 : i32
    %mul3A_1 = arith.constant 15744 : i32
    %mul3A_2 = arith.muli %add3A, %mul3A_1 : i32
    "tpu.region"() ({
      %run_scoped3A = tpu.sem_alloc : memref<!tpu.dma_semaphore, #tpu.memory_space<semaphore_mem>>
      tpu.enqueue_dma source(%arg3 : memref<25088xf32, #tpu.memory_space<hbm>>) target(%arg10 : memref<25088xf32, #tpu.memory_space<vmem>>) target_semaphore(%run_scoped3A : memref<!tpu.dma_semaphore, #tpu.memory_space<semaphore_mem>>)
      tpu.wait_dma2 semaphore(%run_scoped3A : memref<!tpu.dma_semaphore, #tpu.memory_space<semaphore_mem>>) src(%arg3 : memref<25088xf32, #tpu.memory_space<hbm>>) dst(%arg10 : memref<25088xf32, #tpu.memory_space<vmem>>)
      tpu.yield
    }) : () -> ()
    %scan3A = arith.constant 0 : i32
    %scan3A_3 = arith.constant 0 : i32
    %scan3A_4 = arith.constant 123 : i32
    %scan3A_5 = arith.addi %scan3A_3, %scan3A_4 : i32
    %scan3A_6 = arith.constant 1 : i32
    scf.for %scan3A_8 = %scan3A_3 to %scan3A_5 step %scan3A_6  : i32 {
      %mul3A_9 = arith.constant 128 : i32
      %mul3A_10 = arith.muli %scan3A_8, %mul3A_9 : i32
      %add3A_11 = arith.addi %mul3A_2, %mul3A_10 : i32
      "tpu.region"() ({
        %run_scoped3A = tpu.sem_alloc : memref<!tpu.dma_semaphore, #tpu.memory_space<semaphore_mem>>
        %dma_start3A_220 = tpu.memref_slice %arg4[%add3A_11] : memref<503808xi32, #tpu.memory_space<hbm>> -> memref<128xi32, #tpu.memory_space<hbm>>
        %dma_start3A_221 = tpu.memref_slice %arg4[%add3A_11] : memref<503808xi32, #tpu.memory_space<hbm>> -> memref<128xi32, #tpu.memory_space<hbm>>
        tpu.enqueue_dma source(%dma_start3A_221 : memref<128xi32, #tpu.memory_space<hbm>>) target(%arg11 : memref<128xi32, #tpu.memory_space<vmem>>) target_semaphore(%run_scoped3A : memref<!tpu.dma_semaphore, #tpu.memory_space<semaphore_mem>>)
        %dma_wait3A_222 = tpu.memref_slice %arg4[%add3A_11] : memref<503808xi32, #tpu.memory_space<hbm>> -> memref<128xi32, #tpu.memory_space<hbm>>
        %dma_wait3A_223 = tpu.memref_slice %arg4[%add3A_11] : memref<503808xi32, #tpu.memory_space<hbm>> -> memref<128xi32, #tpu.memory_space<hbm>>
        tpu.wait_dma2 semaphore(%run_scoped3A : memref<!tpu.dma_semaphore, #tpu.memory_space<semaphore_mem>>) src(%dma_wait3A_223 : memref<128xi32, #tpu.memory_space<hbm>>) dst(%arg11 : memref<128xi32, #tpu.memory_space<vmem>>)
        tpu.yield
      }) : () -> ()
      "tpu.region"() ({
        %run_scoped3A = tpu.sem_alloc : memref<!tpu.dma_semaphore, #tpu.memory_space<semaphore_mem>>
        %dma_start3A_220 = tpu.memref_slice %arg5[%add3A_11] : memref<503808xi32, #tpu.memory_space<hbm>> -> memref<128xi32, #tpu.memory_space<hbm>>
        %dma_start3A_221 = tpu.memref_slice %arg5[%add3A_11] : memref<503808xi32, #tpu.memory_space<hbm>> -> memref<128xi32, #tpu.memory_space<hbm>>
        tpu.enqueue_dma source(%dma_start3A_221 : memref<128xi32, #tpu.memory_space<hbm>>) target(%arg12 : memref<128xi32, #tpu.memory_space<vmem>>) target_semaphore(%run_scoped3A : memref<!tpu.dma_semaphore, #tpu.memory_space<semaphore_mem>>)
        %dma_wait3A_222 = tpu.memref_slice %arg5[%add3A_11] : memref<503808xi32, #tpu.memory_space<hbm>> -> memref<128xi32, #tpu.memory_space<hbm>>
        %dma_wait3A_223 = tpu.memref_slice %arg5[%add3A_11] : memref<503808xi32, #tpu.memory_space<hbm>> -> memref<128xi32, #tpu.memory_space<hbm>>
        tpu.wait_dma2 semaphore(%run_scoped3A : memref<!tpu.dma_semaphore, #tpu.memory_space<semaphore_mem>>) src(%dma_wait3A_223 : memref<128xi32, #tpu.memory_space<hbm>>) dst(%arg12 : memref<128xi32, #tpu.memory_space<vmem>>)
        tpu.yield
      }) : () -> ()
      "tpu.region"() ({
        %run_scoped3A = tpu.sem_alloc : memref<!tpu.dma_semaphore, #tpu.memory_space<semaphore_mem>>
        %dma_start3A_220 = tpu.memref_slice %arg6[%add3A_11] : memref<503808xi32, #tpu.memory_space<hbm>> -> memref<128xi32, #tpu.memory_space<hbm>>
        %dma_start3A_221 = tpu.memref_slice %arg6[%add3A_11] : memref<503808xi32, #tpu.memory_space<hbm>> -> memref<128xi32, #tpu.memory_space<hbm>>
        tpu.enqueue_dma source(%dma_start3A_221 : memref<128xi32, #tpu.memory_space<hbm>>) target(%arg13 : memref<128xi32, #tpu.memory_space<vmem>>) target_semaphore(%run_scoped3A : memref<!tpu.dma_semaphore, #tpu.memory_space<semaphore_mem>>)
        %dma_wait3A_222 = tpu.memref_slice %arg6[%add3A_11] : memref<503808xi32, #tpu.memory_space<hbm>> -> memref<128xi32, #tpu.memory_space<hbm>>
        %dma_wait3A_223 = tpu.memref_slice %arg6[%add3A_11] : memref<503808xi32, #tpu.memory_space<hbm>> -> memref<128xi32, #tpu.memory_space<hbm>>
        tpu.wait_dma2 semaphore(%run_scoped3A : memref<!tpu.dma_semaphore, #tpu.memory_space<semaphore_mem>>) src(%dma_wait3A_223 : memref<128xi32, #tpu.memory_space<hbm>>) dst(%arg13 : memref<128xi32, #tpu.memory_space<vmem>>)
        tpu.yield
      }) : () -> ()
      %dma_start3A = arith.constant 0 : i32
      %dma_start3A_12 = arith.constant 0 : i32
      %dma_start3A_13 = tpu.memref_slice %arg2[%dma_start3A, %dma_start3A_12] : memref<50176x128xf32, #tpu.memory_space<hbm>> -> memref<50176x128xf32, #tpu.memory_space<hbm>>
      tpu.enqueue_indirect_dma source(%dma_start3A_13 : memref<50176x128xf32, #tpu.memory_space<hbm>>) target(%arg14 : memref<128x128xf32, #tpu.memory_space<vmem>>) offsets(%arg11 : memref<128xi32, #tpu.memory_space<vmem>>) semaphore(%arg17 : memref<!tpu.dma_semaphore, #tpu.memory_space<semaphore_mem>>)
      %get3A = arith.constant 0 : index
      %get3A_14 = tpu.vector_load %arg12[%get3A] {strides = array<i32>} : memref<128xi32, #tpu.memory_space<vmem>>, vector<16xi32>,
      %mul3A_15 = arith.constant 2 : i32
      %mul3A_16 = vector.broadcast %mul3A_15 : i32 to vector<16xi32>
      %mul3A_17 = arith.muli %get3A_14, %mul3A_16 : vector<16xi32>
      %get3A_18 = arith.constant 0 : index
      %get3A_19 = tpu.vector_load %arg13[%get3A_18] {strides = array<i32>} : memref<128xi32, #tpu.memory_space<vmem>>, vector<16xi32>,
      %mul3A_20 = arith.constant 2 : i32
      %mul3A_21 = vector.broadcast %mul3A_20 : i32 to vector<16xi32>
      %mul3A_22 = arith.muli %get3A_19, %mul3A_21 : vector<16xi32>
      %gather3A = tpu.vector_load_idx %arg10[%mul3A_17] : memref<25088xf32, #tpu.memory_space<vmem>>[vector<16xi32>], vector<16xf32>,
      %add3A_23 = arith.constant 1 : i32
      %add3A_24 = vector.broadcast %add3A_23 : i32 to vector<16xi32>
      %add3A_25 = arith.addi %mul3A_17, %add3A_24 : vector<16xi32>
      %gather3A_26 = tpu.vector_load_idx %arg10[%add3A_25] : memref<25088xf32, #tpu.memory_space<vmem>>[vector<16xi32>], vector<16xf32>,
      %gather3A_27 = tpu.vector_load_idx %arg10[%mul3A_22] : memref<25088xf32, #tpu.memory_space<vmem>>[vector<16xi32>], vector<16xf32>,
      %add3A_28 = arith.constant 1 : i32
      %add3A_29 = vector.broadcast %add3A_28 : i32 to vector<16xi32>
      %add3A_30 = arith.addi %mul3A_22, %add3A_29 : vector<16xi32>
      %gather3A_31 = tpu.vector_load_idx %arg10[%add3A_30] : memref<25088xf32, #tpu.memory_space<vmem>>[vector<16xi32>], vector<16xf32>,
      %sub3A = arith.subf %gather3A_27, %gather3A : vector<16xf32>
      %swap3A = arith.constant 0 : index
      %swap3A_32 = tpu.vector_load %arg15[%swap3A] {strides = array<i32>} : memref<128xf32, #tpu.memory_space<vmem>>, vector<16xf32>,
      tpu.vector_store %arg15[%swap3A], %sub3A {strides = array<i32>} : memref<128xf32, #tpu.memory_space<vmem>>, vector<16xf32>,
      %sub3A_33 = arith.subf %gather3A_31, %gather3A_26 : vector<16xf32>
      %swap3A_34 = arith.constant 0 : index
      %swap3A_35 = tpu.vector_load %arg16[%swap3A_34] {strides = array<i32>} : memref<128xf32, #tpu.memory_space<vmem>>, vector<16xf32>,
      tpu.vector_store %arg16[%swap3A_34], %sub3A_33 {strides = array<i32>} : memref<128xf32, #tpu.memory_space<vmem>>, vector<16xf32>,
      %get3A_36 = arith.constant 16 : index
      %get3A_37 = tpu.vector_load %arg12[%get3A_36] {strides = array<i32>} : memref<128xi32, #tpu.memory_space<vmem>>, vector<16xi32>,
      %mul3A_38 = arith.constant 2 : i32
      %mul3A_39 = vector.broadcast %mul3A_38 : i32 to vector<16xi32>
      %mul3A_40 = arith.muli %get3A_37, %mul3A_39 : vector<16xi32>
      %get3A_41 = arith.constant 16 : index
      %get3A_42 = tpu.vector_load %arg13[%get3A_41] {strides = array<i32>} : memref<128xi32, #tpu.memory_space<vmem>>, vector<16xi32>,
      %mul3A_43 = arith.constant 2 : i32
      %mul3A_44 = vector.broadcast %mul3A_43 : i32 to vector<16xi32>
      %mul3A_45 = arith.muli %get3A_42, %mul3A_44 : vector<16xi32>
      %gather3A_46 = tpu.vector_load_idx %arg10[%mul3A_40] : memref<25088xf32, #tpu.memory_space<vmem>>[vector<16xi32>], vector<16xf32>,
      %add3A_47 = arith.constant 1 : i32
      %add3A_48 = vector.broadcast %add3A_47 : i32 to vector<16xi32>
      %add3A_49 = arith.addi %mul3A_40, %add3A_48 : vector<16xi32>
      %gather3A_50 = tpu.vector_load_idx %arg10[%add3A_49] : memref<25088xf32, #tpu.memory_space<vmem>>[vector<16xi32>], vector<16xf32>,
      %gather3A_51 = tpu.vector_load_idx %arg10[%mul3A_45] : memref<25088xf32, #tpu.memory_space<vmem>>[vector<16xi32>], vector<16xf32>,
      %add3A_52 = arith.constant 1 : i32
      %add3A_53 = vector.broadcast %add3A_52 : i32 to vector<16xi32>
      %add3A_54 = arith.addi %mul3A_45, %add3A_53 : vector<16xi32>
      %gather3A_55 = tpu.vector_load_idx %arg10[%add3A_54] : memref<25088xf32, #tpu.memory_space<vmem>>[vector<16xi32>], vector<16xf32>,
      %sub3A_56 = arith.subf %gather3A_51, %gather3A_46 : vector<16xf32>
      %swap3A_57 = arith.constant 16 : index
      %swap3A_58 = tpu.vector_load %arg15[%swap3A_57] {strides = array<i32>} : memref<128xf32, #tpu.memory_space<vmem>>, vector<16xf32>,
      tpu.vector_store %arg15[%swap3A_57], %sub3A_56 {strides = array<i32>} : memref<128xf32, #tpu.memory_space<vmem>>, vector<16xf32>,
      %sub3A_59 = arith.subf %gather3A_55, %gather3A_50 : vector<16xf32>
      %swap3A_60 = arith.constant 16 : index
      %swap3A_61 = tpu.vector_load %arg16[%swap3A_60] {strides = array<i32>} : memref<128xf32, #tpu.memory_space<vmem>>, vector<16xf32>,
      tpu.vector_store %arg16[%swap3A_60], %sub3A_59 {strides = array<i32>} : memref<128xf32, #tpu.memory_space<vmem>>, vector<16xf32>,
      %get3A_62 = arith.constant 32 : index
      %get3A_63 = tpu.vector_load %arg12[%get3A_62] {strides = array<i32>} : memref<128xi32, #tpu.memory_space<vmem>>, vector<16xi32>,
      %mul3A_64 = arith.constant 2 : i32
      %mul3A_65 = vector.broadcast %mul3A_64 : i32 to vector<16xi32>
      %mul3A_66 = arith.muli %get3A_63, %mul3A_65 : vector<16xi32>
      %get3A_67 = arith.constant 32 : index
      %get3A_68 = tpu.vector_load %arg13[%get3A_67] {strides = array<i32>} : memref<128xi32, #tpu.memory_space<vmem>>, vector<16xi32>,
      %mul3A_69 = arith.constant 2 : i32
      %mul3A_70 = vector.broadcast %mul3A_69 : i32 to vector<16xi32>
      %mul3A_71 = arith.muli %get3A_68, %mul3A_70 : vector<16xi32>
      %gather3A_72 = tpu.vector_load_idx %arg10[%mul3A_66] : memref<25088xf32, #tpu.memory_space<vmem>>[vector<16xi32>], vector<16xf32>,
      %add3A_73 = arith.constant 1 : i32
      %add3A_74 = vector.broadcast %add3A_73 : i32 to vector<16xi32>
      %add3A_75 = arith.addi %mul3A_66, %add3A_74 : vector<16xi32>
      %gather3A_76 = tpu.vector_load_idx %arg10[%add3A_75] : memref<25088xf32, #tpu.memory_space<vmem>>[vector<16xi32>], vector<16xf32>,
      %gather3A_77 = tpu.vector_load_idx %arg10[%mul3A_71] : memref<25088xf32, #tpu.memory_space<vmem>>[vector<16xi32>], vector<16xf32>,
      %add3A_78 = arith.constant 1 : i32
      %add3A_79 = vector.broadcast %add3A_78 : i32 to vector<16xi32>
      %add3A_80 = arith.addi %mul3A_71, %add3A_79 : vector<16xi32>
      %gather3A_81 = tpu.vector_load_idx %arg10[%add3A_80] : memref<25088xf32, #tpu.memory_space<vmem>>[vector<16xi32>], vector<16xf32>,
      %sub3A_82 = arith.subf %gather3A_77, %gather3A_72 : vector<16xf32>
      %swap3A_83 = arith.constant 32 : index
      %swap3A_84 = tpu.vector_load %arg15[%swap3A_83] {strides = array<i32>} : memref<128xf32, #tpu.memory_space<vmem>>, vector<16xf32>,
      tpu.vector_store %arg15[%swap3A_83], %sub3A_82 {strides = array<i32>} : memref<128xf32, #tpu.memory_space<vmem>>, vector<16xf32>,
      %sub3A_85 = arith.subf %gather3A_81, %gather3A_76 : vector<16xf32>
      %swap3A_86 = arith.constant 32 : index
      %swap3A_87 = tpu.vector_load %arg16[%swap3A_86] {strides = array<i32>} : memref<128xf32, #tpu.memory_space<vmem>>, vector<16xf32>,
      tpu.vector_store %arg16[%swap3A_86], %sub3A_85 {strides = array<i32>} : memref<128xf32, #tpu.memory_space<vmem>>, vector<16xf32>,
      %get3A_88 = arith.constant 48 : index
      %get3A_89 = tpu.vector_load %arg12[%get3A_88] {strides = array<i32>} : memref<128xi32, #tpu.memory_space<vmem>>, vector<16xi32>,
      %mul3A_90 = arith.constant 2 : i32
      %mul3A_91 = vector.broadcast %mul3A_90 : i32 to vector<16xi32>
      %mul3A_92 = arith.muli %get3A_89, %mul3A_91 : vector<16xi32>
      %get3A_93 = arith.constant 48 : index
      %get3A_94 = tpu.vector_load %arg13[%get3A_93] {strides = array<i32>} : memref<128xi32, #tpu.memory_space<vmem>>, vector<16xi32>,
      %mul3A_95 = arith.constant 2 : i32
      %mul3A_96 = vector.broadcast %mul3A_95 : i32 to vector<16xi32>
      %mul3A_97 = arith.muli %get3A_94, %mul3A_96 : vector<16xi32>
      %gather3A_98 = tpu.vector_load_idx %arg10[%mul3A_92] : memref<25088xf32, #tpu.memory_space<vmem>>[vector<16xi32>], vector<16xf32>,
      %add3A_99 = arith.constant 1 : i32
      %add3A_100 = vector.broadcast %add3A_99 : i32 to vector<16xi32>
      %add3A_101 = arith.addi %mul3A_92, %add3A_100 : vector<16xi32>
      %gather3A_102 = tpu.vector_load_idx %arg10[%add3A_101] : memref<25088xf32, #tpu.memory_space<vmem>>[vector<16xi32>], vector<16xf32>,
      %gather3A_103 = tpu.vector_load_idx %arg10[%mul3A_97] : memref<25088xf32, #tpu.memory_space<vmem>>[vector<16xi32>], vector<16xf32>,
      %add3A_104 = arith.constant 1 : i32
      %add3A_105 = vector.broadcast %add3A_104 : i32 to vector<16xi32>
      %add3A_106 = arith.addi %mul3A_97, %add3A_105 : vector<16xi32>
      %gather3A_107 = tpu.vector_load_idx %arg10[%add3A_106] : memref<25088xf32, #tpu.memory_space<vmem>>[vector<16xi32>], vector<16xf32>,
      %sub3A_108 = arith.subf %gather3A_103, %gather3A_98 : vector<16xf32>
      %swap3A_109 = arith.constant 48 : index
      %swap3A_110 = tpu.vector_load %arg15[%swap3A_109] {strides = array<i32>} : memref<128xf32, #tpu.memory_space<vmem>>, vector<16xf32>,
      tpu.vector_store %arg15[%swap3A_109], %sub3A_108 {strides = array<i32>} : memref<128xf32, #tpu.memory_space<vmem>>, vector<16xf32>,
      %sub3A_111 = arith.subf %gather3A_107, %gather3A_102 : vector<16xf32>
      %swap3A_112 = arith.constant 48 : index
      %swap3A_113 = tpu.vector_load %arg16[%swap3A_112] {strides = array<i32>} : memref<128xf32, #tpu.memory_space<vmem>>, vector<16xf32>,
      tpu.vector_store %arg16[%swap3A_112], %sub3A_111 {strides = array<i32>} : memref<128xf32, #tpu.memory_space<vmem>>, vector<16xf32>,
      %get3A_114 = arith.constant 64 : index
      %get3A_115 = tpu.vector_load %arg12[%get3A_114] {strides = array<i32>} : memref<128xi32, #tpu.memory_space<vmem>>, vector<16xi32>,
      %mul3A_116 = arith.constant 2 : i32
      %mul3A_117 = vector.broadcast %mul3A_116 : i32 to vector<16xi32>
      %mul3A_118 = arith.muli %get3A_115, %mul3A_117 : vector<16xi32>
      %get3A_119 = arith.constant 64 : index
      %get3A_120 = tpu.vector_load %arg13[%get3A_119] {strides = array<i32>} : memref<128xi32, #tpu.memory_space<vmem>>, vector<16xi32>,
      %mul3A_121 = arith.constant 2 : i32
      %mul3A_122 = vector.broadcast %mul3A_121 : i32 to vector<16xi32>
      %mul3A_123 = arith.muli %get3A_120, %mul3A_122 : vector<16xi32>
      %gather3A_124 = tpu.vector_load_idx %arg10[%mul3A_118] : memref<25088xf32, #tpu.memory_space<vmem>>[vector<16xi32>], vector<16xf32>,
      %add3A_125 = arith.constant 1 : i32
      %add3A_126 = vector.broadcast %add3A_125 : i32 to vector<16xi32>
      %add3A_127 = arith.addi %mul3A_118, %add3A_126 : vector<16xi32>
      %gather3A_128 = tpu.vector_load_idx %arg10[%add3A_127] : memref<25088xf32, #tpu.memory_space<vmem>>[vector<16xi32>], vector<16xf32>,
      %gather3A_129 = tpu.vector_load_idx %arg10[%mul3A_123] : memref<25088xf32, #tpu.memory_space<vmem>>[vector<16xi32>], vector<16xf32>,
      %add3A_130 = arith.constant 1 : i32
      %add3A_131 = vector.broadcast %add3A_130 : i32 to vector<16xi32>
      %add3A_132 = arith.addi %mul3A_123, %add3A_131 : vector<16xi32>
      %gather3A_133 = tpu.vector_load_idx %arg10[%add3A_132] : memref<25088xf32, #tpu.memory_space<vmem>>[vector<16xi32>], vector<16xf32>,
      %sub3A_134 = arith.subf %gather3A_129, %gather3A_124 : vector<16xf32>
      %swap3A_135 = arith.constant 64 : index
      %swap3A_136 = tpu.vector_load %arg15[%swap3A_135] {strides = array<i32>} : memref<128xf32, #tpu.memory_space<vmem>>, vector<16xf32>,
      tpu.vector_store %arg15[%swap3A_135], %sub3A_134 {strides = array<i32>} : memref<128xf32, #tpu.memory_space<vmem>>, vector<16xf32>,
      %sub3A_137 = arith.subf %gather3A_133, %gather3A_128 : vector<16xf32>
      %swap3A_138 = arith.constant 64 : index
      %swap3A_139 = tpu.vector_load %arg16[%swap3A_138] {strides = array<i32>} : memref<128xf32, #tpu.memory_space<vmem>>, vector<16xf32>,
      tpu.vector_store %arg16[%swap3A_138], %sub3A_137 {strides = array<i32>} : memref<128xf32, #tpu.memory_space<vmem>>, vector<16xf32>,
      %get3A_140 = arith.constant 80 : index
      %get3A_141 = tpu.vector_load %arg12[%get3A_140] {strides = array<i32>} : memref<128xi32, #tpu.memory_space<vmem>>, vector<16xi32>,
      %mul3A_142 = arith.constant 2 : i32
      %mul3A_143 = vector.broadcast %mul3A_142 : i32 to vector<16xi32>
      %mul3A_144 = arith.muli %get3A_141, %mul3A_143 : vector<16xi32>
      %get3A_145 = arith.constant 80 : index
      %get3A_146 = tpu.vector_load %arg13[%get3A_145] {strides = array<i32>} : memref<128xi32, #tpu.memory_space<vmem>>, vector<16xi32>,
      %mul3A_147 = arith.constant 2 : i32
      %mul3A_148 = vector.broadcast %mul3A_147 : i32 to vector<16xi32>
      %mul3A_149 = arith.muli %get3A_146, %mul3A_148 : vector<16xi32>
      %gather3A_150 = tpu.vector_load_idx %arg10[%mul3A_144] : memref<25088xf32, #tpu.memory_space<vmem>>[vector<16xi32>], vector<16xf32>,
      %add3A_151 = arith.constant 1 : i32
      %add3A_152 = vector.broadcast %add3A_151 : i32 to vector<16xi32>
      %add3A_153 = arith.addi %mul3A_144, %add3A_152 : vector<16xi32>
      %gather3A_154 = tpu.vector_load_idx %arg10[%add3A_153] : memref<25088xf32, #tpu.memory_space<vmem>>[vector<16xi32>], vector<16xf32>,
      %gather3A_155 = tpu.vector_load_idx %arg10[%mul3A_149] : memref<25088xf32, #tpu.memory_space<vmem>>[vector<16xi32>], vector<16xf32>,
      %add3A_156 = arith.constant 1 : i32
      %add3A_157 = vector.broadcast %add3A_156 : i32 to vector<16xi32>
      %add3A_158 = arith.addi %mul3A_149, %add3A_157 : vector<16xi32>
      %gather3A_159 = tpu.vector_load_idx %arg10[%add3A_158] : memref<25088xf32, #tpu.memory_space<vmem>>[vector<16xi32>], vector<16xf32>,
      %sub3A_160 = arith.subf %gather3A_155, %gather3A_150 : vector<16xf32>
      %swap3A_161 = arith.constant 80 : index
      %swap3A_162 = tpu.vector_load %arg15[%swap3A_161] {strides = array<i32>} : memref<128xf32, #tpu.memory_space<vmem>>, vector<16xf32>,
      tpu.vector_store %arg15[%swap3A_161], %sub3A_160 {strides = array<i32>} : memref<128xf32, #tpu.memory_space<vmem>>, vector<16xf32>,
      %sub3A_163 = arith.subf %gather3A_159, %gather3A_154 : vector<16xf32>
      %swap3A_164 = arith.constant 80 : index
      %swap3A_165 = tpu.vector_load %arg16[%swap3A_164] {strides = array<i32>} : memref<128xf32, #tpu.memory_space<vmem>>, vector<16xf32>,
      tpu.vector_store %arg16[%swap3A_164], %sub3A_163 {strides = array<i32>} : memref<128xf32, #tpu.memory_space<vmem>>, vector<16xf32>,
      %get3A_166 = arith.constant 96 : index
      %get3A_167 = tpu.vector_load %arg12[%get3A_166] {strides = array<i32>} : memref<128xi32, #tpu.memory_space<vmem>>, vector<16xi32>,
      %mul3A_168 = arith.constant 2 : i32
      %mul3A_169 = vector.broadcast %mul3A_168 : i32 to vector<16xi32>
      %mul3A_170 = arith.muli %get3A_167, %mul3A_169 : vector<16xi32>
      %get3A_171 = arith.constant 96 : index
      %get3A_172 = tpu.vector_load %arg13[%get3A_171] {strides = array<i32>} : memref<128xi32, #tpu.memory_space<vmem>>, vector<16xi32>,
      %mul3A_173 = arith.constant 2 : i32
      %mul3A_174 = vector.broadcast %mul3A_173 : i32 to vector<16xi32>
      %mul3A_175 = arith.muli %get3A_172, %mul3A_174 : vector<16xi32>
      %gather3A_176 = tpu.vector_load_idx %arg10[%mul3A_170] : memref<25088xf32, #tpu.memory_space<vmem>>[vector<16xi32>], vector<16xf32>,
      %add3A_177 = arith.constant 1 : i32
      %add3A_178 = vector.broadcast %add3A_177 : i32 to vector<16xi32>
      %add3A_179 = arith.addi %mul3A_170, %add3A_178 : vector<16xi32>
      %gather3A_180 = tpu.vector_load_idx %arg10[%add3A_179] : memref<25088xf32, #tpu.memory_space<vmem>>[vector<16xi32>], vector<16xf32>,
      %gather3A_181 = tpu.vector_load_idx %arg10[%mul3A_175] : memref<25088xf32, #tpu.memory_space<vmem>>[vector<16xi32>], vector<16xf32>,
      %add3A_182 = arith.constant 1 : i32
      %add3A_183 = vector.broadcast %add3A_182 : i32 to vector<16xi32>
      %add3A_184 = arith.addi %mul3A_175, %add3A_183 : vector<16xi32>
      %gather3A_185 = tpu.vector_load_idx %arg10[%add3A_184] : memref<25088xf32, #tpu.memory_space<vmem>>[vector<16xi32>], vector<16xf32>,
      %sub3A_186 = arith.subf %gather3A_181, %gather3A_176 : vector<16xf32>
      %swap3A_187 = arith.constant 96 : index
      %swap3A_188 = tpu.vector_load %arg15[%swap3A_187] {strides = array<i32>} : memref<128xf32, #tpu.memory_space<vmem>>, vector<16xf32>,
      tpu.vector_store %arg15[%swap3A_187], %sub3A_186 {strides = array<i32>} : memref<128xf32, #tpu.memory_space<vmem>>, vector<16xf32>,
      %sub3A_189 = arith.subf %gather3A_185, %gather3A_180 : vector<16xf32>
      %swap3A_190 = arith.constant 96 : index
      %swap3A_191 = tpu.vector_load %arg16[%swap3A_190] {strides = array<i32>} : memref<128xf32, #tpu.memory_space<vmem>>, vector<16xf32>,
      tpu.vector_store %arg16[%swap3A_190], %sub3A_189 {strides = array<i32>} : memref<128xf32, #tpu.memory_space<vmem>>, vector<16xf32>,
      %get3A_192 = arith.constant 112 : index
      %get3A_193 = tpu.vector_load %arg12[%get3A_192] {strides = array<i32>} : memref<128xi32, #tpu.memory_space<vmem>>, vector<16xi32>,
      %mul3A_194 = arith.constant 2 : i32
      %mul3A_195 = vector.broadcast %mul3A_194 : i32 to vector<16xi32>
      %mul3A_196 = arith.muli %get3A_193, %mul3A_195 : vector<16xi32>
      %get3A_197 = arith.constant 112 : index
      %get3A_198 = tpu.vector_load %arg13[%get3A_197] {strides = array<i32>} : memref<128xi32, #tpu.memory_space<vmem>>, vector<16xi32>,
      %mul3A_199 = arith.constant 2 : i32
      %mul3A_200 = vector.broadcast %mul3A_199 : i32 to vector<16xi32>
      %mul3A_201 = arith.muli %get3A_198, %mul3A_200 : vector<16xi32>
      %gather3A_202 = tpu.vector_load_idx %arg10[%mul3A_196] : memref<25088xf32, #tpu.memory_space<vmem>>[vector<16xi32>], vector<16xf32>,
      %add3A_203 = arith.constant 1 : i32
      %add3A_204 = vector.broadcast %add3A_203 : i32 to vector<16xi32>
      %add3A_205 = arith.addi %mul3A_196, %add3A_204 : vector<16xi32>
      %gather3A_206 = tpu.vector_load_idx %arg10[%add3A_205] : memref<25088xf32, #tpu.memory_space<vmem>>[vector<16xi32>], vector<16xf32>,
      %gather3A_207 = tpu.vector_load_idx %arg10[%mul3A_201] : memref<25088xf32, #tpu.memory_space<vmem>>[vector<16xi32>], vector<16xf32>,
      %add3A_208 = arith.constant 1 : i32
      %add3A_209 = vector.broadcast %add3A_208 : i32 to vector<16xi32>
      %add3A_210 = arith.addi %mul3A_201, %add3A_209 : vector<16xi32>
      %gather3A_211 = tpu.vector_load_idx %arg10[%add3A_210] : memref<25088xf32, #tpu.memory_space<vmem>>[vector<16xi32>], vector<16xf32>,
      %sub3A_212 = arith.subf %gather3A_207, %gather3A_202 : vector<16xf32>
      %swap3A_213 = arith.constant 112 : index
      %swap3A_214 = tpu.vector_load %arg15[%swap3A_213] {strides = array<i32>} : memref<128xf32, #tpu.memory_space<vmem>>, vector<16xf32>,
      tpu.vector_store %arg15[%swap3A_213], %sub3A_212 {strides = array<i32>} : memref<128xf32, #tpu.memory_space<vmem>>, vector<16xf32>,
      %sub3A_215 = arith.subf %gather3A_211, %gather3A_206 : vector<16xf32>
      %swap3A_216 = arith.constant 112 : index
      %swap3A_217 = tpu.vector_load %arg16[%swap3A_216] {strides = array<i32>} : memref<128xf32, #tpu.memory_space<vmem>>, vector<16xf32>,
      tpu.vector_store %arg16[%swap3A_216], %sub3A_215 {strides = array<i32>} : memref<128xf32, #tpu.memory_space<vmem>>, vector<16xf32>,
      "tpu.region"() ({
        %run_scoped3A = tpu.sem_alloc : memref<!tpu.dma_semaphore, #tpu.memory_space<semaphore_mem>>
        %dma_start3A_220 = tpu.memref_slice %arg8[%add3A_11] : memref<503808xf32, #tpu.memory_space<hbm>> -> memref<128xf32, #tpu.memory_space<hbm>>
        %dma_start3A_221 = tpu.memref_slice %arg8[%add3A_11] : memref<503808xf32, #tpu.memory_space<hbm>> -> memref<128xf32, #tpu.memory_space<hbm>>
        tpu.enqueue_dma source(%arg15 : memref<128xf32, #tpu.memory_space<vmem>>) target(%dma_start3A_221 : memref<128xf32, #tpu.memory_space<hbm>>) target_semaphore(%run_scoped3A : memref<!tpu.dma_semaphore, #tpu.memory_space<semaphore_mem>>)
        %dma_wait3A_222 = tpu.memref_slice %arg8[%add3A_11] : memref<503808xf32, #tpu.memory_space<hbm>> -> memref<128xf32, #tpu.memory_space<hbm>>
        %dma_wait3A_223 = tpu.memref_slice %arg8[%add3A_11] : memref<503808xf32, #tpu.memory_space<hbm>> -> memref<128xf32, #tpu.memory_space<hbm>>
        tpu.wait_dma2 semaphore(%run_scoped3A : memref<!tpu.dma_semaphore, #tpu.memory_space<semaphore_mem>>) src(%arg15 : memref<128xf32, #tpu.memory_space<vmem>>) dst(%dma_wait3A_223 : memref<128xf32, #tpu.memory_space<hbm>>)
        tpu.yield
      }) : () -> ()
      "tpu.region"() ({
        %run_scoped3A = tpu.sem_alloc : memref<!tpu.dma_semaphore, #tpu.memory_space<semaphore_mem>>
        %dma_start3A_220 = tpu.memref_slice %arg9[%add3A_11] : memref<503808xf32, #tpu.memory_space<hbm>> -> memref<128xf32, #tpu.memory_space<hbm>>
        %dma_start3A_221 = tpu.memref_slice %arg9[%add3A_11] : memref<503808xf32, #tpu.memory_space<hbm>> -> memref<128xf32, #tpu.memory_space<hbm>>
        tpu.enqueue_dma source(%arg16 : memref<128xf32, #tpu.memory_space<vmem>>) target(%dma_start3A_221 : memref<128xf32, #tpu.memory_space<hbm>>) target_semaphore(%run_scoped3A : memref<!tpu.dma_semaphore, #tpu.memory_space<semaphore_mem>>)
        %dma_wait3A_222 = tpu.memref_slice %arg9[%add3A_11] : memref<503808xf32, #tpu.memory_space<hbm>> -> memref<128xf32, #tpu.memory_space<hbm>>
        %dma_wait3A_223 = tpu.memref_slice %arg9[%add3A_11] : memref<503808xf32, #tpu.memory_space<hbm>> -> memref<128xf32, #tpu.memory_space<hbm>>
        tpu.wait_dma2 semaphore(%run_scoped3A : memref<!tpu.dma_semaphore, #tpu.memory_space<semaphore_mem>>) src(%arg16 : memref<128xf32, #tpu.memory_space<vmem>>) dst(%dma_wait3A_223 : memref<128xf32, #tpu.memory_space<hbm>>)
        tpu.yield
      }) : () -> ()
      %dma_wait3A = arith.constant 0 : i32
      %dma_wait3A_218 = arith.constant 0 : i32
      %dma_wait3A_219 = tpu.memref_slice %arg2[%dma_wait3A, %dma_wait3A_218] : memref<50176x128xf32, #tpu.memory_space<hbm>> -> memref<50176x128xf32, #tpu.memory_space<hbm>>
      tpu.wait_indirect_dma semaphore(%arg17 : memref<!tpu.dma_semaphore, #tpu.memory_space<semaphore_mem>>) src(%dma_wait3A_219 : memref<50176x128xf32, #tpu.memory_space<hbm>>) dst(%arg14 : memref<128x128xf32, #tpu.memory_space<vmem>>)
      "tpu.region"() ({
        %run_scoped3A = tpu.sem_alloc : memref<!tpu.dma_semaphore, #tpu.memory_space<semaphore_mem>>
        %dma_start3A_220 = arith.constant 0 : i32
        %dma_start3A_221 = tpu.memref_slice %arg7[%add3A_11, %dma_start3A_220] : memref<503808x128xf32, #tpu.memory_space<hbm>> -> memref<128x128xf32, #tpu.memory_space<hbm>>
        %dma_start3A_222 = arith.constant 0 : i32
        %dma_start3A_223 = tpu.memref_slice %arg7[%add3A_11, %dma_start3A_222] : memref<503808x128xf32, #tpu.memory_space<hbm>> -> memref<128x128xf32, #tpu.memory_space<hbm>>
        tpu.enqueue_dma source(%arg14 : memref<128x128xf32, #tpu.memory_space<vmem>>) target(%dma_start3A_223 : memref<128x128xf32, #tpu.memory_space<hbm>>) target_semaphore(%run_scoped3A : memref<!tpu.dma_semaphore, #tpu.memory_space<semaphore_mem>>)
        %dma_wait3A_224 = arith.constant 0 : i32
        %dma_wait3A_225 = tpu.memref_slice %arg7[%add3A_11, %dma_wait3A_224] : memref<503808x128xf32, #tpu.memory_space<hbm>> -> memref<128x128xf32, #tpu.memory_space<hbm>>
        %dma_wait3A_226 = arith.constant 0 : i32
        %dma_wait3A_227 = tpu.memref_slice %arg7[%add3A_11, %dma_wait3A_226] : memref<503808x128xf32, #tpu.memory_space<hbm>> -> memref<128x128xf32, #tpu.memory_space<hbm>>
        tpu.wait_dma2 semaphore(%run_scoped3A : memref<!tpu.dma_semaphore, #tpu.memory_space<semaphore_mem>>) src(%arg14 : memref<128x128xf32, #tpu.memory_space<vmem>>) dst(%dma_wait3A_227 : memref<128x128xf32, #tpu.memory_space<hbm>>)
        tpu.yield
      }) : () -> ()
    }
    %scan3A_7 = arith.constant 123 : i32
    return
  }
}

module attributes {stable_mosaic.version = 14 : i64} {
  func.func @_tc_edge_body(%arg0: i32, %arg1: memref<1024x128xf32, #tpu.memory_space<vmem>>, %arg2: memref<1024x1xf32, #tpu.memory_space<vmem>>, %arg3: memref<1024x1xf32, #tpu.memory_space<vmem>>, %arg4: memref<1024x1xf32, #tpu.memory_space<vmem>>, %arg5: memref<2x128xf32, #tpu.memory_space<vmem>>, %arg6: memref<1x128xf32, #tpu.memory_space<vmem>>, %arg7: memref<128x128xf32, #tpu.memory_space<vmem>>, %arg8: memref<1x128xf32, #tpu.memory_space<vmem>>, %arg9: memref<1x128xf32, #tpu.memory_space<vmem>>, %arg10: memref<1x128xf32, #tpu.memory_space<vmem>>, %arg11: memref<1024x128xf32, #tpu.memory_space<vmem>>, %arg12: memref<1024x32xf32, #tpu.memory_space<vmem>>) attributes {dimension_semantics = [#tpu.dimension_semantics<arbitrary>], iteration_bounds = array<i64: 492>, scalar_prefetch = 0 : i64, scratch_operands = 0 : i64, tpu.core_type = #tpu.core_type<tc>, window_params = [{transform_indices = @transform_0, window_bounds = array<i64: 1024, 128>}, {transform_indices = @transform_1, window_bounds = array<i64: 1024, 1>}, {transform_indices = @transform_2, window_bounds = array<i64: 1024, 1>}, {transform_indices = @transform_3, window_bounds = array<i64: 1024, 1>}, {pipeline_mode = #tpu.pipeline_mode<synchronous>, transform_indices = @transform_4, window_bounds = array<i64: 2, 128>}, {pipeline_mode = #tpu.pipeline_mode<synchronous>, transform_indices = @transform_5, window_bounds = array<i64: 1, 128>}, {pipeline_mode = #tpu.pipeline_mode<synchronous>, transform_indices = @transform_6, window_bounds = array<i64: 128, 128>}, {pipeline_mode = #tpu.pipeline_mode<synchronous>, transform_indices = @transform_7, window_bounds = array<i64: 1, 128>}, {pipeline_mode = #tpu.pipeline_mode<synchronous>, transform_indices = @transform_8, window_bounds = array<i64: 1, 128>}, {pipeline_mode = #tpu.pipeline_mode<synchronous>, transform_indices = @transform_9, window_bounds = array<i64: 1, 128>}, {transform_indices = @transform_10, window_bounds = array<i64: 1024, 128>}, {transform_indices = @transform_11, window_bounds = array<i64: 1024, 32>}]} {
    %get3A = arith.constant 0 : index
    %get3A_0 = arith.constant 0 : index
    %get3A_1 = vector.load %arg2[%get3A, %get3A_0] : memref<1024x1xf32, #tpu.memory_space<vmem>>, vector<1024x1xf32>
    %get3A_2 = arith.constant 0 : index
    %get3A_3 = arith.constant 0 : index
    %get3A_4 = vector.load %arg3[%get3A_2, %get3A_3] : memref<1024x1xf32, #tpu.memory_space<vmem>>, vector<1024x1xf32>
    %get3A_5 = arith.constant 0 : index
    %get3A_6 = arith.constant 0 : index
    %get3A_7 = vector.load %arg5[%get3A_5, %get3A_6] : memref<2x128xf32, #tpu.memory_space<vmem>>, vector<1x128xf32>
    %mul3A = vector.broadcast %get3A_1 : vector<1024x1xf32> to vector<1024x128xf32>
    %mul3A_8 = vector.broadcast %get3A_7 : vector<1x128xf32> to vector<1024x128xf32>
    %mul3A_9 = arith.mulf %mul3A, %mul3A_8 : vector<1024x128xf32>
    %get3A_10 = arith.constant 1 : index
    %get3A_11 = arith.constant 0 : index
    %get3A_12 = vector.load %arg5[%get3A_10, %get3A_11] : memref<2x128xf32, #tpu.memory_space<vmem>>, vector<1x128xf32>
    %mul3A_13 = vector.broadcast %get3A_4 : vector<1024x1xf32> to vector<1024x128xf32>
    %mul3A_14 = vector.broadcast %get3A_12 : vector<1x128xf32> to vector<1024x128xf32>
    %mul3A_15 = arith.mulf %mul3A_13, %mul3A_14 : vector<1024x128xf32>
    %add3A = arith.addf %mul3A_9, %mul3A_15 : vector<1024x128xf32>
    %get3A_16 = arith.constant 0 : index
    %get3A_17 = arith.constant 0 : index
    %get3A_18 = vector.load %arg6[%get3A_16, %get3A_17] : memref<1x128xf32, #tpu.memory_space<vmem>>, vector<1x128xf32>
    %add3A_19 = vector.broadcast %get3A_18 : vector<1x128xf32> to vector<1024x128xf32>
    %add3A_20 = arith.addf %add3A, %add3A_19 : vector<1024x128xf32>
    %ge3A = arith.constant 0.000000e+00 : f32
    %ge3A_21 = vector.broadcast %ge3A : f32 to vector<1024x128xf32>
    %ge3A_22 = arith.cmpf oge, %add3A_20, %ge3A_21 : vector<1024x128xf32>
    %mul3A_23 = arith.constant 0.00999999977 : f32
    %mul3A_24 = vector.broadcast %mul3A_23 : f32 to vector<1024x128xf32>
    %mul3A_25 = arith.mulf %mul3A_24, %add3A_20 : vector<1024x128xf32>
    %select_n3A = arith.select %ge3A_22, %add3A_20, %mul3A_25 : vector<1024x128xi1>, vector<1024x128xf32>
    %get3A_26 = arith.constant 0 : index
    %get3A_27 = arith.constant 0 : index
    %get3A_28 = vector.load %arg7[%get3A_26, %get3A_27] : memref<128x128xf32, #tpu.memory_space<vmem>>, vector<128x128xf32>
    %dot_general3A = arith.constant dense<0.000000e+00> : vector<1024x128xf32>
    %dot_general3A_29 = tpu.matmul %select_n3A, %get3A_28, %dot_general3A {dimension_numbers = #tpu.dot_dimension_numbers<[1], [0], [0], [1], [0, 0, 1, 1], [], []>, transpose_lhs_hint = false} : vector<1024x128xf32>, vector<128x128xf32>, vector<1024x128xf32> -> vector<1024x128xf32>
    %get3A_30 = arith.constant 0 : index
    %get3A_31 = arith.constant 0 : index
    %get3A_32 = vector.load %arg8[%get3A_30, %get3A_31] : memref<1x128xf32, #tpu.memory_space<vmem>>, vector<1x128xf32>
    %add3A_33 = vector.broadcast %get3A_32 : vector<1x128xf32> to vector<1024x128xf32>
    %add3A_34 = arith.addf %dot_general3A_29, %add3A_33 : vector<1024x128xf32>
    %get3A_35 = arith.constant 0 : index
    %get3A_36 = arith.constant 0 : index
    %get3A_37 = vector.load %arg9[%get3A_35, %get3A_36] : memref<1x128xf32, #tpu.memory_space<vmem>>, vector<1x128xf32>
    %get3A_38 = arith.constant 0 : index
    %get3A_39 = arith.constant 0 : index
    %get3A_40 = vector.load %arg10[%get3A_38, %get3A_39] : memref<1x128xf32, #tpu.memory_space<vmem>>, vector<1x128xf32>
    %reduce_sum3A = arith.constant dense<0.000000e+00> : vector<1024xf32>
    %reduce_sum3A_41 = vector.multi_reduction <add>, %add3A_34, %reduce_sum3A [1] : vector<1024x128xf32> to vector<1024xf32>
    %broadcast_in_dim3A = vector.shape_cast %reduce_sum3A_41 : vector<1024xf32> to vector<1024x1xf32>
    %div3A = arith.constant 1.280000e+02 : f32
    %div3A_42 = vector.broadcast %div3A : f32 to vector<1024x1xf32>
    %div3A_43 = arith.divf %broadcast_in_dim3A, %div3A_42 : vector<1024x1xf32>
    %sub3A = vector.broadcast %div3A_43 : vector<1024x1xf32> to vector<1024x128xf32>
    %sub3A_44 = arith.subf %add3A_34, %sub3A : vector<1024x128xf32>
    %integer_pow3A = arith.mulf %sub3A_44, %sub3A_44 : vector<1024x128xf32>
    %reduce_sum3A_45 = arith.constant dense<0.000000e+00> : vector<1024xf32>
    %reduce_sum3A_46 = vector.multi_reduction <add>, %integer_pow3A, %reduce_sum3A_45 [1] : vector<1024x128xf32> to vector<1024xf32>
    %broadcast_in_dim3A_47 = vector.shape_cast %reduce_sum3A_46 : vector<1024xf32> to vector<1024x1xf32>
    %div3A_48 = arith.constant 1.280000e+02 : f32
    %div3A_49 = vector.broadcast %div3A_48 : f32 to vector<1024x1xf32>
    %div3A_50 = arith.divf %broadcast_in_dim3A_47, %div3A_49 : vector<1024x1xf32>
    %sub3A_51 = vector.broadcast %div3A_43 : vector<1024x1xf32> to vector<1024x128xf32>
    %sub3A_52 = arith.subf %add3A_34, %sub3A_51 : vector<1024x128xf32>
    %add3A_53 = arith.constant 9.99999974E-6 : f32
    %add3A_54 = vector.broadcast %add3A_53 : f32 to vector<1024x1xf32>
    %add3A_55 = arith.addf %div3A_50, %add3A_54 : vector<1024x1xf32>
    %sqrt3A = math.sqrt %add3A_55 : vector<1024x1xf32>
    %div3A_56 = vector.broadcast %sqrt3A : vector<1024x1xf32> to vector<1024x128xf32>
    %div3A_57 = arith.divf %sub3A_52, %div3A_56 : vector<1024x128xf32>
    %mul3A_58 = vector.broadcast %get3A_37 : vector<1x128xf32> to vector<1024x128xf32>
    %mul3A_59 = arith.mulf %div3A_57, %mul3A_58 : vector<1024x128xf32>
    %add3A_60 = vector.broadcast %get3A_40 : vector<1x128xf32> to vector<1024x128xf32>
    %add3A_61 = arith.addf %mul3A_59, %add3A_60 : vector<1024x128xf32>
    %get3A_62 = arith.constant 0 : index
    %get3A_63 = arith.constant 0 : index
    %get3A_64 = vector.load %arg4[%get3A_62, %get3A_63] : memref<1024x1xf32, #tpu.memory_space<vmem>>, vector<1024x1xf32>
    %get3A_65 = arith.constant 0 : index
    %get3A_66 = arith.constant 0 : index
    %get3A_67 = vector.load %arg1[%get3A_65, %get3A_66] : memref<1024x128xf32, #tpu.memory_space<vmem>>, vector<1024x128xf32>
    %add3A_68 = arith.addf %get3A_67, %add3A_61 : vector<1024x128xf32>
    %mul3A_69 = vector.broadcast %get3A_64 : vector<1024x1xf32> to vector<1024x128xf32>
    %mul3A_70 = arith.mulf %mul3A_69, %add3A_68 : vector<1024x128xf32>
    %iota3A = tpu.iota {dimensions = array<i32: 1>} : vector<1024x32xi32>
    %eq3A = arith.constant 0 : i32
    %eq3A_71 = vector.broadcast %eq3A : i32 to vector<1024x32xi32>
    %eq3A_72 = arith.cmpi eq, %iota3A, %eq3A_71 : vector<1024x32xi32>
    %eq3A_73 = arith.constant 1 : i32
    %eq3A_74 = vector.broadcast %eq3A_73 : i32 to vector<1024x32xi32>
    %eq3A_75 = arith.cmpi eq, %iota3A, %eq3A_74 : vector<1024x32xi32>
    %jit3A = arith.constant 1.000000e+00 : f32
    %jit3A_76 = arith.constant 0.000000e+00 : f32
    %broadcast_in_dim3A_77 = vector.broadcast %jit3A : f32 to vector<1024x32xf32>
    %broadcast_in_dim3A_78 = vector.broadcast %jit3A_76 : f32 to vector<1024x32xf32>
    %select_n3A_79 = arith.select %eq3A_75, %broadcast_in_dim3A_77, %broadcast_in_dim3A_78 : vector<1024x32xi1>, vector<1024x32xf32>
    %broadcast_in_dim3A_80 = vector.shape_cast %get3A_64 : vector<1024x1xf32> to vector<1024x1xf32>
    %broadcast_in_dim3A_81 = vector.broadcast %broadcast_in_dim3A_80 : vector<1024x1xf32> to vector<1024x32xf32>
    %select_n3A_82 = arith.select %eq3A_72, %broadcast_in_dim3A_81, %select_n3A_79 : vector<1024x32xi1>, vector<1024x32xf32>
    %swap3A = arith.constant 0 : index
    %swap3A_83 = arith.constant 0 : index
    %swap3A_84 = vector.load %arg11[%swap3A, %swap3A_83] : memref<1024x128xf32, #tpu.memory_space<vmem>>, vector<1024x128xf32>
    tpu.vector_store %arg11[%swap3A, %swap3A_83], %mul3A_70 {strides = array<i32>} : memref<1024x128xf32, #tpu.memory_space<vmem>>, vector<1024x128xf32>,
    %swap3A_85 = arith.constant 0 : index
    %swap3A_86 = arith.constant 0 : index
    %swap3A_87 = vector.load %arg12[%swap3A_85, %swap3A_86] : memref<1024x32xf32, #tpu.memory_space<vmem>>, vector<1024x32xf32>
    tpu.vector_store %arg12[%swap3A_85, %swap3A_86], %select_n3A_82 {strides = array<i32>} : memref<1024x32xf32, #tpu.memory_space<vmem>>, vector<1024x32xf32>,
    return
  }
  func.func @transform_0(%arg0: i32) -> (i32, i32) {
    %c0_i32 = arith.constant 0 : i32
    %c0_i32_0 = arith.constant 0 : i32
    return %arg0, %c0_i32 : i32, i32
  }
  func.func @transform_1(%arg0: i32) -> (i32, i32) {
    %c0_i32 = arith.constant 0 : i32
    %c0_i32_0 = arith.constant 0 : i32
    return %arg0, %c0_i32 : i32, i32
  }
  func.func @transform_2(%arg0: i32) -> (i32, i32) {
    %c0_i32 = arith.constant 0 : i32
    %c0_i32_0 = arith.constant 0 : i32
    return %arg0, %c0_i32 : i32, i32
  }
  func.func @transform_3(%arg0: i32) -> (i32, i32) {
    %c0_i32 = arith.constant 0 : i32
    %c0_i32_0 = arith.constant 0 : i32
    return %arg0, %c0_i32 : i32, i32
  }
  func.func @transform_4(%arg0: i32) -> (i32, i32) {
    %c0_i32 = arith.constant 0 : i32
    %c0_i32_0 = arith.constant 0 : i32
    %c0_i32_1 = arith.constant 0 : i32
    return %c0_i32, %c0_i32_0 : i32, i32
  }
  func.func @transform_5(%arg0: i32) -> (i32, i32) {
    %c0_i32 = arith.constant 0 : i32
    %c0_i32_0 = arith.constant 0 : i32
    %c0_i32_1 = arith.constant 0 : i32
    return %c0_i32, %c0_i32_0 : i32, i32
  }
  func.func @transform_6(%arg0: i32) -> (i32, i32) {
    %c0_i32 = arith.constant 0 : i32
    %c0_i32_0 = arith.constant 0 : i32
    %c0_i32_1 = arith.constant 0 : i32
    return %c0_i32, %c0_i32_0 : i32, i32
  }
  func.func @transform_7(%arg0: i32) -> (i32, i32) {
    %c0_i32 = arith.constant 0 : i32
    %c0_i32_0 = arith.constant 0 : i32
    %c0_i32_1 = arith.constant 0 : i32
    return %c0_i32, %c0_i32_0 : i32, i32
  }
  func.func @transform_8(%arg0: i32) -> (i32, i32) {
    %c0_i32 = arith.constant 0 : i32
    %c0_i32_0 = arith.constant 0 : i32
    %c0_i32_1 = arith.constant 0 : i32
    return %c0_i32, %c0_i32_0 : i32, i32
  }
  func.func @transform_9(%arg0: i32) -> (i32, i32) {
    %c0_i32 = arith.constant 0 : i32
    %c0_i32_0 = arith.constant 0 : i32
    %c0_i32_1 = arith.constant 0 : i32
    return %c0_i32, %c0_i32_0 : i32, i32
  }
  func.func @transform_10(%arg0: i32) -> (i32, i32) {
    %c0_i32 = arith.constant 0 : i32
    %c0_i32_0 = arith.constant 0 : i32
    return %arg0, %c0_i32 : i32, i32
  }
  func.func @transform_11(%arg0: i32) -> (i32, i32) {
    %c0_i32 = arith.constant 0 : i32
    %c0_i32_0 = arith.constant 0 : i32
    return %arg0, %c0_i32 : i32, i32
  }
}

module attributes {stable_mosaic.version = 14 : i64} {
  func.func @_tc_node_body(%arg0: i32, %arg1: memref<1024x128xf32, #tpu.memory_space<vmem>>, %arg2: memref<1024x128xf32, #tpu.memory_space<vmem>>, %arg3: memref<1024x32xf32, #tpu.memory_space<vmem>>, %arg4: memref<128x128xf32, #tpu.memory_space<vmem>>, %arg5: memref<1x128xf32, #tpu.memory_space<vmem>>, %arg6: memref<1x128xf32, #tpu.memory_space<vmem>>, %arg7: memref<1x128xf32, #tpu.memory_space<vmem>>, %arg8: memref<128x128xf32, #tpu.memory_space<vmem>>, %arg9: memref<128x128xf32, #tpu.memory_space<vmem>>, %arg10: memref<1x128xf32, #tpu.memory_space<vmem>>, %arg11: memref<1x128xf32, #tpu.memory_space<vmem>>, %arg12: memref<1x128xf32, #tpu.memory_space<vmem>>, %arg13: memref<1024x128xf32, #tpu.memory_space<vmem>>) attributes {dimension_semantics = [#tpu.dimension_semantics<arbitrary>], iteration_bounds = array<i64: 49>, scalar_prefetch = 0 : i64, scratch_operands = 0 : i64, tpu.core_type = #tpu.core_type<tc>, window_params = [{transform_indices = @transform_0, window_bounds = array<i64: 1024, 128>}, {transform_indices = @transform_1, window_bounds = array<i64: 1024, 128>}, {transform_indices = @transform_2, window_bounds = array<i64: 1024, 32>}, {pipeline_mode = #tpu.pipeline_mode<synchronous>, transform_indices = @transform_3, window_bounds = array<i64: 128, 128>}, {pipeline_mode = #tpu.pipeline_mode<synchronous>, transform_indices = @transform_4, window_bounds = array<i64: 1, 128>}, {pipeline_mode = #tpu.pipeline_mode<synchronous>, transform_indices = @transform_5, window_bounds = array<i64: 1, 128>}, {pipeline_mode = #tpu.pipeline_mode<synchronous>, transform_indices = @transform_6, window_bounds = array<i64: 1, 128>}, {pipeline_mode = #tpu.pipeline_mode<synchronous>, transform_indices = @transform_7, window_bounds = array<i64: 128, 128>}, {pipeline_mode = #tpu.pipeline_mode<synchronous>, transform_indices = @transform_8, window_bounds = array<i64: 128, 128>}, {pipeline_mode = #tpu.pipeline_mode<synchronous>, transform_indices = @transform_9, window_bounds = array<i64: 1, 128>}, {pipeline_mode = #tpu.pipeline_mode<synchronous>, transform_indices = @transform_10, window_bounds = array<i64: 1, 128>}, {pipeline_mode = #tpu.pipeline_mode<synchronous>, transform_indices = @transform_11, window_bounds = array<i64: 1, 128>}, {transform_indices = @transform_12, window_bounds = array<i64: 1024, 128>}]} {
    %get3A = arith.constant 0 : index
    %get3A_0 = arith.constant 0 : index
    %get3A_1 = vector.load %arg1[%get3A, %get3A_0] : memref<1024x128xf32, #tpu.memory_space<vmem>>, vector<1024x128xf32>
    %get3A_2 = arith.constant 0 : index
    %get3A_3 = arith.constant 0 : index
    %get3A_4 = vector.load %arg3[%get3A_2, %get3A_3] : memref<1024x32xf32, #tpu.memory_space<vmem>>, vector<1024x32xf32>
    %slice3A = vector.extract_strided_slice %get3A_4 {offsets = [0, 0], sizes = [1024, 1], strides = [1, 1]} : vector<1024x32xf32> to vector<1024x1xf32>
    %slice3A_5 = vector.extract_strided_slice %get3A_4 {offsets = [0, 1], sizes = [1024, 1], strides = [1, 1]} : vector<1024x32xf32> to vector<1024x1xf32>
    %get3A_6 = arith.constant 0 : index
    %get3A_7 = arith.constant 0 : index
    %get3A_8 = vector.load %arg2[%get3A_6, %get3A_7] : memref<1024x128xf32, #tpu.memory_space<vmem>>, vector<1024x128xf32>
    %get3A_9 = arith.constant 0 : index
    %get3A_10 = arith.constant 0 : index
    %get3A_11 = vector.load %arg4[%get3A_9, %get3A_10] : memref<128x128xf32, #tpu.memory_space<vmem>>, vector<128x128xf32>
    %dot_general3A = arith.constant dense<0.000000e+00> : vector<1024x128xf32>
    %dot_general3A_12 = tpu.matmul %get3A_8, %get3A_11, %dot_general3A {dimension_numbers = #tpu.dot_dimension_numbers<[1], [0], [0], [1], [0, 0, 1, 1], [], []>, transpose_lhs_hint = false} : vector<1024x128xf32>, vector<128x128xf32>, vector<1024x128xf32> -> vector<1024x128xf32>
    %get3A_13 = arith.constant 0 : index
    %get3A_14 = arith.constant 0 : index
    %get3A_15 = vector.load %arg5[%get3A_13, %get3A_14] : memref<1x128xf32, #tpu.memory_space<vmem>>, vector<1x128xf32>
    %mul3A = vector.broadcast %slice3A : vector<1024x1xf32> to vector<1024x128xf32>
    %mul3A_16 = vector.broadcast %get3A_15 : vector<1x128xf32> to vector<1024x128xf32>
    %mul3A_17 = arith.mulf %mul3A, %mul3A_16 : vector<1024x128xf32>
    %add3A = arith.addf %dot_general3A_12, %mul3A_17 : vector<1024x128xf32>
    %get3A_18 = arith.constant 0 : index
    %get3A_19 = arith.constant 0 : index
    %get3A_20 = vector.load %arg6[%get3A_18, %get3A_19] : memref<1x128xf32, #tpu.memory_space<vmem>>, vector<1x128xf32>
    %get3A_21 = arith.constant 0 : index
    %get3A_22 = arith.constant 0 : index
    %get3A_23 = vector.load %arg7[%get3A_21, %get3A_22] : memref<1x128xf32, #tpu.memory_space<vmem>>, vector<1x128xf32>
    %reduce_sum3A = arith.constant dense<0.000000e+00> : vector<1024xf32>
    %reduce_sum3A_24 = vector.multi_reduction <add>, %add3A, %reduce_sum3A [1] : vector<1024x128xf32> to vector<1024xf32>
    %broadcast_in_dim3A = vector.shape_cast %reduce_sum3A_24 : vector<1024xf32> to vector<1024x1xf32>
    %div3A = arith.constant 1.280000e+02 : f32
    %div3A_25 = vector.broadcast %div3A : f32 to vector<1024x1xf32>
    %div3A_26 = arith.divf %broadcast_in_dim3A, %div3A_25 : vector<1024x1xf32>
    %sub3A = vector.broadcast %div3A_26 : vector<1024x1xf32> to vector<1024x128xf32>
    %sub3A_27 = arith.subf %add3A, %sub3A : vector<1024x128xf32>
    %integer_pow3A = arith.mulf %sub3A_27, %sub3A_27 : vector<1024x128xf32>
    %reduce_sum3A_28 = arith.constant dense<0.000000e+00> : vector<1024xf32>
    %reduce_sum3A_29 = vector.multi_reduction <add>, %integer_pow3A, %reduce_sum3A_28 [1] : vector<1024x128xf32> to vector<1024xf32>
    %broadcast_in_dim3A_30 = vector.shape_cast %reduce_sum3A_29 : vector<1024xf32> to vector<1024x1xf32>
    %div3A_31 = arith.constant 1.280000e+02 : f32
    %div3A_32 = vector.broadcast %div3A_31 : f32 to vector<1024x1xf32>
    %div3A_33 = arith.divf %broadcast_in_dim3A_30, %div3A_32 : vector<1024x1xf32>
    %sub3A_34 = vector.broadcast %div3A_26 : vector<1024x1xf32> to vector<1024x128xf32>
    %sub3A_35 = arith.subf %add3A, %sub3A_34 : vector<1024x128xf32>
    %add3A_36 = arith.constant 9.99999974E-6 : f32
    %add3A_37 = vector.broadcast %add3A_36 : f32 to vector<1024x1xf32>
    %add3A_38 = arith.addf %div3A_33, %add3A_37 : vector<1024x1xf32>
    %sqrt3A = math.sqrt %add3A_38 : vector<1024x1xf32>
    %div3A_39 = vector.broadcast %sqrt3A : vector<1024x1xf32> to vector<1024x128xf32>
    %div3A_40 = arith.divf %sub3A_35, %div3A_39 : vector<1024x128xf32>
    %mul3A_41 = vector.broadcast %get3A_20 : vector<1x128xf32> to vector<1024x128xf32>
    %mul3A_42 = arith.mulf %div3A_40, %mul3A_41 : vector<1024x128xf32>
    %add3A_43 = vector.broadcast %get3A_23 : vector<1x128xf32> to vector<1024x128xf32>
    %add3A_44 = arith.addf %mul3A_42, %add3A_43 : vector<1024x128xf32>
    %get3A_45 = arith.constant 0 : index
    %get3A_46 = arith.constant 0 : index
    %get3A_47 = vector.load %arg8[%get3A_45, %get3A_46] : memref<128x128xf32, #tpu.memory_space<vmem>>, vector<128x128xf32>
    %dot_general3A_48 = arith.constant dense<0.000000e+00> : vector<1024x128xf32>
    %dot_general3A_49 = tpu.matmul %get3A_1, %get3A_47, %dot_general3A_48 {dimension_numbers = #tpu.dot_dimension_numbers<[1], [0], [0], [1], [0, 0, 1, 1], [], []>, transpose_lhs_hint = false} : vector<1024x128xf32>, vector<128x128xf32>, vector<1024x128xf32> -> vector<1024x128xf32>
    %get3A_50 = arith.constant 0 : index
    %get3A_51 = arith.constant 0 : index
    %get3A_52 = vector.load %arg9[%get3A_50, %get3A_51] : memref<128x128xf32, #tpu.memory_space<vmem>>, vector<128x128xf32>
    %dot_general3A_53 = arith.constant dense<0.000000e+00> : vector<1024x128xf32>
    %dot_general3A_54 = tpu.matmul %add3A_44, %get3A_52, %dot_general3A_53 {dimension_numbers = #tpu.dot_dimension_numbers<[1], [0], [0], [1], [0, 0, 1, 1], [], []>, transpose_lhs_hint = false} : vector<1024x128xf32>, vector<128x128xf32>, vector<1024x128xf32> -> vector<1024x128xf32>
    %add3A_55 = arith.addf %dot_general3A_49, %dot_general3A_54 : vector<1024x128xf32>
    %get3A_56 = arith.constant 0 : index
    %get3A_57 = arith.constant 0 : index
    %get3A_58 = vector.load %arg10[%get3A_56, %get3A_57] : memref<1x128xf32, #tpu.memory_space<vmem>>, vector<1x128xf32>
    %add3A_59 = vector.broadcast %get3A_58 : vector<1x128xf32> to vector<1024x128xf32>
    %add3A_60 = arith.addf %add3A_55, %add3A_59 : vector<1024x128xf32>
    %get3A_61 = arith.constant 0 : index
    %get3A_62 = arith.constant 0 : index
    %get3A_63 = vector.load %arg11[%get3A_61, %get3A_62] : memref<1x128xf32, #tpu.memory_space<vmem>>, vector<1x128xf32>
    %get3A_64 = arith.constant 0 : index
    %get3A_65 = arith.constant 0 : index
    %get3A_66 = vector.load %arg12[%get3A_64, %get3A_65] : memref<1x128xf32, #tpu.memory_space<vmem>>, vector<1x128xf32>
    %reduce_sum3A_67 = arith.constant dense<0.000000e+00> : vector<1024xf32>
    %reduce_sum3A_68 = vector.multi_reduction <add>, %add3A_60, %reduce_sum3A_67 [1] : vector<1024x128xf32> to vector<1024xf32>
    %broadcast_in_dim3A_69 = vector.shape_cast %reduce_sum3A_68 : vector<1024xf32> to vector<1024x1xf32>
    %div3A_70 = arith.constant 1.280000e+02 : f32
    %div3A_71 = vector.broadcast %div3A_70 : f32 to vector<1024x1xf32>
    %div3A_72 = arith.divf %broadcast_in_dim3A_69, %div3A_71 : vector<1024x1xf32>
    %sub3A_73 = vector.broadcast %div3A_72 : vector<1024x1xf32> to vector<1024x128xf32>
    %sub3A_74 = arith.subf %add3A_60, %sub3A_73 : vector<1024x128xf32>
    %integer_pow3A_75 = arith.mulf %sub3A_74, %sub3A_74 : vector<1024x128xf32>
    %reduce_sum3A_76 = arith.constant dense<0.000000e+00> : vector<1024xf32>
    %reduce_sum3A_77 = vector.multi_reduction <add>, %integer_pow3A_75, %reduce_sum3A_76 [1] : vector<1024x128xf32> to vector<1024xf32>
    %broadcast_in_dim3A_78 = vector.shape_cast %reduce_sum3A_77 : vector<1024xf32> to vector<1024x1xf32>
    %div3A_79 = arith.constant 1.280000e+02 : f32
    %div3A_80 = vector.broadcast %div3A_79 : f32 to vector<1024x1xf32>
    %div3A_81 = arith.divf %broadcast_in_dim3A_78, %div3A_80 : vector<1024x1xf32>
    %sub3A_82 = vector.broadcast %div3A_72 : vector<1024x1xf32> to vector<1024x128xf32>
    %sub3A_83 = arith.subf %add3A_60, %sub3A_82 : vector<1024x128xf32>
    %add3A_84 = arith.constant 9.99999974E-6 : f32
    %add3A_85 = vector.broadcast %add3A_84 : f32 to vector<1024x1xf32>
    %add3A_86 = arith.addf %div3A_81, %add3A_85 : vector<1024x1xf32>
    %sqrt3A_87 = math.sqrt %add3A_86 : vector<1024x1xf32>
    %div3A_88 = vector.broadcast %sqrt3A_87 : vector<1024x1xf32> to vector<1024x128xf32>
    %div3A_89 = arith.divf %sub3A_83, %div3A_88 : vector<1024x128xf32>
    %mul3A_90 = vector.broadcast %get3A_63 : vector<1x128xf32> to vector<1024x128xf32>
    %mul3A_91 = arith.mulf %div3A_89, %mul3A_90 : vector<1024x128xf32>
    %add3A_92 = vector.broadcast %get3A_66 : vector<1x128xf32> to vector<1024x128xf32>
    %add3A_93 = arith.addf %mul3A_91, %add3A_92 : vector<1024x128xf32>
    %ge3A = arith.constant 0.000000e+00 : f32
    %ge3A_94 = vector.broadcast %ge3A : f32 to vector<1024x128xf32>
    %ge3A_95 = arith.cmpf oge, %add3A_93, %ge3A_94 : vector<1024x128xf32>
    %mul3A_96 = arith.constant 0.00999999977 : f32
    %mul3A_97 = vector.broadcast %mul3A_96 : f32 to vector<1024x128xf32>
    %mul3A_98 = arith.mulf %mul3A_97, %add3A_93 : vector<1024x128xf32>
    %select_n3A = arith.select %ge3A_95, %add3A_93, %mul3A_98 : vector<1024x128xi1>, vector<1024x128xf32>
    %gt3A = arith.constant 0.000000e+00 : f32
    %gt3A_99 = vector.broadcast %gt3A : f32 to vector<1024x1xf32>
    %gt3A_100 = arith.cmpf ogt, %slice3A_5, %gt3A_99 : vector<1024x1xf32>
    %broadcast_in_dim3A_101 = vector.shape_cast %gt3A_100 : vector<1024x1xi1> to vector<1024x1xi1>
    %broadcast_in_dim3A_102 = vector.broadcast %broadcast_in_dim3A_101 : vector<1024x1xi1> to vector<1024x128xi1>
    %select_n3A_103 = arith.select %broadcast_in_dim3A_102, %select_n3A, %get3A_1 : vector<1024x128xi1>, vector<1024x128xf32>
    %swap3A = arith.constant 0 : index
    %swap3A_104 = arith.constant 0 : index
    %swap3A_105 = vector.load %arg13[%swap3A, %swap3A_104] : memref<1024x128xf32, #tpu.memory_space<vmem>>, vector<1024x128xf32>
    tpu.vector_store %arg13[%swap3A, %swap3A_104], %select_n3A_103 {strides = array<i32>} : memref<1024x128xf32, #tpu.memory_space<vmem>>, vector<1024x128xf32>,
    return
  }
  func.func @transform_0(%arg0: i32) -> (i32, i32) {
    %c0_i32 = arith.constant 0 : i32
    %c0_i32_0 = arith.constant 0 : i32
    return %arg0, %c0_i32 : i32, i32
  }
  func.func @transform_1(%arg0: i32) -> (i32, i32) {
    %c0_i32 = arith.constant 0 : i32
    %c0_i32_0 = arith.constant 0 : i32
    return %arg0, %c0_i32 : i32, i32
  }
  func.func @transform_2(%arg0: i32) -> (i32, i32) {
    %c0_i32 = arith.constant 0 : i32
    %c0_i32_0 = arith.constant 0 : i32
    return %arg0, %c0_i32 : i32, i32
  }
  func.func @transform_3(%arg0: i32) -> (i32, i32) {
    %c0_i32 = arith.constant 0 : i32
    %c0_i32_0 = arith.constant 0 : i32
    %c0_i32_1 = arith.constant 0 : i32
    return %c0_i32, %c0_i32_0 : i32, i32
  }
  func.func @transform_4(%arg0: i32) -> (i32, i32) {
    %c0_i32 = arith.constant 0 : i32
    %c0_i32_0 = arith.constant 0 : i32
    %c0_i32_1 = arith.constant 0 : i32
    return %c0_i32, %c0_i32_0 : i32, i32
  }
  func.func @transform_5(%arg0: i32) -> (i32, i32) {
    %c0_i32 = arith.constant 0 : i32
    %c0_i32_0 = arith.constant 0 : i32
    %c0_i32_1 = arith.constant 0 : i32
    return %c0_i32, %c0_i32_0 : i32, i32
  }
  func.func @transform_6(%arg0: i32) -> (i32, i32) {
    %c0_i32 = arith.constant 0 : i32
    %c0_i32_0 = arith.constant 0 : i32
    %c0_i32_1 = arith.constant 0 : i32
    return %c0_i32, %c0_i32_0 : i32, i32
  }
  func.func @transform_7(%arg0: i32) -> (i32, i32) {
    %c0_i32 = arith.constant 0 : i32
    %c0_i32_0 = arith.constant 0 : i32
    %c0_i32_1 = arith.constant 0 : i32
    return %c0_i32, %c0_i32_0 : i32, i32
  }
  func.func @transform_8(%arg0: i32) -> (i32, i32) {
    %c0_i32 = arith.constant 0 : i32
    %c0_i32_0 = arith.constant 0 : i32
    %c0_i32_1 = arith.constant 0 : i32
    return %c0_i32, %c0_i32_0 : i32, i32
  }
  func.func @transform_9(%arg0: i32) -> (i32, i32) {
    %c0_i32 = arith.constant 0 : i32
    %c0_i32_0 = arith.constant 0 : i32
    %c0_i32_1 = arith.constant 0 : i32
    return %c0_i32, %c0_i32_0 : i32, i32
  }
  func.func @transform_10(%arg0: i32) -> (i32, i32) {
    %c0_i32 = arith.constant 0 : i32
    %c0_i32_0 = arith.constant 0 : i32
    %c0_i32_1 = arith.constant 0 : i32
    return %c0_i32, %c0_i32_0 : i32, i32
  }
  func.func @transform_11(%arg0: i32) -> (i32, i32) {
    %c0_i32 = arith.constant 0 : i32
    %c0_i32_0 = arith.constant 0 : i32
    %c0_i32_1 = arith.constant 0 : i32
    return %c0_i32, %c0_i32_0 : i32, i32
  }
  func.func @transform_12(%arg0: i32) -> (i32, i32) {
    %c0_i32 = arith.constant 0 : i32
    %c0_i32_0 = arith.constant 0 : i32
    return %arg0, %c0_i32 : i32, i32
  }
}

</mosaic_0001>

<sc_bundles>
// kernel: kernel.5.cloned.1.call-start
scs
__scs_entry_jumppad:
0x0: {  	(pc) =	sbr.rel $0x88, $3  }
0x1: {  	(tag) =	ssettag $0x0;
	lr =	simm.s32 $0x1  }
0x2: {  	[smem:$0x3F8F] =	sst lr;
	_ =	strace $0xD0000000  }
0x3: {  	_ = 	snop  }
0x4: {  	_ = 	snop  }
0x5: {  	_ = 	snop  }
0x6: {  	_ = 	snop  }
0x7: {  	_ = 	snop  }
__scs_overlays_trampoline_lowered:
0x8: {  	[smem:$0x3F9E] =	sst s0  }
0x9: {  	[smem:$0x3F9F] =	sst s1  }
0xa: {  	[smem:$0x3FA0] =	sst s2  }
0xb: {  	[smem:$0x3FA1] =	sst s3  }
0xc: {  	[smem:$0x3FA2] =	sst s4  }
0xd: {  	[smem:$0x3FA3] =	sst s5  }
0xe: {  	[smem:$0x3FA4] =	sst s6  }
0xf: {  	[smem:$0x3FA5] =	sst s7  }
0x10: {  	[smem:$0x3FA6] =	sst s8  }
0x11: {  	[smem:$0x3FA7] =	sst s9;
	s0 =	simm.s32 @!p0 $0x0  }
0x12: {  	s1 =	sld [smem:$0x3F8D];
	s0 =	simm.s32 @p0 $0x1  }
0x13: {  	[smem:$0x3FA8] =	sst s0;
	s0 =	simm.s32 @!p1 $0x0  }
0x14: {  	s2 =	sld [smem:$0x3F8C];
	s0 =	simm.s32 @p1 $0x1  }
0x15: {  	[smem:$0x3FA9] =	sst s0;
	s0 =	simm.s32 @!p2 $0x0  }
0x16: {  	s3 =	sld [smem:$0x3FDB];
	s0 =	simm.s32 @p2 $0x1  }
0x17: {  	s4 =	simm.s32 $0x1BF5;
	[smem:$0x3FAB] =	sst s0  }
0x18: {  	s0 =	sld [smem:$0x3F8E];
	_ =	swait.ge [sflag:s4], $0x0  }
0x19: {  	s7 =	sld [smem:$0x3F8F]  }
0x1a: {  	s8 =	sadd.s32 $0xFFFFE003, lr  }
0x1b: {  	s9 =	sadd.s32 $0xFFFFFEF7, lr;
	s5 =	simm.s32 $0xFFFFFFFF;
	p2 =	slt.u32 s8, $0xFFFFF086  }
0x1c: {  	p1 =	slt.u32 s9, $0xF7A;
	s5 =	simm.s32 @!p2 $0x0  }
0x1d: {  	s5 =	simm.s32 @p1 $0x1;
	p0 =	seq.s32 s7, s2  }
0x1e: {  	s7 =	smul.u32 @!p0 $0xF7A, s2;
	p2 =	seq.s32 @!p0 s5, $0x0  }
0x1f: {  	s9 =	smul.u32 $0xF7A, s1;
	s8 =	simm.s32 @!p0 $0x1BF5;
	p2 =	por !p2, p0  }
0x20: {  	[sflag:s8] =	ssyncset.s32 @!p0 $0xFFFFF086;
	s6 =	sadd.s32 @!p0 s3, s7;
	s7 =	simm.s32 @!p0 $0x108  }
0x21: {  	s3 =	sadd.s32 s3, s9;
	s6 =	sadd.s32 @!p0 $0x88, s6;
	s7 =	simm.s32 @p2 $0x1082  }
0x22: {  	[simem:s7], [sflag:s8] =	dma.local @!p0 [hbm:s6], $0xF7A  }
0x23: {  	s9 =	sor.u32 $0xD0000000, s2;
	s6 =	simm.s32 $0x108;
	_ =	swait.ge @!p0 [sflag:s8], $0x0  }
0x24: {  	s3 =	sadd.s32 $0x88, s3;
	s6 =	simm.s32 @!p1 $0x1082;
	[sflag:s4] =	ssyncset.s32 $0xFFFFF086  }
0x25: {  	[simem:s6], [sflag:s4] =	dma.local [hbm:s3], $0xF7A  }
0x26: {  	[smem:$0x3F8F] =	sst s1;
	(tag) =	ssettag s2;
	_ =	strace s9  }
0x27: {  	s1 =	sld [smem:$0x3F9F]  }
0x28: {  	s2 =	sld [smem:$0x3FA0]  }
0x29: {  	s4 =	sld [smem:$0x3FA2]  }
0x2a: {  	p0 =	seq.s32 s5, $0x0;
	s5 =	sld [smem:$0x3FA3]  }
0x2b: {  	s6 =	sld [smem:$0x3FA4]  }
0x2c: {  	s7 =	sld [smem:$0x3FA5]  }
0x2d: {  	s3 =	simm.s32 $0x108;
	s8 =	sld [smem:$0x3FA6]  }
0x2e: {  	s3 =	simm.s32 @!p0 $0x1082;
	s9 =	sld [smem:$0x3FA7]  }
0x2f: {  	lr =	sadd.s32 s0, s3;
	s0 =	sld [smem:$0x3F9E]  }
0x30: {  	s3 =	sld [smem:$0x3FA1]  }
0x31: {  	[smem:$0x3FAA] =	sst s10  }
0x32: {  	s10 =	sld [smem:$0x3FA8];
	_ =	sdelay $0x3  }
0x33: {  	p0 =	seq.s32 s10, $0x1;
	s10 =	sld [smem:$0x3FAA];
	_ =	sdelay $0x3  }
0x34: {  	[smem:$0x3FAA] =	sst s10  }
0x35: {  	s10 =	sld [smem:$0x3FA9];
	_ =	sdelay $0x3  }
0x36: {  	p1 =	seq.s32 s10, $0x1;
	s10 =	sld [smem:$0x3FAA];
	_ =	sdelay $0x3  }
0x37: {  	[smem:$0x3FAA] =	sst s10  }
0x38: {  	s10 =	sld [smem:$0x3FAB]  }
0x39: {  	_ = 	snop;
	(pc) =	sbr.ind lr, $3  }
0x3a: {  	_ = 	snop  }
0x3b: {  	_ = 	snop  }
0x3c: {  	p2 =	seq.s32 s10, $0x1;
	s10 =	sld [smem:$0x3FAA]  }
0x3d: {  	_ =	shalt  }
0x3e: {  	_ =	shalt  }
0x3f: {  	_ =	shalt  }
0x40: {  	_ =	shalt  }
0x41: {  	_ =	shalt  }
0x42: {  	_ =	shalt  }
0x43: {  	_ =	shalt  }
0x44: {  	_ =	shalt  }
0x45: {  	_ =	shalt  }
0x46: {  	_ =	shalt  }
0x47: {  	_ =	shalt  }
0x48: {  	_ =	shalt  }
0x49: {  	_ =	shalt  }
0x4a: {  	_ =	shalt  }
0x4b: {  	_ =	shalt  }
0x4c: {  	_ =	shalt  }
0x4d: {  	_ =	shalt  }
0x4e: {  	_ =	shalt  }
0x4f: {  	_ =	shalt  }
0x50: {  	_ =	shalt  }
0x51: {  	_ =	shalt  }
0x52: {  	_ =	shalt  }
0x53: {  	_ =	shalt  }
0x54: {  	_ =	shalt  }
0x55: {  	_ =	shalt  }
0x56: {  	_ =	shalt  }
0x57: {  	_ =	shalt  }
0x58: {  	_ =	shalt  }
0x59: {  	_ =	shalt  }
0x5a: {  	_ =	shalt  }
0x5b: {  	_ =	shalt  }
0x5c: {  	_ =	shalt  }
0x5d: {  	_ =	shalt  }
0x5e: {  	_ =	shalt  }
0x5f: {  	_ =	shalt  }
0x60: {  	_ =	shalt  }
0x61: {  	_ =	shalt  }
0x62: {  	_ =	shalt  }
0x63: {  	_ =	shalt  }
0x64: {  	_ =	shalt  }
0x65: {  	_ =	shalt  }
0x66: {  	_ =	shalt  }
0x67: {  	_ =	shalt  }
0x68: {  	_ =	shalt  }
0x69: {  	_ =	shalt  }
0x6a: {  	_ =	shalt  }
0x6b: {  	_ =	shalt  }
0x6c: {  	_ =	shalt  }
0x6d: {  	_ =	shalt  }
0x6e: {  	_ =	shalt  }
0x6f: {  	_ =	shalt  }
0x70: {  	_ =	shalt  }
0x71: {  	_ =	shalt  }
0x72: {  	_ =	shalt  }
0x73: {  	_ =	shalt  }
0x74: {  	_ =	shalt  }
0x75: {  	_ =	shalt  }
0x76: {  	_ =	shalt  }
0x77: {  	_ =	shalt  }
0x78: {  	_ =	shalt  }
0x79: {  	_ =	shalt  }
0x7a: {  	_ =	shalt  }
0x7b: {  	_ =	shalt  }
0x7c: {  	_ =	shalt  }
0x7d: {  	_ =	shalt  }
0x7e: {  	_ =	shalt  }
0x7f: {  	_ =	shalt  }
0x80: {  	_ =	shalt  }
0x81: {  	_ =	shalt  }
0x82: {  	_ =	shalt  }
0x83: {  	_ =	shalt  }
0x84: {  	_ =	shalt  }
0x85: {  	_ =	shalt  }
0x86: {  	_ =	shalt  }
0x87: {  	_ =	shalt  }
.Lfunc_end0:
.L_simem_size_0:
called_computation.2_lowered:
.L_overlay_start_0:
0x88: {  	s2 =	sld [smem:$0x3FD9]  }
0x89: {  	s3 =	sld [smem:$0x3FFE];
	_ =	sdelay $0x1  }
0x8a: {  	s1 =	srdreg.scid  }
0x8b: {  	s0 =	sand.u32 $0x1, s1  }
0x8c: {  	s17 =	sshll.u32 s0, $0xA;
	s2 =	sadd.s32 s3, s2  }
0x8d: {  	s2 =	sadd.s32 s2, s17  }
0x8e: {  	[smem:$0x3FB6] =	sst s2  }
0x8f: {  	_ = 	snop  }
0x90: {  	s2 =	sld [smem:$0x3FC9];
	(tm) =	ssettm $0x1  }
0x91: {  	s18 =	sld [smem:$0x3FFB];
	_ =	sdelay $0x3  }
0x92: {  	_ =	strace s18  }
0x93: {  	s3 =	sld [smem:$0x3FFC];
	_ =	sdelay $0x3  }
0x94: {  	_ =	strace s3  }
0x95: {  	s3 =	sld [smem:$0x3FFD];
	_ =	sdelay $0x3  }
0x96: {  	_ =	strace s3  }
0x97: {  	_ =	strace $0x8FFFFFFF  }
0x98: {  	s19 =	sld [smem:$0x3FDB];
	_ =	sdelay $0x1  }
0x99: {  	s4 =	simm.s32 $_scs_section_size  }
0x9a: {  	s5 =	simm.s32 $_size__tile_overlayer_lowered;
	s6 =	simm.s32 $_tile_overlayer_lowered  }
0x9b: {  	s22 =	simm.s32 $0x1BFF;
	s21 =	sshll.u32 s6, $0x1;
	s3 =	sadd.s32 s4, s19  }
0x9c: {  	s7 =	simm.s32 $0x0;
	s20 =	sshll.u32 s5, $0x1;
	s5 =	sadd.s32 s21, s3  }
0x9d: {  	[timem:s7], [sflag:s22] =	dma.local [hbm:s5], s20  }
0x9e: {  	_ =	swait.ge [sflag:s22], s20  }
0x9f: {  	s4 =	ssub.s32 $0x0, s20;
	[sflag:s22] =	ssyncset.done $0x0  }
0xa0: {  	[sflag:s22] =	ssyncadd.s32 s4;
	_ =	sdelay $0x1  }
0xa1: {  	s23 =	simm.s32 $0x1B8B  }
0xa2: {  	_ =	swait.ge [sflag:s23], $0x1  }
0xa3: {  	[sflag:s23] =	ssyncset.done $0x0  }
0xa4: {  	s25 =	simm.s32 $0x1B8E;
	s24 =	sld [smem:$0x3FFE];
	[sflag:s23] =	ssyncadd.s32 $0xFFFFFFFF  }
0xa5: {  	s26 =	simm.s32 $execute0_lowered;
	[smem:$0x3FD2] =	sst s25  }
0xa6: {  	s5 =	sshll.u32 s26, $0x1;
	_ =	strace $0x80000046;
	[dreg:$0x1] =	wrdreg $0xFFFFFFFF  }
0xa7: {  	s28 =	simm.s32 $_size_execute0_lowered;
	s3 =	sadd.s32 s3, s5;
	[dreg:$0x0] =	wrdreg $0x0  }
0xa8: {  	s5 =	sshll.u32 s28, $0x1;
	[dreg:$0x2] =	wrdreg s3  }
0xa9: {  	[dreg:$0x3] =	wrdreg s5  }
0xaa: {  	[dreg:$0x4] =	wrdreg $0xC0  }
0xab: {  	_ =	task [dreg:s7], $0x5FFFF  }
0xac: {  	[dreg:$0x1] =	wrdreg $0xFFFFFFFF  }
0xad: {  	[dreg:$0x0] =	wrdreg $0x60  }
0xae: {  	[dreg:$0x2] =	wrdreg s2  }
0xaf: {  	[dreg:$0x3] =	wrdreg s24  }
0xb0: {  	[dreg:$0x4] =	wrdreg $0x9  }
0xb1: {  	_ =	task.clear_ibuf [dreg:s7], $0x5FFFF;
	_ =	strace $0x90000046  }
0xb2: {  	s29 =	simm.s32 $0x9;
	_ =	strace $0x80000048  }
0xb3: {  	_ =	swait.ge [sflag:s29], $0x1  }
0xb4: {  	[sflag:s29] =	ssyncadd.s32 $0xFFFFFFFF  }
0xb5: {  	_ =	strace $0x90000048  }
0xb6: {  	_ =	sfence  }
0xb7: {  	s30 =	sld [smem:$0x0];
	_ =	sdelay $0x2  }
0xb8: {  	s31 =	sshll.u32 s1, $0xD;
	s1 =	sshrl.u32 s1, $0x2  }
0xb9: {  	s3 =	sand.u32 $0x4000, s31;
	s1 =	sadd.s32 s1, s30  }
0xba: {  	s0 =	sor.u32 s3, s0;
	s1 =	sshll.u32 s1, $0x11  }
0xbb: {  	s0 =	sor.u32 s1, s0  }
0xbc: {  	s0 =	sadd.s32 $0x8F2B, s0  }
0xbd: {  	[sflag:s0] =	ssyncadd.remote.s32 $0x1  }
0xbe: {  	_ =	sfence.sel $0xFFFF  }
0xbf: {  	[dreg:$0x0] =	wrdreg $0xFFFFFFFF;
	(pc) =	sbr.abs _section_cstart, $3  }
0xc0: {  	[dreg:$0x1] =	wrdreg $0xFFFFFFFF  }
0xc1: {  	_ =	task.clear_ibuf [dreg:s7], $0x2FFFF;
	_ =	strace $0x9FFFFFFF  }
0xc2: {  	(tm) =	ssettm $0x7FFFFFFF  }
0xc3: {  	_ =	shalt  }
tec
execute0_lowered:
.L_overlay_start_1:
0x0: {  	(tag) =	ssettag $0x1  }
0x1: {  	s2 =	rddreg [dreg:$0x0]  }
0x2: {  	s5 =	rddreg [dreg:$0x1]  }
0x3: {  	s0 =	rddreg [dreg:$0x2]  }
0x4: {  	s4 =	srdreg.scid;
	s1 =	stileid.u32;
	s3 =	simm.s32 $0x0  }
0x5: {  	s12 =	simm.s32 $0x2;
	s13 =	simm.s32 $0x6200;
	s14 =	simm.s32 $0x6280  }
0x6: {  	s15 =	simm.s32 $0x6300;
	s16 =	simm.s32 $0x80;
	s17 =	simm.s32 $0x6380  }
0x7: {  	s18 =	simm.s32 $0xA380;
	s19 =	simm.s32 $0xA400;
	s7 =	smul.u32 $0x7B00, s1  }
0x8: {  	s20 =	simm.s32 $0x1;
	s6 =	sand.u32 $0x1, s4;
	s9 =	smul.u32 $0x7B000, s1  }
0x9: {  	s21 =	simm.s32 $0x0;
	[smem:$0x7FF] =	sst s3;
	s8 =	smul.u32 $0x3D80, s6  }
0xa: {  	s4 =	sadd.s32 $0xC00, s5;
	s10 =	ssub.s32 $0x2, s6;
	s6 =	smul.u32 $0x3D800, s6  }
0xb: {  	_ =	strace $0x80000047;
	s30 =	sadd.s32 s9, s5;
	s7 =	sadd.s32 s8, s7  }
0xc: {  	s31 =	sshrl.u32 s10, $0x1;
	s6 =	sadd.s32 s6, s30;
	s7 =	sshrl.u32 s7, $0x3  }
0xd: {  	s9 =	ssub.s32 s10, s31;
	s6 =	sadd.s32 $0x4E800, s6;
	s11 =	sadd.s32 s7, s5  }
0xe: {  	s5 =	smax.u32 s9, $0x1;
	s7 =	sadd.s32 $0x3F200, s11;
	s8 =	sadd.s32 $0x2FC00, s11  }
0xf: {  	s9 =	sadd.s32 $0x11000, s11;
	s10 =	sadd.s32 $0x20600, s11;
	s11 =	sadd.s32 $0x1A00, s11  }
.LBB2_1:
0x10: {  	[tilespmem:s3], [sflag:$0x2] =	stream.linear.gather [hbm4b:s4+s3], $0x6200, $0x38;
	[tilespmem:$0xA480] =	vst v63  }
0x11: {  	_ =	swait.ge [sflag:s12], $0x6200  }
0x12: {  	[sflag:s12] =	ssyncset.done $0x0  }
0x13: {  	s22 =	sadd.s32 $0x0, s11;
	[sflag:s12] =	ssyncadd.s32 $0xFFFF9E00  }
0x14: {  	[tilespmem:s13], [sflag:$0x2] =	stream.linear.gather [hbm4b:s22+s3], $0x80, $0x38;
	[tilespmem:$0xA480] =	vst v63  }
0x15: {  	_ =	swait.ge [sflag:s12], $0x80  }
0x16: {  	[sflag:s12] =	ssyncset.done $0x0  }
0x17: {  	s30 =	sadd.s32 $0x0, s10;
	[sflag:s12] =	ssyncadd.s32 $0xFFFFFF80  }
0x18: {  	[tilespmem:s14], [sflag:$0x2] =	stream.linear.gather [hbm4b:s30+s3], $0x80, $0x38;
	[tilespmem:$0xA480] =	vst v63  }
0x19: {  	_ =	swait.ge [sflag:s12], $0x80  }
0x1a: {  	[sflag:s12] =	ssyncset.done $0x0  }
0x1b: {  	s31 =	sadd.s32 $0x0, s9;
	[sflag:s12] =	ssyncadd.s32 $0xFFFFFF80  }
0x1c: {  	[tilespmem:s15], [sflag:$0x2] =	stream.linear.gather [hbm4b:s31+s3], $0x80, $0x38;
	[tilespmem:$0xA480] =	vst v63  }
0x1d: {  	_ =	swait.ge [sflag:s12], $0x80  }
0x1e: {  	[sflag:s12] =	ssyncset.done $0x0  }
0x1f: {  	[sflag:s12] =	ssyncadd.s32 $0xFFFFFF80  }
0x20: {  	[tilespmem:s17], [sflag:$0x1] =	stream.indirect.gather [hbm4b:s2+s16], $0x80, s13, s16, $0xb8;
	[tilespmem:$0xA480] =	vst v63  }
0x21: {  	v0 =	vld [tilespmem:$0x6280]  }
0x22: {  	v1 =	vld [tilespmem:$0x6300];
	_ =	sdelay $0x3  }
0x23: {  	v0 =	vshll.u32 v0, $0x1  }
0x24: {  	v1 =	vshll.u32 v1, $0x1;
	v2 =	vor.u32 $0x1, v0  }
0x25: {  	v3 =	vor.u32 $0x1, v1  }
0x26: {  	v4 =	vld [tilespmem:$0x6290]  }
0x27: {  	v5 =	vld [tilespmem:$0x6310]  }
0x28: {  	v0 =	vld.idx.msk [tilespmem:v0+s3+$0x0], $0xffff  }
0x29: {  	v2 =	vld.idx.msk [tilespmem:v2+s3+$0x0], $0xffff  }
0x2a: {  	v3 =	vld.idx.msk [tilespmem:v3+s3+$0x0], $0xffff  }
0x2b: {  	v1 =	vld.idx.msk [tilespmem:v1+s3+$0x0], $0xffff;
	_ =	sdelay $0x2  }
0x2c: {  	v5 =	vshll.u32 v5, $0x1  }
0x2d: {  	v4 =	vshll.u32 v4, $0x1;
	v2 =	vsub.f32 v3, v2  }
0x2e: {  	v0 =	vsub.f32 v1, v0;
	v3 =	vor.u32 $0x1, v4  }
0x2f: {  	v6 =	vld [tilespmem:$0x6320];
	[tilespmem:$0xA400] =	vst v2;
	v2 =	vor.u32 $0x1, v5  }
0x30: {  	v1 =	vld [tilespmem:$0x62A0];
	[tilespmem:$0xA380] =	vst v0  }
0x31: {  	v0 =	vld.idx.msk [tilespmem:v5+s3+$0x0], $0xffff  }
0x32: {  	v4 =	vld.idx.msk [tilespmem:v4+s3+$0x0], $0xffff  }
0x33: {  	v3 =	vld.idx.msk [tilespmem:v3+s3+$0x0], $0xffff  }
0x34: {  	v2 =	vld.idx.msk [tilespmem:v2+s3+$0x0], $0xffff;
	_ =	sdelay $0x1  }
0x35: {  	v1 =	vshll.u32 v1, $0x1  }
0x36: {  	v5 =	vshll.u32 v6, $0x1;
	v59 =	vor.u32 $0x1, v1  }
0x37: {  	v0 =	vsub.f32 v0, v4;
	v4 =	vor.u32 $0x1, v5  }
0x38: {  	v2 =	vsub.f32 v2, v3  }
0x39: {  	[tilespmem:$0xA390] =	vst v0;
	v0 =	vld [tilespmem:$0x62B0]  }
0x3a: {  	v3 =	vld [tilespmem:$0x6330];
	[tilespmem:$0xA410] =	vst v2  }
0x3b: {  	v2 =	vld.idx.msk [tilespmem:v59+s3+$0x0], $0xffff  }
0x3c: {  	v4 =	vld.idx.msk [tilespmem:v4+s3+$0x0], $0xffff  }
0x3d: {  	v1 =	vld.idx.msk [tilespmem:v1+s3+$0x0], $0xffff  }
0x3e: {  	v5 =	vld.idx.msk [tilespmem:v5+s3+$0x0], $0xffff;
	_ =	sdelay $0x1  }
0x3f: {  	v3 =	vshll.u32 v3, $0x1  }
0x40: {  	v60 =	vor.u32 $0x1, v3  }
0x41: {  	v0 =	vshll.u32 v0, $0x1;
	v2 =	vsub.f32 v4, v2  }
0x42: {  	v4 =	vor.u32 $0x1, v0;
	v1 =	vsub.f32 v5, v1  }
0x43: {  	v5 =	vld [tilespmem:$0x62C0];
	[tilespmem:$0xA420] =	vst v2  }
0x44: {  	v2 =	vld [tilespmem:$0x6340];
	[tilespmem:$0xA3A0] =	vst v1  }
0x45: {  	v1 =	vld.idx.msk [tilespmem:v60+s3+$0x0], $0xffff  }
0x46: {  	v3 =	vld.idx.msk [tilespmem:v3+s3+$0x0], $0xffff  }
0x47: {  	v4 =	vld.idx.msk [tilespmem:v4+s3+$0x0], $0xffff  }
0x48: {  	v0 =	vld.idx.msk [tilespmem:v0+s3+$0x0], $0xffff;
	_ =	sdelay $0x2  }
0x49: {  	v5 =	vshll.u32 v5, $0x1;
	v2 =	vshll.u32 v2, $0x1  }
0x4a: {  	v1 =	vsub.f32 v1, v4;
	v4 =	vor.u32 $0x1, v5  }
0x4b: {  	v0 =	vsub.f32 v3, v0  }
0x4c: {  	v61 =	vld [tilespmem:$0x6350];
	[tilespmem:$0xA430] =	vst v1;
	v1 =	vor.u32 $0x1, v2  }
0x4d: {  	v3 =	vld [tilespmem:$0x62D0];
	[tilespmem:$0xA3B0] =	vst v0  }
0x4e: {  	v0 =	vld.idx.msk [tilespmem:v2+s3+$0x0], $0xffff  }
0x4f: {  	v2 =	vld.idx.msk [tilespmem:v4+s3+$0x0], $0xffff  }
0x50: {  	v4 =	vld.idx.msk [tilespmem:v5+s3+$0x0], $0xffff  }
0x51: {  	v1 =	vld.idx.msk [tilespmem:v1+s3+$0x0], $0xffff;
	_ =	sdelay $0x2  }
0x52: {  	v3 =	vshll.u32 v3, $0x1  }
0x53: {  	v5 =	vor.u32 $0x1, v3;
	v0 =	vsub.f32 v0, v4  }
0x54: {  	v4 =	vshll.u32 v61, $0x1;
	v1 =	vsub.f32 v1, v2  }
0x55: {  	v62 =	vld [tilespmem:$0x62E0];
	v2 =	vor.u32 $0x1, v4;
	[tilespmem:$0xA3C0] =	vst v0  }
0x56: {  	v0 =	vld [tilespmem:$0x6360];
	[tilespmem:$0xA440] =	vst v1  }
0x57: {  	v1 =	vld.idx.msk [tilespmem:v3+s3+$0x0], $0xffff  }
0x58: {  	v3 =	vld.idx.msk [tilespmem:v5+s3+$0x0], $0xffff  }
0x59: {  	v4 =	vld.idx.msk [tilespmem:v4+s3+$0x0], $0xffff  }
0x5a: {  	v2 =	vld.idx.msk [tilespmem:v2+s3+$0x0], $0xffff;
	_ =	sdelay $0x2  }
0x5b: {  	v5 =	vshll.u32 v62, $0x1;
	v0 =	vshll.u32 v0, $0x1  }
0x5c: {  	v1 =	vsub.f32 v4, v1;
	v4 =	vor.u32 $0x1, v0  }
0x5d: {  	v2 =	vsub.f32 v2, v3  }
0x5e: {  	v63 =	vld [tilespmem:$0x62F0];
	v3 =	vor.u32 $0x1, v5;
	[tilespmem:$0xA3D0] =	vst v1  }
0x5f: {  	[tilespmem:$0xA450] =	vst v2;
	v2 =	vld [tilespmem:$0x6370]  }
0x60: {  	v1 =	vld.idx.msk [tilespmem:v5+s3+$0x0], $0xffff  }
0x61: {  	v4 =	vld.idx.msk [tilespmem:v4+s3+$0x0], $0xffff  }
0x62: {  	v0 =	vld.idx.msk [tilespmem:v0+s3+$0x0], $0xffff  }
0x63: {  	v3 =	vld.idx.msk [tilespmem:v3+s3+$0x0], $0xffff;
	_ =	sdelay $0x2  }
0x64: {  	v5 =	vshll.u32 v63, $0x1  }
0x65: {  	v2 =	vshll.u32 v2, $0x1;
	v0 =	vsub.f32 v0, v1  }
0x66: {  	v3 =	vsub.f32 v4, v3;
	v4 =	vor.u32 $0x1, v2  }
0x67: {  	[tilespmem:$0xA3E0] =	vst v0  }
0x68: {  	[tilespmem:$0xA460] =	vst v3;
	v3 =	vor.u32 $0x1, v5  }
0x69: {  	v0 =	vld.idx.msk [tilespmem:v5+s3+$0x0], $0xffff  }
0x6a: {  	s24 =	simm.s32 $0x10;
	v2 =	vld.idx.msk [tilespmem:v2+s3+$0x0], $0xffff  }
0x6b: {  	s25 =	smov.u32 s6;
	s23 =	simm.s32 $0x0;
	s22 =	smov.u32 s6;
	v1 =	vld.idx.msk [tilespmem:v4+s3+$0x0], $0xffff  }
.LBB2_2:
0x6c: {  	p0 =	sne.s32 s24, $0x7A0  }
0x6d: {  	v3 =	vld.idx.msk [tilespmem:v3+s3+$0x0], $0xffff;
	s25 =	sadd.s32 $0x800, s25;
	s26 =	smov.u32 s24;
	s24 =	sadd.s32 $0x10, s24  }
0x6e: {  	_ =	sdelay $0x3  }
0x6f: {  	v0 =	vsub.f32 v2, v0  }
0x70: {  	v1 =	vsub.f32 v1, v3  }
0x71: {  	[tilespmem:$0xA3F0] =	vst v0  }
0x72: {  	s28 =	sadd.s32 s23, s8;
	[tilespmem:$0xA470] =	vst v1  }
0x73: {  	[hbm4b:s28+s3] =	stream.linear.scatter [tilespmem:s18], [sflag:$0x2], $0x80, $0x38;
	[tilespmem:$0xA480] =	vst v63  }
0x74: {  	_ =	swait.ge [sflag:s12], $0x80  }
0x75: {  	[sflag:s12] =	ssyncset.done $0x0  }
0x76: {  	s28 =	sadd.s32 s23, s7;
	s23 =	smov.u32 s26;
	[sflag:s12] =	ssyncadd.s32 $0xFFFFFF80  }
0x77: {  	[hbm4b:s28+s3] =	stream.linear.scatter [tilespmem:s19], [sflag:$0x2], $0x80, $0x38;
	[tilespmem:$0xA480] =	vst v63  }
0x78: {  	_ =	swait.ge [sflag:s12], $0x80  }
0x79: {  	[sflag:s12] =	ssyncset.done $0x0  }
0x7a: {  	[sflag:s12] =	ssyncadd.s32 $0xFFFFFF80  }
0x7b: {  	_ =	swait.ge [sflag:s20], $0x4000  }
0x7c: {  	[sflag:s20] =	ssyncset.done $0x0  }
0x7d: {  	[sflag:s20] =	ssyncadd.s32 $0xFFFFC000  }
0x7e: {  	[hbm4b:s22+s3] =	stream.linear.scatter [tilespmem:s17], [sflag:$0x2], $0x4000, $0x38;
	[tilespmem:$0xA480] =	vst v63  }
0x7f: {  	s22 =	smov.u32 s25;
	_ =	swait.ge [sflag:s12], $0x4000  }
0x80: {  	[sflag:s12] =	ssyncset.done $0x0  }
0x81: {  	s26 =	sadd.s32 s23, s11;
	[sflag:s12] =	ssyncadd.s32 $0xFFFFC000  }
0x82: {  	[tilespmem:s13], [sflag:$0x2] =	stream.linear.gather [hbm4b:s26+s3], $0x80, $0x38;
	[tilespmem:$0xA480] =	vst v63  }
0x83: {  	_ =	swait.ge [sflag:s12], $0x80  }
0x84: {  	[sflag:s12] =	ssyncset.done $0x0  }
0x85: {  	s26 =	sadd.s32 s23, s10;
	[sflag:s12] =	ssyncadd.s32 $0xFFFFFF80  }
0x86: {  	[tilespmem:s14], [sflag:$0x2] =	stream.linear.gather [hbm4b:s26+s3], $0x80, $0x38;
	[tilespmem:$0xA480] =	vst v63  }
0x87: {  	_ =	swait.ge [sflag:s12], $0x80  }
0x88: {  	[sflag:s12] =	ssyncset.done $0x0  }
0x89: {  	s26 =	sadd.s32 s23, s9;
	[sflag:s12] =	ssyncadd.s32 $0xFFFFFF80  }
0x8a: {  	[tilespmem:s15], [sflag:$0x2] =	stream.linear.gather [hbm4b:s26+s3], $0x80, $0x38;
	[tilespmem:$0xA480] =	vst v63  }
0x8b: {  	_ =	swait.ge [sflag:s12], $0x80  }
0x8c: {  	[sflag:s12] =	ssyncset.done $0x0  }
0x8d: {  	[sflag:s12] =	ssyncadd.s32 $0xFFFFFF80  }
0x8e: {  	[tilespmem:s17], [sflag:$0x1] =	stream.indirect.gather [hbm4b:s2+s16], $0x80, s13, s16, $0xb8;
	[tilespmem:$0xA480] =	vst v63  }
0x8f: {  	v0 =	vld [tilespmem:$0x6280]  }
0x90: {  	v1 =	vld [tilespmem:$0x6300]  }
0x91: {  	v2 =	vld [tilespmem:$0x6290]  }
0x92: {  	v3 =	vld [tilespmem:$0x6310]  }
0x93: {  	v4 =	vld [tilespmem:$0x62A0]  }
0x94: {  	v0 =	vshll.u32 v0, $0x1;
	v5 =	vld [tilespmem:$0x6320]  }
0x95: {  	v1 =	vshll.u32 v1, $0x1;
	v6 =	vor.u32 $0x1, v0;
	v7 =	vld [tilespmem:$0x6330]  }
0x96: {  	v8 =	vor.u32 $0x1, v1;
	v9 =	vld [tilespmem:$0x62B0]  }
0x97: {  	v10 =	vld [tilespmem:$0x62C0]  }
0x98: {  	v11 =	vld [tilespmem:$0x6340]  }
0x99: {  	v12 =	vld.idx.msk [tilespmem:v0+s3+$0x0], $0xffff  }
0x9a: {  	v0 =	vld.idx.msk [tilespmem:v6+s3+$0x0], $0xffff  }
0x9b: {  	v6 =	vld.idx.msk [tilespmem:v8+s3+$0x0], $0xffff  }
0x9c: {  	v1 =	vld.idx.msk [tilespmem:v1+s3+$0x0], $0xffff  }
0x9d: {  	v8 =	vld [tilespmem:$0x62D0]  }
0x9e: {  	v13 =	vld [tilespmem:$0x6350]  }
0x9f: {  	v14 =	vld [tilespmem:$0x62E0]  }
0xa0: {  	v2 =	vshll.u32 v2, $0x1;
	v3 =	vshll.u32 v3, $0x1;
	v15 =	vld [tilespmem:$0x6360]  }
0xa1: {  	v16 =	vor.u32 $0x1, v2;
	v6 =	vsub.f32 v6, v0;
	v0 =	vld [tilespmem:$0x62F0]  }
0xa2: {  	v12 =	vsub.f32 v1, v12;
	v1 =	vld [tilespmem:$0x6370]  }
0xa3: {  	[tilespmem:$0xA400] =	vst v6;
	v6 =	vor.u32 $0x1, v3  }
0xa4: {  	[tilespmem:$0xA380] =	vst v12  }
0xa5: {  	v3 =	vld.idx.msk [tilespmem:v3+s3+$0x0], $0xffff  }
0xa6: {  	v2 =	vld.idx.msk [tilespmem:v2+s3+$0x0], $0xffff  }
0xa7: {  	v12 =	vld.idx.msk [tilespmem:v16+s3+$0x0], $0xffff  }
0xa8: {  	v6 =	vld.idx.msk [tilespmem:v6+s3+$0x0], $0xffff;
	_ =	sdelay $0x2  }
0xa9: {  	v4 =	vshll.u32 v4, $0x1  }
0xaa: {  	v5 =	vshll.u32 v5, $0x1;
	v16 =	vor.u32 $0x1, v4  }
0xab: {  	v2 =	vsub.f32 v3, v2;
	v3 =	vor.u32 $0x1, v5  }
0xac: {  	v6 =	vsub.f32 v6, v12  }
0xad: {  	[tilespmem:$0xA390] =	vst v2  }
0xae: {  	[tilespmem:$0xA410] =	vst v6  }
0xaf: {  	v2 =	vld.idx.msk [tilespmem:v16+s3+$0x0], $0xffff  }
0xb0: {  	v3 =	vld.idx.msk [tilespmem:v3+s3+$0x0], $0xffff  }
0xb1: {  	v4 =	vld.idx.msk [tilespmem:v4+s3+$0x0], $0xffff  }
0xb2: {  	v5 =	vld.idx.msk [tilespmem:v5+s3+$0x0], $0xffff;
	_ =	sdelay $0x2  }
0xb3: {  	v6 =	vshll.u32 v7, $0x1  }
0xb4: {  	v7 =	vor.u32 $0x1, v6;
	v2 =	vsub.f32 v3, v2;
	v3 =	vshll.u32 v9, $0x1  }
0xb5: {  	v9 =	vor.u32 $0x1, v3  }
0xb6: {  	v4 =	vsub.f32 v5, v4;
	[tilespmem:$0xA420] =	vst v2;
	_ =	sdelay $0x1  }
0xb7: {  	[tilespmem:$0xA3A0] =	vst v4  }
0xb8: {  	v2 =	vld.idx.msk [tilespmem:v7+s3+$0x0], $0xffff  }
0xb9: {  	v4 =	vld.idx.msk [tilespmem:v9+s3+$0x0], $0xffff  }
0xba: {  	v5 =	vld.idx.msk [tilespmem:v6+s3+$0x0], $0xffff  }
0xbb: {  	v3 =	vld.idx.msk [tilespmem:v3+s3+$0x0], $0xffff;
	_ =	sdelay $0x3  }
0xbc: {  	v6 =	vshll.u32 v11, $0x1;
	v2 =	vsub.f32 v2, v4;
	v4 =	vshll.u32 v10, $0x1  }
0xbd: {  	v7 =	vor.u32 $0x1, v4  }
0xbe: {  	v3 =	vsub.f32 v5, v3;
	[tilespmem:$0xA430] =	vst v2  }
0xbf: {  	v2 =	vor.u32 $0x1, v6  }
0xc0: {  	[tilespmem:$0xA3B0] =	vst v3  }
0xc1: {  	v3 =	vld.idx.msk [tilespmem:v6+s3+$0x0], $0xffff  }
0xc2: {  	v5 =	vld.idx.msk [tilespmem:v7+s3+$0x0], $0xffff  }
0xc3: {  	v4 =	vld.idx.msk [tilespmem:v4+s3+$0x0], $0xffff  }
0xc4: {  	v2 =	vld.idx.msk [tilespmem:v2+s3+$0x0], $0xffff;
	_ =	sdelay $0x3  }
0xc5: {  	v6 =	vshll.u32 v8, $0x1  }
0xc6: {  	v7 =	vor.u32 $0x1, v6;
	v3 =	vsub.f32 v3, v4;
	v4 =	vshll.u32 v13, $0x1  }
0xc7: {  	v2 =	vsub.f32 v2, v5;
	v5 =	vor.u32 $0x1, v4  }
0xc8: {  	[tilespmem:$0xA3C0] =	vst v3  }
0xc9: {  	[tilespmem:$0xA440] =	vst v2  }
0xca: {  	v2 =	vld.idx.msk [tilespmem:v6+s3+$0x0], $0xffff  }
0xcb: {  	v3 =	vld.idx.msk [tilespmem:v7+s3+$0x0], $0xffff  }
0xcc: {  	v5 =	vld.idx.msk [tilespmem:v5+s3+$0x0], $0xffff  }
0xcd: {  	v4 =	vld.idx.msk [tilespmem:v4+s3+$0x0], $0xffff;
	_ =	sdelay $0x3  }
0xce: {  	v6 =	vshll.u32 v14, $0x1  }
0xcf: {  	v7 =	vor.u32 $0x1, v6;
	v3 =	vsub.f32 v5, v3;
	v5 =	vshll.u32 v15, $0x1  }
0xd0: {  	v2 =	vsub.f32 v4, v2;
	v4 =	vor.u32 $0x1, v5  }
0xd1: {  	[tilespmem:$0xA450] =	vst v3  }
0xd2: {  	[tilespmem:$0xA3D0] =	vst v2  }
0xd3: {  	v2 =	vld.idx.msk [tilespmem:v6+s3+$0x0], $0xffff  }
0xd4: {  	v3 =	vld.idx.msk [tilespmem:v7+s3+$0x0], $0xffff  }
0xd5: {  	v4 =	vld.idx.msk [tilespmem:v4+s3+$0x0], $0xffff  }
0xd6: {  	v5 =	vld.idx.msk [tilespmem:v5+s3+$0x0], $0xffff;
	_ =	sdelay $0x3  }
0xd7: {  	v0 =	vshll.u32 v0, $0x1;
	v6 =	vshll.u32 v1, $0x1  }
0xd8: {  	v1 =	vsub.f32 v4, v3;
	v4 =	vor.u32 $0x1, v6  }
0xd9: {  	v2 =	vsub.f32 v5, v2  }
.Ltmp0:
0xda: {  	v3 =	vor.u32 $0x1, v0;
	[tilespmem:$0xA460] =	vst v1;
	(pc) =	sbr.rel @p0 .LBB2_2-.Ltmp0, $4  }
0xdb: {  	[tilespmem:$0xA3E0] =	vst v2  }
0xdc: {  	v0 =	vld.idx.msk [tilespmem:v0+s3+$0x0], $0xffff  }
0xdd: {  	v1 =	vld.idx.msk [tilespmem:v4+s3+$0x0], $0xffff  }
0xde: {  	v2 =	vld.idx.msk [tilespmem:v6+s3+$0x0], $0xffff  }
0xdf: {  	_ =	sdelay $0x3  }
0xe0: {  	v3 =	vld.idx.msk [tilespmem:v3+s3+$0x0], $0xffff;
	_ =	sdelay $0x3  }
0xe1: {  	v0 =	vsub.f32 v2, v0  }
0xe2: {  	v1 =	vsub.f32 v1, v3  }
0xe3: {  	[tilespmem:$0xA3F0] =	vst v0  }
0xe4: {  	s24 =	sadd.s32 s23, s8;
	[tilespmem:$0xA470] =	vst v1  }
0xe5: {  	[hbm4b:s24+s3] =	stream.linear.scatter [tilespmem:s18], [sflag:$0x2], $0x80, $0x38;
	[tilespmem:$0xA480] =	vst v63  }
0xe6: {  	_ =	swait.ge [sflag:s12], $0x80  }
0xe7: {  	[sflag:s12] =	ssyncset.done $0x0  }
0xe8: {  	s31 =	sadd.s32 s23, s7;
	[sflag:s12] =	ssyncadd.s32 $0xFFFFFF80  }
0xe9: {  	[hbm4b:s31+s3] =	stream.linear.scatter [tilespmem:s19], [sflag:$0x2], $0x80, $0x38;
	[tilespmem:$0xA480] =	vst v63  }
0xea: {  	_ =	swait.ge [sflag:s12], $0x80  }
0xeb: {  	[sflag:s12] =	ssyncset.done $0x0  }
0xec: {  	[sflag:s12] =	ssyncadd.s32 $0xFFFFFF80  }
0xed: {  	s21 =	sadd.s32 $0x1, s21;
	_ =	swait.ge [sflag:s20], $0x4000  }
0xee: {  	p0 =	sne.s32 s21, s5;
	[sflag:s20] =	ssyncset.done $0x0  }
.Ltmp1:
0xef: {  	[sflag:s20] =	ssyncadd.s32 $0xFFFFC000;
	(pc) =	sbr.rel @p0 .LBB2_1-.Ltmp1, $4  }
0xf0: {  	[hbm4b:s22+s3] =	stream.linear.scatter [tilespmem:s17], [sflag:$0x2], $0x4000, $0x38;
	[tilespmem:$0xA480] =	vst v63  }
0xf1: {  	_ =	swait.ge [sflag:s12], $0x4000  }
0xf2: {  	[sflag:s12] =	ssyncset.done $0x0  }
0xf3: {  	[sflag:s12] =	ssyncadd.s32 $0xFFFFC000  }
0xf4: {  	_ =	sfence.sel $0x180000  }
0xf5: {  	[bflag:$0x0] =	sbarrier.arrive $0xFFFF  }
0xf6: {  	p0 =	sne.s32 s1, $0x0;
	_ =	strace $0x90000047  }
0xf7: {  	s0 =	sadd.s32 @!p0 $0x100000, s0;
	[bflag:$0x2] =	sbarrier.arrive $0xFFFF  }
0xf8: {  	[sflag:s0] =	ssyncadd.tile.s32 @!p0 $0x1;
	_ =	shalt  }
.Lfunc_end2:
_tile_overlayer_lowered:
.L_overlay_start_2:
0xf9: {  	(tag) =	ssettag $0x2  }
0xfa: {  	s0 =	rddreg [dreg:$0x0];
	s2 =	stileid.u32  }
0xfb: {  	s1 =	rddreg [dreg:$0x1];
	p0 =	sne.s32 s2, $0x0  }
0xfc: {  	s3 =	rddreg [dreg:$0x2];
	[bflag:$0x3] =	sbarrier.arrive $0xFFFF;
	s2 =	simm.s32 @!p0 $0x1C02  }
0xfd: {  	[timem:s3], [sflag:s2] =	dma.local @!p0 [hbm:s0], s1  }
0xfe: {  	s0 =	simm.s32 @!p0 $0x2  }
0xff: {  	_ =	swait.ge @!p0 [sflag:s0], s1  }
0x100: {  	s1 =	ssub.s32 @!p0 $0x0, s1;
	[sflag:s0] =	ssyncset.done @!p0 $0x0  }
0x101: {  	[sflag:s0] =	ssyncadd.s32 @!p0 s1  }
0x102: {  	[bflag:$0x3] =	sbarrier.arrive $0xFFFF  }
0x103: {  	_ =	shalt  }

// kernel: scatter_offload_async_start.1
scs
__scs_entry_jumppad:
0x0: {  	(pc) =	sbr.rel $0x88, $3  }
0x1: {  	(tag) =	ssettag $0x0;
	lr =	simm.s32 $0x1  }
0x2: {  	[smem:$0x3F8F] =	sst lr;
	_ =	strace $0xD0000000  }
0x3: {  	_ = 	snop  }
0x4: {  	_ = 	snop  }
0x5: {  	_ = 	snop  }
0x6: {  	_ = 	snop  }
0x7: {  	_ = 	snop  }
__scs_overlays_trampoline_lowered:
0x8: {  	[smem:$0x3F9E] =	sst s0  }
0x9: {  	[smem:$0x3F9F] =	sst s1  }
0xa: {  	[smem:$0x3FA0] =	sst s2  }
0xb: {  	[smem:$0x3FA1] =	sst s3  }
0xc: {  	[smem:$0x3FA2] =	sst s4  }
0xd: {  	[smem:$0x3FA3] =	sst s5  }
0xe: {  	[smem:$0x3FA4] =	sst s6  }
0xf: {  	[smem:$0x3FA5] =	sst s7  }
0x10: {  	[smem:$0x3FA6] =	sst s8  }
0x11: {  	[smem:$0x3FA7] =	sst s9;
	s0 =	simm.s32 @!p0 $0x0  }
0x12: {  	s1 =	sld [smem:$0x3F8D];
	s0 =	simm.s32 @p0 $0x1  }
0x13: {  	[smem:$0x3FA8] =	sst s0;
	s0 =	simm.s32 @!p1 $0x0  }
0x14: {  	s2 =	sld [smem:$0x3F8C];
	s0 =	simm.s32 @p1 $0x1  }
0x15: {  	[smem:$0x3FA9] =	sst s0;
	s0 =	simm.s32 @!p2 $0x0  }
0x16: {  	s3 =	sld [smem:$0x3FDB];
	s0 =	simm.s32 @p2 $0x1  }
0x17: {  	s4 =	simm.s32 $0x1BF5;
	[smem:$0x3FAB] =	sst s0  }
0x18: {  	s0 =	sld [smem:$0x3F8E];
	_ =	swait.ge [sflag:s4], $0x0  }
0x19: {  	s7 =	sld [smem:$0x3F8F]  }
0x1a: {  	s8 =	sadd.s32 $0xFFFFE003, lr  }
0x1b: {  	s9 =	sadd.s32 $0xFFFFFEF7, lr;
	s5 =	simm.s32 $0xFFFFFFFF;
	p2 =	slt.u32 s8, $0xFFFFF086  }
0x1c: {  	p1 =	slt.u32 s9, $0xF7A;
	s5 =	simm.s32 @!p2 $0x0  }
0x1d: {  	s5 =	simm.s32 @p1 $0x1;
	p0 =	seq.s32 s7, s2  }
0x1e: {  	s7 =	smul.u32 @!p0 $0xF7A, s2;
	p2 =	seq.s32 @!p0 s5, $0x0  }
0x1f: {  	s9 =	smul.u32 $0xF7A, s1;
	s8 =	simm.s32 @!p0 $0x1BF5;
	p2 =	por !p2, p0  }
0x20: {  	[sflag:s8] =	ssyncset.s32 @!p0 $0xFFFFF086;
	s6 =	sadd.s32 @!p0 s3, s7;
	s7 =	simm.s32 @!p0 $0x108  }
0x21: {  	s3 =	sadd.s32 s3, s9;
	s6 =	sadd.s32 @!p0 $0x88, s6;
	s7 =	simm.s32 @p2 $0x1082  }
0x22: {  	[simem:s7], [sflag:s8] =	dma.local @!p0 [hbm:s6], $0xF7A  }
0x23: {  	s9 =	sor.u32 $0xD0000000, s2;
	s6 =	simm.s32 $0x108;
	_ =	swait.ge @!p0 [sflag:s8], $0x0  }
0x24: {  	s3 =	sadd.s32 $0x88, s3;
	s6 =	simm.s32 @!p1 $0x1082;
	[sflag:s4] =	ssyncset.s32 $0xFFFFF086  }
0x25: {  	[simem:s6], [sflag:s4] =	dma.local [hbm:s3], $0xF7A  }
0x26: {  	[smem:$0x3F8F] =	sst s1;
	(tag) =	ssettag s2;
	_ =	strace s9  }
0x27: {  	s1 =	sld [smem:$0x3F9F]  }
0x28: {  	s2 =	sld [smem:$0x3FA0]  }
0x29: {  	s4 =	sld [smem:$0x3FA2]  }
0x2a: {  	p0 =	seq.s32 s5, $0x0;
	s5 =	sld [smem:$0x3FA3]  }
0x2b: {  	s6 =	sld [smem:$0x3FA4]  }
0x2c: {  	s7 =	sld [smem:$0x3FA5]  }
0x2d: {  	s3 =	simm.s32 $0x108;
	s8 =	sld [smem:$0x3FA6]  }
0x2e: {  	s3 =	simm.s32 @!p0 $0x1082;
	s9 =	sld [smem:$0x3FA7]  }
0x2f: {  	lr =	sadd.s32 s0, s3;
	s0 =	sld [smem:$0x3F9E]  }
0x30: {  	s3 =	sld [smem:$0x3FA1]  }
0x31: {  	[smem:$0x3FAA] =	sst s10  }
0x32: {  	s10 =	sld [smem:$0x3FA8];
	_ =	sdelay $0x3  }
0x33: {  	p0 =	seq.s32 s10, $0x1;
	s10 =	sld [smem:$0x3FAA];
	_ =	sdelay $0x3  }
0x34: {  	[smem:$0x3FAA] =	sst s10  }
0x35: {  	s10 =	sld [smem:$0x3FA9];
	_ =	sdelay $0x3  }
0x36: {  	p1 =	seq.s32 s10, $0x1;
	s10 =	sld [smem:$0x3FAA];
	_ =	sdelay $0x3  }
0x37: {  	[smem:$0x3FAA] =	sst s10  }
0x38: {  	s10 =	sld [smem:$0x3FAB]  }
0x39: {  	_ = 	snop;
	(pc) =	sbr.ind lr, $3  }
0x3a: {  	_ = 	snop  }
0x3b: {  	_ = 	snop  }
0x3c: {  	p2 =	seq.s32 s10, $0x1;
	s10 =	sld [smem:$0x3FAA]  }
0x3d: {  	_ =	shalt  }
0x3e: {  	_ =	shalt  }
0x3f: {  	_ =	shalt  }
0x40: {  	_ =	shalt  }
0x41: {  	_ =	shalt  }
0x42: {  	_ =	shalt  }
0x43: {  	_ =	shalt  }
0x44: {  	_ =	shalt  }
0x45: {  	_ =	shalt  }
0x46: {  	_ =	shalt  }
0x47: {  	_ =	shalt  }
0x48: {  	_ =	shalt  }
0x49: {  	_ =	shalt  }
0x4a: {  	_ =	shalt  }
0x4b: {  	_ =	shalt  }
0x4c: {  	_ =	shalt  }
0x4d: {  	_ =	shalt  }
0x4e: {  	_ =	shalt  }
0x4f: {  	_ =	shalt  }
0x50: {  	_ =	shalt  }
0x51: {  	_ =	shalt  }
0x52: {  	_ =	shalt  }
0x53: {  	_ =	shalt  }
0x54: {  	_ =	shalt  }
0x55: {  	_ =	shalt  }
0x56: {  	_ =	shalt  }
0x57: {  	_ =	shalt  }
0x58: {  	_ =	shalt  }
0x59: {  	_ =	shalt  }
0x5a: {  	_ =	shalt  }
0x5b: {  	_ =	shalt  }
0x5c: {  	_ =	shalt  }
0x5d: {  	_ =	shalt  }
0x5e: {  	_ =	shalt  }
0x5f: {  	_ =	shalt  }
0x60: {  	_ =	shalt  }
0x61: {  	_ =	shalt  }
0x62: {  	_ =	shalt  }
0x63: {  	_ =	shalt  }
0x64: {  	_ =	shalt  }
0x65: {  	_ =	shalt  }
0x66: {  	_ =	shalt  }
0x67: {  	_ =	shalt  }
0x68: {  	_ =	shalt  }
0x69: {  	_ =	shalt  }
0x6a: {  	_ =	shalt  }
0x6b: {  	_ =	shalt  }
0x6c: {  	_ =	shalt  }
0x6d: {  	_ =	shalt  }
0x6e: {  	_ =	shalt  }
0x6f: {  	_ =	shalt  }
0x70: {  	_ =	shalt  }
0x71: {  	_ =	shalt  }
0x72: {  	_ =	shalt  }
0x73: {  	_ =	shalt  }
0x74: {  	_ =	shalt  }
0x75: {  	_ =	shalt  }
0x76: {  	_ =	shalt  }
0x77: {  	_ =	shalt  }
0x78: {  	_ =	shalt  }
0x79: {  	_ =	shalt  }
0x7a: {  	_ =	shalt  }
0x7b: {  	_ =	shalt  }
0x7c: {  	_ =	shalt  }
0x7d: {  	_ =	shalt  }
0x7e: {  	_ =	shalt  }
0x7f: {  	_ =	shalt  }
0x80: {  	_ =	shalt  }
0x81: {  	_ =	shalt  }
0x82: {  	_ =	shalt  }
0x83: {  	_ =	shalt  }
0x84: {  	_ =	shalt  }
0x85: {  	_ =	shalt  }
0x86: {  	_ =	shalt  }
0x87: {  	_ =	shalt  }
.Lfunc_end0:
.L_simem_size_0:
called_computation.1_lowered:
.L_overlay_start_0:
0x88: {  	s2 =	sld [smem:$0x3FD9]  }
0x89: {  	s3 =	sld [smem:$0x3FFE];
	_ =	sdelay $0x1  }
0x8a: {  	s1 =	srdreg.scid  }
0x8b: {  	s0 =	sand.u32 $0x1, s1  }
0x8c: {  	s16 =	sshll.u32 s0, $0xA;
	s2 =	sadd.s32 s3, s2  }
0x8d: {  	s2 =	sadd.s32 s2, s16  }
0x8e: {  	[smem:$0x3FB6] =	sst s2  }
0x8f: {  	_ = 	snop  }
0x90: {  	s2 =	sld [smem:$0x3FD0];
	(tm) =	ssettm $0x1  }
0x91: {  	s17 =	sld [smem:$0x3FFB];
	_ =	sdelay $0x3  }
0x92: {  	_ =	strace s17  }
0x93: {  	s3 =	sld [smem:$0x3FFC];
	_ =	sdelay $0x3  }
0x94: {  	_ =	strace s3  }
0x95: {  	s3 =	sld [smem:$0x3FFD];
	_ =	sdelay $0x3  }
0x96: {  	_ =	strace s3  }
0x97: {  	_ =	strace $0x8FFFFFFF  }
0x98: {  	s18 =	sld [smem:$0x3FDB];
	_ =	sdelay $0x1  }
0x99: {  	s4 =	simm.s32 $_scs_section_size  }
0x9a: {  	s5 =	simm.s32 $_size__tile_overlayer_lowered;
	s6 =	simm.s32 $_tile_overlayer_lowered  }
0x9b: {  	s21 =	simm.s32 $0x1BFF;
	s20 =	sshll.u32 s6, $0x1;
	s3 =	sadd.s32 s4, s18  }
0x9c: {  	s7 =	simm.s32 $0x0;
	s19 =	sshll.u32 s5, $0x1;
	s5 =	sadd.s32 s20, s3  }
0x9d: {  	[timem:s7], [sflag:s21] =	dma.local [hbm:s5], s19  }
0x9e: {  	_ =	swait.ge [sflag:s21], s19  }
0x9f: {  	s4 =	ssub.s32 $0x0, s19;
	[sflag:s21] =	ssyncset.done $0x0  }
0xa0: {  	[sflag:s21] =	ssyncadd.s32 s4;
	_ =	sdelay $0x1  }
0xa1: {  	s22 =	simm.s32 $0x1B8B  }
0xa2: {  	_ =	swait.ge [sflag:s22], $0x1  }
0xa3: {  	[sflag:s22] =	ssyncset.done $0x0  }
0xa4: {  	s23 =	sld [smem:$0x3FFE];
	[sflag:s22] =	ssyncadd.s32 $0xFFFFFFFF  }
0xa5: {  	s25 =	simm.s32 $0x1B8E;
	s24 =	sld [smem:$0x0]  }
0xa6: {  	s26 =	simm.s32 $execute0_lowered;
	[smem:$0x3FD2] =	sst s25  }
0xa7: {  	s6 =	sshll.u32 s26, $0x1;
	_ =	strace $0x80000049;
	[dreg:$0x1] =	wrdreg $0xFFFFFFFF  }
0xa8: {  	s28 =	simm.s32 $_size_execute0_lowered;
	s3 =	sadd.s32 s3, s6;
	[dreg:$0x0] =	wrdreg $0x0  }
0xa9: {  	s6 =	sshll.u32 s28, $0x1;
	[dreg:$0x2] =	wrdreg s3  }
0xaa: {  	[dreg:$0x3] =	wrdreg s6  }
0xab: {  	[dreg:$0x4] =	wrdreg $0xC0  }
0xac: {  	_ =	task [dreg:s7], $0x5FFFF  }
0xad: {  	[dreg:$0x1] =	wrdreg $0xFFFFFFFF  }
0xae: {  	[dreg:$0x0] =	wrdreg $0x60  }
0xaf: {  	[dreg:$0x2] =	wrdreg s23  }
0xb0: {  	[dreg:$0x3] =	wrdreg s2  }
0xb1: {  	[dreg:$0x4] =	wrdreg s1  }
0xb2: {  	[dreg:$0x5] =	wrdreg s24  }
0xb3: {  	[dreg:$0x6] =	wrdreg $0xA  }
0xb4: {  	_ =	task.clear_ibuf [dreg:s7], $0x7FFFF;
	_ =	strace $0x90000049  }
0xb5: {  	s29 =	simm.s32 $0xA;
	_ =	strace $0x8000004B  }
0xb6: {  	_ =	swait.ge [sflag:s29], $0x1  }
0xb7: {  	[sflag:s29] =	ssyncadd.s32 $0xFFFFFFFF  }
0xb8: {  	_ =	strace $0x9000004B  }
0xb9: {  	_ =	sfence  }
0xba: {  	s30 =	sld [smem:$0x0];
	_ =	sdelay $0x2  }
0xbb: {  	s31 =	sshll.u32 s1, $0xD;
	s1 =	sshrl.u32 s1, $0x2  }
0xbc: {  	s3 =	sand.u32 $0x4000, s31;
	s1 =	sadd.s32 s1, s30  }
0xbd: {  	s0 =	sor.u32 s3, s0;
	s1 =	sshll.u32 s1, $0x11  }
0xbe: {  	s0 =	sor.u32 s1, s0  }
0xbf: {  	s0 =	sadd.s32 $0x8F2B, s0  }
0xc0: {  	[sflag:s0] =	ssyncadd.remote.s32 $0x1  }
0xc1: {  	_ =	sfence.sel $0xFFFF  }
0xc2: {  	[dreg:$0x0] =	wrdreg $0xFFFFFFFF;
	(pc) =	sbr.abs _section_cstart, $3  }
0xc3: {  	[dreg:$0x1] =	wrdreg $0xFFFFFFFF  }
0xc4: {  	_ =	task.clear_ibuf [dreg:s7], $0x2FFFF;
	_ =	strace $0x9FFFFFFF  }
0xc5: {  	(tm) =	ssettm $0x7FFFFFFF  }
tec
execute0_lowered:
.L_overlay_start_1:
0x0: {  	(tag) =	ssettag $0x1  }
0x1: {  	s8 =	rddreg [dreg:$0x0]  }
0x2: {  	s7 =	rddreg [dreg:$0x1]  }
0x3: {  	s0 =	rddreg [dreg:$0x2];
	_ =	strace $0x8000004A;
	s9 =	simm.s32 $0x1  }
0x4: {  	v0 =	vimm.s32 $0x0;
	[sflag:s9] =	ssyncpa.u1 $0x0  }
0x5: {  	[tilespmem:$0x48] =	vst v0  }
0x6: {  	[tilespmem:$0x58] =	vst v0  }
0x7: {  	[tilespmem:$0x68] =	vst v0  }
0x8: {  	[tilespmem:$0x78] =	vst v0  }
0x9: {  	[tilespmem:$0x88] =	vst v0  }
0xa: {  	[tilespmem:$0x98] =	vst v0  }
0xb: {  	[tilespmem:$0xA8] =	vst v0  }
0xc: {  	[tilespmem:$0xB8] =	vst v0  }
0xd: {  	[tilespmem:$0xC8] =	vst v0  }
0xe: {  	[tilespmem:$0xD8] =	vst v0  }
0xf: {  	[tilespmem:$0xE8] =	vst v0  }
0x10: {  	[tilespmem:$0xF8] =	vst v0  }
0x11: {  	[tilespmem:$0x108] =	vst v0  }
0x12: {  	[tilespmem:$0x118] =	vst v0  }
0x13: {  	[tilespmem:$0x128] =	vst v0  }
0x14: {  	[tilespmem:$0x138] =	vst v0  }
0x15: {  	[tilespmem:$0x148] =	vst v0  }
0x16: {  	[tilespmem:$0x158] =	vst v0  }
0x17: {  	[tilespmem:$0x168] =	vst v0  }
0x18: {  	[tilespmem:$0x178] =	vst v0  }
0x19: {  	[tilespmem:$0x188] =	vst v0  }
0x1a: {  	[tilespmem:$0x198] =	vst v0  }
0x1b: {  	[tilespmem:$0x1A8] =	vst v0  }
0x1c: {  	[tilespmem:$0x1B8] =	vst v0  }
0x1d: {  	[tilespmem:$0x1C8] =	vst v0  }
0x1e: {  	[tilespmem:$0x1D8] =	vst v0  }
0x1f: {  	[tilespmem:$0x1E8] =	vst v0  }
0x20: {  	[tilespmem:$0x1F8] =	vst v0  }
0x21: {  	[tilespmem:$0x208] =	vst v0  }
0x22: {  	[tilespmem:$0x218] =	vst v0  }
0x23: {  	[tilespmem:$0x228] =	vst v0  }
0x24: {  	[tilespmem:$0x238] =	vst v0  }
0x25: {  	[tilespmem:$0x248] =	vst v0  }
0x26: {  	[tilespmem:$0x258] =	vst v0  }
0x27: {  	[tilespmem:$0x268] =	vst v0  }
0x28: {  	[tilespmem:$0x278] =	vst v0  }
0x29: {  	[tilespmem:$0x288] =	vst v0  }
0x2a: {  	[tilespmem:$0x298] =	vst v0  }
0x2b: {  	[tilespmem:$0x2A8] =	vst v0  }
0x2c: {  	[tilespmem:$0x2B8] =	vst v0  }
0x2d: {  	[tilespmem:$0x2C8] =	vst v0  }
0x2e: {  	[tilespmem:$0x2D8] =	vst v0  }
0x2f: {  	[tilespmem:$0x2E8] =	vst v0  }
0x30: {  	[tilespmem:$0x2F8] =	vst v0  }
0x31: {  	[tilespmem:$0x308] =	vst v0  }
0x32: {  	[tilespmem:$0x318] =	vst v0  }
0x33: {  	[tilespmem:$0x328] =	vst v0  }
0x34: {  	[tilespmem:$0x338] =	vst v0  }
0x35: {  	[tilespmem:$0x348] =	vst v0  }
0x36: {  	[tilespmem:$0x358] =	vst v0  }
0x37: {  	[tilespmem:$0x368] =	vst v0  }
0x38: {  	[tilespmem:$0x378] =	vst v0  }
0x39: {  	[tilespmem:$0x388] =	vst v0  }
0x3a: {  	[tilespmem:$0x398] =	vst v0  }
0x3b: {  	[tilespmem:$0x3A8] =	vst v0  }
0x3c: {  	[tilespmem:$0x3B8] =	vst v0  }
0x3d: {  	[tilespmem:$0x3C8] =	vst v0  }
0x3e: {  	[tilespmem:$0x3D8] =	vst v0  }
0x3f: {  	[tilespmem:$0x3E8] =	vst v0  }
0x40: {  	[tilespmem:$0x3F8] =	vst v0  }
0x41: {  	[tilespmem:$0x408] =	vst v0  }
0x42: {  	[tilespmem:$0x418] =	vst v0  }
0x43: {  	[tilespmem:$0x428] =	vst v0  }
0x44: {  	[tilespmem:$0x438] =	vst v0  }
0x45: {  	[tilespmem:$0x448] =	vst v0  }
0x46: {  	[tilespmem:$0x458] =	vst v0  }
0x47: {  	[tilespmem:$0x468] =	vst v0  }
0x48: {  	[tilespmem:$0x478] =	vst v0  }
0x49: {  	[tilespmem:$0x488] =	vst v0  }
0x4a: {  	[tilespmem:$0x498] =	vst v0  }
0x4b: {  	[tilespmem:$0x4A8] =	vst v0  }
0x4c: {  	[tilespmem:$0x4B8] =	vst v0  }
0x4d: {  	[tilespmem:$0x4C8] =	vst v0  }
0x4e: {  	[tilespmem:$0x4D8] =	vst v0  }
0x4f: {  	[tilespmem:$0x4E8] =	vst v0  }
0x50: {  	[tilespmem:$0x4F8] =	vst v0  }
0x51: {  	[tilespmem:$0x508] =	vst v0  }
0x52: {  	[tilespmem:$0x518] =	vst v0  }
0x53: {  	[tilespmem:$0x528] =	vst v0  }
0x54: {  	[tilespmem:$0x538] =	vst v0  }
0x55: {  	[tilespmem:$0x548] =	vst v0  }
0x56: {  	[tilespmem:$0x558] =	vst v0  }
0x57: {  	[tilespmem:$0x568] =	vst v0  }
0x58: {  	[tilespmem:$0x578] =	vst v0  }
0x59: {  	[tilespmem:$0x588] =	vst v0  }
0x5a: {  	[tilespmem:$0x598] =	vst v0  }
0x5b: {  	[tilespmem:$0x5A8] =	vst v0  }
0x5c: {  	[tilespmem:$0x5B8] =	vst v0  }
0x5d: {  	[tilespmem:$0x5C8] =	vst v0  }
0x5e: {  	[tilespmem:$0x5D8] =	vst v0  }
0x5f: {  	[tilespmem:$0x5E8] =	vst v0  }
0x60: {  	[tilespmem:$0x5F8] =	vst v0  }
0x61: {  	[tilespmem:$0x608] =	vst v0  }
0x62: {  	[tilespmem:$0x618] =	vst v0  }
0x63: {  	[tilespmem:$0x628] =	vst v0  }
0x64: {  	[tilespmem:$0x638] =	vst v0  }
0x65: {  	[tilespmem:$0x648] =	vst v0  }
0x66: {  	[tilespmem:$0x658] =	vst v0  }
0x67: {  	[tilespmem:$0x668] =	vst v0  }
0x68: {  	[tilespmem:$0x678] =	vst v0  }
0x69: {  	[tilespmem:$0x688] =	vst v0  }
0x6a: {  	[tilespmem:$0x698] =	vst v0  }
0x6b: {  	[tilespmem:$0x6A8] =	vst v0  }
0x6c: {  	[tilespmem:$0x6B8] =	vst v0  }
0x6d: {  	[tilespmem:$0x6C8] =	vst v0  }
0x6e: {  	[tilespmem:$0x6D8] =	vst v0  }
0x6f: {  	[tilespmem:$0x6E8] =	vst v0  }
0x70: {  	[tilespmem:$0x6F8] =	vst v0  }
0x71: {  	[tilespmem:$0x708] =	vst v0  }
0x72: {  	[tilespmem:$0x718] =	vst v0  }
0x73: {  	[tilespmem:$0x728] =	vst v0  }
0x74: {  	[tilespmem:$0x738] =	vst v0  }
0x75: {  	[tilespmem:$0x748] =	vst v0  }
0x76: {  	[tilespmem:$0x758] =	vst v0  }
0x77: {  	[tilespmem:$0x768] =	vst v0  }
0x78: {  	[tilespmem:$0x778] =	vst v0  }
0x79: {  	[tilespmem:$0x788] =	vst v0  }
0x7a: {  	[tilespmem:$0x798] =	vst v0  }
0x7b: {  	[tilespmem:$0x7A8] =	vst v0  }
0x7c: {  	[tilespmem:$0x7B8] =	vst v0  }
0x7d: {  	[tilespmem:$0x7C8] =	vst v0  }
0x7e: {  	[tilespmem:$0x7D8] =	vst v0  }
0x7f: {  	[tilespmem:$0x7E8] =	vst v0  }
0x80: {  	[tilespmem:$0x7F8] =	vst v0  }
0x81: {  	[tilespmem:$0x808] =	vst v0  }
0x82: {  	[tilespmem:$0x818] =	vst v0  }
0x83: {  	[tilespmem:$0x828] =	vst v0  }
0x84: {  	[tilespmem:$0x838] =	vst v0  }
0x85: {  	[tilespmem:$0x848] =	vst v0  }
0x86: {  	[tilespmem:$0x858] =	vst v0  }
0x87: {  	[tilespmem:$0x868] =	vst v0  }
0x88: {  	[tilespmem:$0x878] =	vst v0  }
0x89: {  	[tilespmem:$0x888] =	vst v0  }
0x8a: {  	[tilespmem:$0x898] =	vst v0  }
0x8b: {  	[tilespmem:$0x8A8] =	vst v0  }
0x8c: {  	[tilespmem:$0x8B8] =	vst v0  }
0x8d: {  	[tilespmem:$0x8C8] =	vst v0  }
0x8e: {  	[tilespmem:$0x8D8] =	vst v0  }
0x8f: {  	[tilespmem:$0x8E8] =	vst v0  }
0x90: {  	[tilespmem:$0x8F8] =	vst v0  }
0x91: {  	[tilespmem:$0x908] =	vst v0  }
0x92: {  	[tilespmem:$0x918] =	vst v0  }
0x93: {  	[tilespmem:$0x928] =	vst v0  }
0x94: {  	[tilespmem:$0x938] =	vst v0  }
0x95: {  	[tilespmem:$0x948] =	vst v0  }
0x96: {  	[tilespmem:$0x958] =	vst v0  }
0x97: {  	[tilespmem:$0x968] =	vst v0  }
0x98: {  	[tilespmem:$0x978] =	vst v0  }
0x99: {  	[tilespmem:$0x988] =	vst v0  }
0x9a: {  	[tilespmem:$0x998] =	vst v0  }
0x9b: {  	[tilespmem:$0x9A8] =	vst v0  }
0x9c: {  	[tilespmem:$0x9B8] =	vst v0  }
0x9d: {  	[tilespmem:$0x9C8] =	vst v0  }
0x9e: {  	[tilespmem:$0x9D8] =	vst v0  }
0x9f: {  	[tilespmem:$0x9E8] =	vst v0  }
0xa0: {  	[tilespmem:$0x9F8] =	vst v0  }
0xa1: {  	[tilespmem:$0xA08] =	vst v0  }
0xa2: {  	[tilespmem:$0xA18] =	vst v0  }
0xa3: {  	[tilespmem:$0xA28] =	vst v0  }
0xa4: {  	[tilespmem:$0xA38] =	vst v0  }
0xa5: {  	[tilespmem:$0xA48] =	vst v0  }
0xa6: {  	[tilespmem:$0xA58] =	vst v0  }
0xa7: {  	[tilespmem:$0xA68] =	vst v0  }
0xa8: {  	[tilespmem:$0xA78] =	vst v0  }
0xa9: {  	[tilespmem:$0xA88] =	vst v0  }
0xaa: {  	[tilespmem:$0xA98] =	vst v0  }
0xab: {  	[tilespmem:$0xAA8] =	vst v0  }
0xac: {  	[tilespmem:$0xAB8] =	vst v0  }
0xad: {  	[tilespmem:$0xAC8] =	vst v0  }
0xae: {  	[tilespmem:$0xAD8] =	vst v0  }
0xaf: {  	[tilespmem:$0xAE8] =	vst v0  }
0xb0: {  	[tilespmem:$0xAF8] =	vst v0  }
0xb1: {  	[tilespmem:$0xB08] =	vst v0  }
0xb2: {  	[tilespmem:$0xB18] =	vst v0  }
0xb3: {  	[tilespmem:$0xB28] =	vst v0  }
0xb4: {  	[tilespmem:$0xB38] =	vst v0  }
0xb5: {  	[tilespmem:$0xB48] =	vst v0  }
0xb6: {  	[tilespmem:$0xB58] =	vst v0  }
0xb7: {  	[tilespmem:$0xB68] =	vst v0  }
0xb8: {  	[tilespmem:$0xB78] =	vst v0  }
0xb9: {  	[tilespmem:$0xB88] =	vst v0  }
0xba: {  	[tilespmem:$0xB98] =	vst v0  }
0xbb: {  	[tilespmem:$0xBA8] =	vst v0  }
0xbc: {  	[tilespmem:$0xBB8] =	vst v0  }
0xbd: {  	[tilespmem:$0xBC8] =	vst v0  }
0xbe: {  	[tilespmem:$0xBD8] =	vst v0  }
0xbf: {  	[tilespmem:$0xBE8] =	vst v0  }
0xc0: {  	[tilespmem:$0xBF8] =	vst v0  }
0xc1: {  	[tilespmem:$0xC08] =	vst v0  }
0xc2: {  	[tilespmem:$0xC18] =	vst v0  }
0xc3: {  	[tilespmem:$0xC28] =	vst v0  }
0xc4: {  	[tilespmem:$0xC38] =	vst v0  }
0xc5: {  	[tilespmem:$0xC48] =	vst v0  }
0xc6: {  	[tilespmem:$0xC58] =	vst v0  }
0xc7: {  	[tilespmem:$0xC68] =	vst v0  }
0xc8: {  	[tilespmem:$0xC78] =	vst v0  }
0xc9: {  	[tilespmem:$0xC88] =	vst v0  }
0xca: {  	[tilespmem:$0xC98] =	vst v0  }
0xcb: {  	[tilespmem:$0xCA8] =	vst v0  }
0xcc: {  	[tilespmem:$0xCB8] =	vst v0  }
0xcd: {  	[tilespmem:$0xCC8] =	vst v0  }
0xce: {  	[tilespmem:$0xCD8] =	vst v0  }
0xcf: {  	[tilespmem:$0xCE8] =	vst v0  }
0xd0: {  	[tilespmem:$0xCF8] =	vst v0  }
0xd1: {  	[tilespmem:$0xD08] =	vst v0  }
0xd2: {  	[tilespmem:$0xD18] =	vst v0  }
0xd3: {  	[tilespmem:$0xD28] =	vst v0  }
0xd4: {  	[tilespmem:$0xD38] =	vst v0  }
0xd5: {  	[tilespmem:$0xD48] =	vst v0  }
0xd6: {  	[tilespmem:$0xD58] =	vst v0  }
0xd7: {  	[tilespmem:$0xD68] =	vst v0  }
0xd8: {  	[tilespmem:$0xD78] =	vst v0  }
0xd9: {  	[tilespmem:$0xD88] =	vst v0  }
0xda: {  	[tilespmem:$0xD98] =	vst v0  }
0xdb: {  	[tilespmem:$0xDA8] =	vst v0  }
0xdc: {  	[tilespmem:$0xDB8] =	vst v0  }
0xdd: {  	[tilespmem:$0xDC8] =	vst v0  }
0xde: {  	[tilespmem:$0xDD8] =	vst v0  }
0xdf: {  	[tilespmem:$0xDE8] =	vst v0  }
0xe0: {  	[tilespmem:$0xDF8] =	vst v0  }
0xe1: {  	[tilespmem:$0xE08] =	vst v0  }
0xe2: {  	[tilespmem:$0xE18] =	vst v0  }
0xe3: {  	[tilespmem:$0xE28] =	vst v0  }
0xe4: {  	[tilespmem:$0xE38] =	vst v0  }
0xe5: {  	[tilespmem:$0xE48] =	vst v0  }
0xe6: {  	[tilespmem:$0xE58] =	vst v0  }
0xe7: {  	[tilespmem:$0xE68] =	vst v0  }
0xe8: {  	[tilespmem:$0xE78] =	vst v0  }
0xe9: {  	[tilespmem:$0xE88] =	vst v0  }
0xea: {  	[tilespmem:$0xE98] =	vst v0  }
0xeb: {  	[tilespmem:$0xEA8] =	vst v0  }
0xec: {  	[tilespmem:$0xEB8] =	vst v0  }
0xed: {  	[tilespmem:$0xEC8] =	vst v0  }
0xee: {  	[tilespmem:$0xED8] =	vst v0  }
0xef: {  	[tilespmem:$0xEE8] =	vst v0  }
0xf0: {  	[tilespmem:$0xEF8] =	vst v0  }
0xf1: {  	[tilespmem:$0xF08] =	vst v0  }
0xf2: {  	[tilespmem:$0xF18] =	vst v0  }
0xf3: {  	[tilespmem:$0xF28] =	vst v0  }
0xf4: {  	[tilespmem:$0xF38] =	vst v0  }
0xf5: {  	[tilespmem:$0xF48] =	vst v0  }
0xf6: {  	[tilespmem:$0xF58] =	vst v0  }
0xf7: {  	[tilespmem:$0xF68] =	vst v0  }
0xf8: {  	[tilespmem:$0xF78] =	vst v0  }
0xf9: {  	[tilespmem:$0xF88] =	vst v0  }
0xfa: {  	[tilespmem:$0xF98] =	vst v0  }
0xfb: {  	[tilespmem:$0xFA8] =	vst v0  }
0xfc: {  	[tilespmem:$0xFB8] =	vst v0  }
0xfd: {  	[tilespmem:$0xFC8] =	vst v0  }
0xfe: {  	[tilespmem:$0xFD8] =	vst v0  }
0xff: {  	[tilespmem:$0xFE8] =	vst v0  }
0x100: {  	[tilespmem:$0xFF8] =	vst v0  }
0x101: {  	[tilespmem:$0x1008] =	vst v0  }
0x102: {  	[tilespmem:$0x1018] =	vst v0  }
0x103: {  	[tilespmem:$0x1028] =	vst v0  }
0x104: {  	[tilespmem:$0x1198] =	vst v0  }
0x105: {  	[tilespmem:$0x1188] =	vst v0  }
0x106: {  	[tilespmem:$0x1178] =	vst v0  }
0x107: {  	[tilespmem:$0x1168] =	vst v0  }
0x108: {  	[tilespmem:$0x1038] =	vst v0  }
0x109: {  	[tilespmem:$0x1048] =	vst v0  }
0x10a: {  	[tilespmem:$0x1058] =	vst v0  }
0x10b: {  	[tilespmem:$0x1068] =	vst v0  }
0x10c: {  	[tilespmem:$0x1078] =	vst v0  }
0x10d: {  	[tilespmem:$0x1088] =	vst v0  }
0x10e: {  	[tilespmem:$0x1098] =	vst v0  }
0x10f: {  	[tilespmem:$0x10A8] =	vst v0  }
0x110: {  	[tilespmem:$0x10B8] =	vst v0  }
0x111: {  	[tilespmem:$0x10C8] =	vst v0  }
0x112: {  	[tilespmem:$0x10D8] =	vst v0  }
0x113: {  	[tilespmem:$0x10E8] =	vst v0  }
0x114: {  	[tilespmem:$0x10F8] =	vst v0  }
0x115: {  	[tilespmem:$0x1108] =	vst v0  }
0x116: {  	[tilespmem:$0x1118] =	vst v0  }
0x117: {  	[tilespmem:$0x1128] =	vst v0  }
0x118: {  	[tilespmem:$0x1138] =	vst v0  }
0x119: {  	[tilespmem:$0x1148] =	vst v0  }
0x11a: {  	[tilespmem:$0x1158] =	vst v0  }
0x11b: {  	[tilespmem:$0x11A8] =	vst v0  }
0x11c: {  	[tilespmem:$0x11B8] =	vst v0  }
0x11d: {  	[tilespmem:$0x11C8] =	vst v0  }
0x11e: {  	[tilespmem:$0x11D8] =	vst v0  }
0x11f: {  	[tilespmem:$0x11E8] =	vst v0  }
0x120: {  	[tilespmem:$0x11F8] =	vst v0  }
0x121: {  	[tilespmem:$0x1208] =	vst v0  }
0x122: {  	[tilespmem:$0x1218] =	vst v0  }
0x123: {  	[tilespmem:$0x1228] =	vst v0  }
0x124: {  	[tilespmem:$0x1238] =	vst v0  }
0x125: {  	[tilespmem:$0x1248] =	vst v0  }
0x126: {  	[tilespmem:$0x1258] =	vst v0  }
0x127: {  	[tilespmem:$0x1268] =	vst v0  }
0x128: {  	[tilespmem:$0x1278] =	vst v0  }
0x129: {  	[tilespmem:$0x1288] =	vst v0  }
0x12a: {  	[tilespmem:$0x1298] =	vst v0  }
0x12b: {  	[tilespmem:$0x12A8] =	vst v0  }
0x12c: {  	[tilespmem:$0x12B8] =	vst v0  }
0x12d: {  	[tilespmem:$0x12C8] =	vst v0  }
0x12e: {  	[tilespmem:$0x12D8] =	vst v0  }
0x12f: {  	[tilespmem:$0x12E8] =	vst v0  }
0x130: {  	[tilespmem:$0x12F8] =	vst v0  }
0x131: {  	[tilespmem:$0x1308] =	vst v0  }
0x132: {  	[tilespmem:$0x1318] =	vst v0  }
0x133: {  	[tilespmem:$0x1328] =	vst v0  }
0x134: {  	[tilespmem:$0x1338] =	vst v0  }
0x135: {  	[tilespmem:$0x1348] =	vst v0  }
0x136: {  	[tilespmem:$0x1358] =	vst v0  }
0x137: {  	[tilespmem:$0x1368] =	vst v0  }
0x138: {  	[tilespmem:$0x1378] =	vst v0  }
0x139: {  	[tilespmem:$0x1388] =	vst v0  }
0x13a: {  	[tilespmem:$0x1398] =	vst v0  }
0x13b: {  	[tilespmem:$0x13A8] =	vst v0  }
0x13c: {  	[tilespmem:$0x13B8] =	vst v0  }
0x13d: {  	[tilespmem:$0x13C8] =	vst v0  }
0x13e: {  	[tilespmem:$0x13D8] =	vst v0  }
0x13f: {  	[tilespmem:$0x13E8] =	vst v0  }
0x140: {  	[tilespmem:$0x13F8] =	vst v0  }
0x141: {  	[tilespmem:$0x1408] =	vst v0  }
0x142: {  	[tilespmem:$0x1418] =	vst v0  }
0x143: {  	[tilespmem:$0x1428] =	vst v0  }
0x144: {  	[tilespmem:$0x1438] =	vst v0  }
0x145: {  	[tilespmem:$0x1448] =	vst v0  }
0x146: {  	[tilespmem:$0x1458] =	vst v0  }
0x147: {  	[tilespmem:$0x1468] =	vst v0  }
0x148: {  	[tilespmem:$0x1478] =	vst v0  }
0x149: {  	[tilespmem:$0x1488] =	vst v0  }
0x14a: {  	[tilespmem:$0x1498] =	vst v0  }
0x14b: {  	[tilespmem:$0x14A8] =	vst v0  }
0x14c: {  	[tilespmem:$0x14B8] =	vst v0  }
0x14d: {  	[tilespmem:$0x14C8] =	vst v0  }
0x14e: {  	[tilespmem:$0x14D8] =	vst v0  }
0x14f: {  	[tilespmem:$0x14E8] =	vst v0  }
0x150: {  	[tilespmem:$0x14F8] =	vst v0  }
0x151: {  	[tilespmem:$0x1508] =	vst v0  }
0x152: {  	[tilespmem:$0x1518] =	vst v0  }
0x153: {  	[tilespmem:$0x1528] =	vst v0  }
0x154: {  	[tilespmem:$0x1538] =	vst v0  }
0x155: {  	[tilespmem:$0x1548] =	vst v0  }
0x156: {  	[tilespmem:$0x1558] =	vst v0  }
0x157: {  	[tilespmem:$0x1568] =	vst v0  }
0x158: {  	[tilespmem:$0x1578] =	vst v0  }
0x159: {  	[tilespmem:$0x1588] =	vst v0  }
0x15a: {  	[tilespmem:$0x1598] =	vst v0  }
0x15b: {  	[tilespmem:$0x15A8] =	vst v0  }
0x15c: {  	[tilespmem:$0x15B8] =	vst v0  }
0x15d: {  	[tilespmem:$0x15C8] =	vst v0  }
0x15e: {  	[tilespmem:$0x15D8] =	vst v0  }
0x15f: {  	[tilespmem:$0x15E8] =	vst v0  }
0x160: {  	[tilespmem:$0x15F8] =	vst v0  }
0x161: {  	[tilespmem:$0x1608] =	vst v0  }
0x162: {  	[tilespmem:$0x1618] =	vst v0  }
0x163: {  	[tilespmem:$0x1628] =	vst v0  }
0x164: {  	[tilespmem:$0x1638] =	vst v0  }
0x165: {  	[tilespmem:$0x1648] =	vst v0  }
0x166: {  	[tilespmem:$0x1658] =	vst v0  }
0x167: {  	[tilespmem:$0x1668] =	vst v0  }
0x168: {  	[tilespmem:$0x1678] =	vst v0  }
0x169: {  	[tilespmem:$0x1688] =	vst v0  }
0x16a: {  	[tilespmem:$0x1698] =	vst v0  }
0x16b: {  	[tilespmem:$0x16A8] =	vst v0  }
0x16c: {  	[tilespmem:$0x16B8] =	vst v0  }
0x16d: {  	[tilespmem:$0x16C8] =	vst v0  }
0x16e: {  	[tilespmem:$0x16D8] =	vst v0  }
0x16f: {  	[tilespmem:$0x16E8] =	vst v0  }
0x170: {  	[tilespmem:$0x16F8] =	vst v0  }
0x171: {  	[tilespmem:$0x1708] =	vst v0  }
0x172: {  	[tilespmem:$0x1718] =	vst v0  }
0x173: {  	[tilespmem:$0x1728] =	vst v0  }
0x174: {  	[tilespmem:$0x1738] =	vst v0  }
0x175: {  	[tilespmem:$0x1748] =	vst v0  }
0x176: {  	[tilespmem:$0x1758] =	vst v0  }
0x177: {  	[tilespmem:$0x1768] =	vst v0  }
0x178: {  	[tilespmem:$0x1778] =	vst v0  }
0x179: {  	[tilespmem:$0x1788] =	vst v0  }
0x17a: {  	[tilespmem:$0x1798] =	vst v0  }
0x17b: {  	[tilespmem:$0x17A8] =	vst v0  }
0x17c: {  	[tilespmem:$0x17B8] =	vst v0  }
0x17d: {  	[tilespmem:$0x17C8] =	vst v0  }
0x17e: {  	[tilespmem:$0x17D8] =	vst v0  }
0x17f: {  	[tilespmem:$0x17E8] =	vst v0  }
0x180: {  	[tilespmem:$0x17F8] =	vst v0  }
0x181: {  	[tilespmem:$0x1808] =	vst v0  }
0x182: {  	[tilespmem:$0x1818] =	vst v0  }
0x183: {  	[tilespmem:$0x1828] =	vst v0  }
0x184: {  	[tilespmem:$0x1838] =	vst v0  }
0x185: {  	[tilespmem:$0x1848] =	vst v0  }
0x186: {  	[tilespmem:$0x1858] =	vst v0  }
0x187: {  	[tilespmem:$0x1868] =	vst v0  }
0x188: {  	[tilespmem:$0x1878] =	vst v0  }
0x189: {  	[tilespmem:$0x1888] =	vst v0  }
0x18a: {  	[tilespmem:$0x1898] =	vst v0  }
0x18b: {  	[tilespmem:$0x18A8] =	vst v0  }
0x18c: {  	[tilespmem:$0x18B8] =	vst v0  }
0x18d: {  	[tilespmem:$0x18C8] =	vst v0  }
0x18e: {  	[tilespmem:$0x18D8] =	vst v0  }
0x18f: {  	[tilespmem:$0x18E8] =	vst v0  }
0x190: {  	[tilespmem:$0x18F8] =	vst v0  }
0x191: {  	[tilespmem:$0x1908] =	vst v0  }
0x192: {  	[tilespmem:$0x1918] =	vst v0  }
0x193: {  	[tilespmem:$0x1928] =	vst v0  }
0x194: {  	[tilespmem:$0x1938] =	vst v0  }
0x195: {  	[tilespmem:$0x1948] =	vst v0  }
0x196: {  	[tilespmem:$0x1958] =	vst v0  }
0x197: {  	[tilespmem:$0x1968] =	vst v0  }
0x198: {  	[tilespmem:$0x1978] =	vst v0  }
0x199: {  	[tilespmem:$0x1988] =	vst v0  }
0x19a: {  	[tilespmem:$0x1998] =	vst v0  }
0x19b: {  	[tilespmem:$0x19A8] =	vst v0  }
0x19c: {  	[tilespmem:$0x19B8] =	vst v0  }
0x19d: {  	[tilespmem:$0x19C8] =	vst v0  }
0x19e: {  	[tilespmem:$0x19D8] =	vst v0  }
0x19f: {  	[tilespmem:$0x19E8] =	vst v0  }
0x1a0: {  	[tilespmem:$0x19F8] =	vst v0  }
0x1a1: {  	[tilespmem:$0x1A08] =	vst v0  }
0x1a2: {  	[tilespmem:$0x1A18] =	vst v0  }
0x1a3: {  	[tilespmem:$0x1A28] =	vst v0  }
0x1a4: {  	[tilespmem:$0x1A38] =	vst v0  }
0x1a5: {  	[tilespmem:$0x1A48] =	vst v0  }
0x1a6: {  	[tilespmem:$0x1A58] =	vst v0  }
0x1a7: {  	[tilespmem:$0x1A68] =	vst v0  }
0x1a8: {  	[tilespmem:$0x1A78] =	vst v0  }
0x1a9: {  	[tilespmem:$0x1A88] =	vst v0  }
0x1aa: {  	[tilespmem:$0x1A98] =	vst v0  }
0x1ab: {  	[tilespmem:$0x1AA8] =	vst v0  }
0x1ac: {  	[tilespmem:$0x1AB8] =	vst v0  }
0x1ad: {  	[tilespmem:$0x1AC8] =	vst v0  }
0x1ae: {  	[tilespmem:$0x1AD8] =	vst v0  }
0x1af: {  	[tilespmem:$0x1AE8] =	vst v0  }
0x1b0: {  	[tilespmem:$0x1AF8] =	vst v0  }
0x1b1: {  	[tilespmem:$0x1B08] =	vst v0  }
0x1b2: {  	[tilespmem:$0x1B18] =	vst v0  }
0x1b3: {  	[tilespmem:$0x1B28] =	vst v0  }
0x1b4: {  	[tilespmem:$0x1B38] =	vst v0  }
0x1b5: {  	[tilespmem:$0x1B48] =	vst v0  }
0x1b6: {  	[tilespmem:$0x1B58] =	vst v0  }
0x1b7: {  	[tilespmem:$0x1B68] =	vst v0  }
0x1b8: {  	[tilespmem:$0x1B78] =	vst v0  }
0x1b9: {  	[tilespmem:$0x1B88] =	vst v0  }
0x1ba: {  	[tilespmem:$0x1B98] =	vst v0  }
0x1bb: {  	[tilespmem:$0x1BA8] =	vst v0  }
0x1bc: {  	[tilespmem:$0x1BB8] =	vst v0  }
0x1bd: {  	[tilespmem:$0x1BC8] =	vst v0  }
0x1be: {  	[tilespmem:$0x1BD8] =	vst v0  }
0x1bf: {  	[tilespmem:$0x1BE8] =	vst v0  }
0x1c0: {  	[tilespmem:$0x1BF8] =	vst v0  }
0x1c1: {  	[tilespmem:$0x1C08] =	vst v0  }
0x1c2: {  	[tilespmem:$0x1C18] =	vst v0  }
0x1c3: {  	[tilespmem:$0x1C28] =	vst v0  }
0x1c4: {  	[tilespmem:$0x1C38] =	vst v0  }
0x1c5: {  	[tilespmem:$0x1C48] =	vst v0  }
0x1c6: {  	[tilespmem:$0x1C58] =	vst v0  }
0x1c7: {  	[tilespmem:$0x1C68] =	vst v0  }
0x1c8: {  	[tilespmem:$0x1C78] =	vst v0  }
0x1c9: {  	[tilespmem:$0x1C88] =	vst v0  }
0x1ca: {  	[tilespmem:$0x1C98] =	vst v0  }
0x1cb: {  	[tilespmem:$0x1CA8] =	vst v0  }
0x1cc: {  	[tilespmem:$0x1CB8] =	vst v0  }
0x1cd: {  	[tilespmem:$0x1CC8] =	vst v0  }
0x1ce: {  	[tilespmem:$0x1CD8] =	vst v0  }
0x1cf: {  	[tilespmem:$0x1CE8] =	vst v0  }
0x1d0: {  	[tilespmem:$0x1CF8] =	vst v0  }
0x1d1: {  	[tilespmem:$0x1D08] =	vst v0  }
0x1d2: {  	[tilespmem:$0x1D18] =	vst v0  }
0x1d3: {  	[tilespmem:$0x1D28] =	vst v0  }
0x1d4: {  	[tilespmem:$0x1D38] =	vst v0  }
0x1d5: {  	[tilespmem:$0x1D48] =	vst v0  }
0x1d6: {  	[tilespmem:$0x1D58] =	vst v0  }
0x1d7: {  	[tilespmem:$0x1D68] =	vst v0  }
0x1d8: {  	[tilespmem:$0x1D78] =	vst v0  }
0x1d9: {  	[tilespmem:$0x1D88] =	vst v0  }
0x1da: {  	[tilespmem:$0x1D98] =	vst v0  }
0x1db: {  	[tilespmem:$0x1DA8] =	vst v0  }
0x1dc: {  	[tilespmem:$0x1DB8] =	vst v0  }
0x1dd: {  	[tilespmem:$0x1DC8] =	vst v0  }
0x1de: {  	[tilespmem:$0x1DD8] =	vst v0  }
0x1df: {  	[tilespmem:$0x1DE8] =	vst v0  }
0x1e0: {  	[tilespmem:$0x1DF8] =	vst v0  }
0x1e1: {  	[tilespmem:$0x1E08] =	vst v0  }
0x1e2: {  	[tilespmem:$0x1E18] =	vst v0  }
0x1e3: {  	[tilespmem:$0x1E28] =	vst v0  }
0x1e4: {  	[tilespmem:$0x1E38] =	vst v0  }
0x1e5: {  	[tilespmem:$0x1E48] =	vst v0  }
0x1e6: {  	[tilespmem:$0x1E58] =	vst v0  }
0x1e7: {  	[tilespmem:$0x1E68] =	vst v0  }
0x1e8: {  	[tilespmem:$0x1E78] =	vst v0  }
0x1e9: {  	[tilespmem:$0x1E88] =	vst v0  }
0x1ea: {  	[tilespmem:$0x1E98] =	vst v0  }
0x1eb: {  	[tilespmem:$0x1EA8] =	vst v0  }
0x1ec: {  	[tilespmem:$0x1EB8] =	vst v0  }
0x1ed: {  	[tilespmem:$0x1EC8] =	vst v0  }
0x1ee: {  	[tilespmem:$0x1ED8] =	vst v0  }
0x1ef: {  	[tilespmem:$0x1EE8] =	vst v0  }
0x1f0: {  	[tilespmem:$0x1EF8] =	vst v0  }
0x1f1: {  	[tilespmem:$0x1F08] =	vst v0  }
0x1f2: {  	[tilespmem:$0x1F18] =	vst v0  }
0x1f3: {  	[tilespmem:$0x1F28] =	vst v0  }
0x1f4: {  	[tilespmem:$0x1F38] =	vst v0  }
0x1f5: {  	[tilespmem:$0x1F48] =	vst v0  }
0x1f6: {  	[tilespmem:$0x1F58] =	vst v0  }
0x1f7: {  	[tilespmem:$0x1F68] =	vst v0  }
0x1f8: {  	[tilespmem:$0x1F78] =	vst v0  }
0x1f9: {  	[tilespmem:$0x1F88] =	vst v0  }
0x1fa: {  	[tilespmem:$0x1F98] =	vst v0  }
0x1fb: {  	[tilespmem:$0x1FA8] =	vst v0  }
0x1fc: {  	[tilespmem:$0x1FB8] =	vst v0  }
0x1fd: {  	[tilespmem:$0x1FC8] =	vst v0  }
0x1fe: {  	[tilespmem:$0x1FD8] =	vst v0  }
0x1ff: {  	[tilespmem:$0x1FE8] =	vst v0  }
0x200: {  	[tilespmem:$0x1FF8] =	vst v0  }
0x201: {  	[tilespmem:$0x2008] =	vst v0  }
0x202: {  	[tilespmem:$0x2018] =	vst v0  }
0x203: {  	[tilespmem:$0x2028] =	vst v0  }
0x204: {  	[tilespmem:$0x2038] =	vst v0  }
0x205: {  	[tilespmem:$0x2048] =	vst v0  }
0x206: {  	[tilespmem:$0x2058] =	vst v0  }
0x207: {  	[tilespmem:$0x2068] =	vst v0  }
0x208: {  	[tilespmem:$0x2078] =	vst v0  }
0x209: {  	[tilespmem:$0x2088] =	vst v0  }
0x20a: {  	[tilespmem:$0x2098] =	vst v0  }
0x20b: {  	[tilespmem:$0x20A8] =	vst v0  }
0x20c: {  	[tilespmem:$0x20B8] =	vst v0  }
0x20d: {  	[tilespmem:$0x20C8] =	vst v0  }
0x20e: {  	[tilespmem:$0x20D8] =	vst v0  }
0x20f: {  	[tilespmem:$0x20E8] =	vst v0  }
0x210: {  	[tilespmem:$0x20F8] =	vst v0  }
0x211: {  	[tilespmem:$0x2108] =	vst v0  }
0x212: {  	[tilespmem:$0x2118] =	vst v0  }
0x213: {  	[tilespmem:$0x2128] =	vst v0  }
0x214: {  	[tilespmem:$0x2138] =	vst v0  }
0x215: {  	[tilespmem:$0x2148] =	vst v0  }
0x216: {  	[tilespmem:$0x2168] =	vst v0  }
0x217: {  	[tilespmem:$0x2178] =	vst v0  }
0x218: {  	[tilespmem:$0x3058] =	vst v0  }
0x219: {  	[tilespmem:$0x3048] =	vst v0  }
0x21a: {  	[tilespmem:$0x3038] =	vst v0  }
0x21b: {  	[tilespmem:$0x3028] =	vst v0  }
0x21c: {  	[tilespmem:$0x3018] =	vst v0  }
0x21d: {  	[tilespmem:$0x3008] =	vst v0  }
0x21e: {  	[tilespmem:$0x2FF8] =	vst v0  }
0x21f: {  	[tilespmem:$0x2FE8] =	vst v0  }
0x220: {  	[tilespmem:$0x2FD8] =	vst v0  }
0x221: {  	[tilespmem:$0x2FC8] =	vst v0  }
0x222: {  	[tilespmem:$0x2FB8] =	vst v0  }
0x223: {  	[tilespmem:$0x2FA8] =	vst v0  }
0x224: {  	[tilespmem:$0x2F98] =	vst v0  }
0x225: {  	[tilespmem:$0x2F88] =	vst v0  }
0x226: {  	[tilespmem:$0x2F78] =	vst v0  }
0x227: {  	[tilespmem:$0x2F68] =	vst v0  }
0x228: {  	[tilespmem:$0x2F58] =	vst v0  }
0x229: {  	[tilespmem:$0x2F48] =	vst v0  }
0x22a: {  	[tilespmem:$0x2F38] =	vst v0  }
0x22b: {  	[tilespmem:$0x2F28] =	vst v0  }
0x22c: {  	[tilespmem:$0x2F18] =	vst v0  }
0x22d: {  	[tilespmem:$0x2F08] =	vst v0  }
0x22e: {  	[tilespmem:$0x2EF8] =	vst v0  }
0x22f: {  	[tilespmem:$0x2EE8] =	vst v0  }
0x230: {  	[tilespmem:$0x2ED8] =	vst v0  }
0x231: {  	[tilespmem:$0x2EC8] =	vst v0  }
0x232: {  	[tilespmem:$0x2EB8] =	vst v0  }
0x233: {  	[tilespmem:$0x2EA8] =	vst v0  }
0x234: {  	[tilespmem:$0x2E98] =	vst v0  }
0x235: {  	[tilespmem:$0x2E88] =	vst v0  }
0x236: {  	[tilespmem:$0x2E78] =	vst v0  }
0x237: {  	[tilespmem:$0x2E68] =	vst v0  }
0x238: {  	[tilespmem:$0x2E58] =	vst v0  }
0x239: {  	[tilespmem:$0x2E48] =	vst v0  }
0x23a: {  	[tilespmem:$0x2E38] =	vst v0  }
0x23b: {  	[tilespmem:$0x2E28] =	vst v0  }
0x23c: {  	[tilespmem:$0x2E18] =	vst v0  }
0x23d: {  	[tilespmem:$0x2E08] =	vst v0  }
0x23e: {  	[tilespmem:$0x2DF8] =	vst v0  }
0x23f: {  	[tilespmem:$0x2DE8] =	vst v0  }
0x240: {  	[tilespmem:$0x2DD8] =	vst v0  }
0x241: {  	[tilespmem:$0x2DC8] =	vst v0  }
0x242: {  	[tilespmem:$0x2DB8] =	vst v0  }
0x243: {  	[tilespmem:$0x2DA8] =	vst v0  }
0x244: {  	[tilespmem:$0x2D98] =	vst v0  }
0x245: {  	[tilespmem:$0x2D88] =	vst v0  }
0x246: {  	[tilespmem:$0x2D78] =	vst v0  }
0x247: {  	[tilespmem:$0x2D68] =	vst v0  }
0x248: {  	[tilespmem:$0x2D58] =	vst v0  }
0x249: {  	[tilespmem:$0x2D48] =	vst v0  }
0x24a: {  	[tilespmem:$0x2D38] =	vst v0  }
0x24b: {  	[tilespmem:$0x2D28] =	vst v0  }
0x24c: {  	[tilespmem:$0x2D18] =	vst v0  }
0x24d: {  	[tilespmem:$0x2D08] =	vst v0  }
0x24e: {  	[tilespmem:$0x2CF8] =	vst v0  }
0x24f: {  	[tilespmem:$0x2CE8] =	vst v0  }
0x250: {  	[tilespmem:$0x2CD8] =	vst v0  }
0x251: {  	[tilespmem:$0x2CC8] =	vst v0  }
0x252: {  	[tilespmem:$0x2CB8] =	vst v0  }
0x253: {  	[tilespmem:$0x2CA8] =	vst v0  }
0x254: {  	[tilespmem:$0x2C98] =	vst v0  }
0x255: {  	[tilespmem:$0x2C88] =	vst v0  }
0x256: {  	[tilespmem:$0x2C78] =	vst v0  }
0x257: {  	[tilespmem:$0x2C68] =	vst v0  }
0x258: {  	[tilespmem:$0x2C58] =	vst v0  }
0x259: {  	[tilespmem:$0x2C48] =	vst v0  }
0x25a: {  	[tilespmem:$0x2C38] =	vst v0  }
0x25b: {  	[tilespmem:$0x2C28] =	vst v0  }
0x25c: {  	[tilespmem:$0x2C18] =	vst v0  }
0x25d: {  	[tilespmem:$0x2C08] =	vst v0  }
0x25e: {  	[tilespmem:$0x2BF8] =	vst v0  }
0x25f: {  	[tilespmem:$0x2BE8] =	vst v0  }
0x260: {  	[tilespmem:$0x2BD8] =	vst v0  }
0x261: {  	[tilespmem:$0x2BC8] =	vst v0  }
0x262: {  	[tilespmem:$0x2BB8] =	vst v0  }
0x263: {  	[tilespmem:$0x2BA8] =	vst v0  }
0x264: {  	[tilespmem:$0x2B98] =	vst v0  }
0x265: {  	[tilespmem:$0x2B88] =	vst v0  }
0x266: {  	[tilespmem:$0x2B78] =	vst v0  }
0x267: {  	[tilespmem:$0x2B68] =	vst v0  }
0x268: {  	[tilespmem:$0x2B58] =	vst v0  }
0x269: {  	[tilespmem:$0x2B48] =	vst v0  }
0x26a: {  	[tilespmem:$0x2B38] =	vst v0  }
0x26b: {  	[tilespmem:$0x2B28] =	vst v0  }
0x26c: {  	[tilespmem:$0x2B18] =	vst v0  }
0x26d: {  	[tilespmem:$0x2B08] =	vst v0  }
0x26e: {  	[tilespmem:$0x2AF8] =	vst v0  }
0x26f: {  	[tilespmem:$0x2AE8] =	vst v0  }
0x270: {  	[tilespmem:$0x2AD8] =	vst v0  }
0x271: {  	[tilespmem:$0x2AC8] =	vst v0  }
0x272: {  	[tilespmem:$0x2AB8] =	vst v0  }
0x273: {  	[tilespmem:$0x2AA8] =	vst v0  }
0x274: {  	[tilespmem:$0x2A98] =	vst v0  }
0x275: {  	[tilespmem:$0x2A88] =	vst v0  }
0x276: {  	[tilespmem:$0x2A78] =	vst v0  }
0x277: {  	[tilespmem:$0x2A68] =	vst v0  }
0x278: {  	[tilespmem:$0x2A58] =	vst v0  }
0x279: {  	[tilespmem:$0x2A48] =	vst v0  }
0x27a: {  	[tilespmem:$0x2A38] =	vst v0  }
0x27b: {  	[tilespmem:$0x2A28] =	vst v0  }
0x27c: {  	[tilespmem:$0x2A18] =	vst v0  }
0x27d: {  	[tilespmem:$0x2A08] =	vst v0  }
0x27e: {  	[tilespmem:$0x29F8] =	vst v0  }
0x27f: {  	[tilespmem:$0x29E8] =	vst v0  }
0x280: {  	[tilespmem:$0x29D8] =	vst v0  }
0x281: {  	[tilespmem:$0x29C8] =	vst v0  }
0x282: {  	[tilespmem:$0x29B8] =	vst v0  }
0x283: {  	[tilespmem:$0x29A8] =	vst v0  }
0x284: {  	[tilespmem:$0x2998] =	vst v0  }
0x285: {  	[tilespmem:$0x2988] =	vst v0  }
0x286: {  	[tilespmem:$0x2978] =	vst v0  }
0x287: {  	[tilespmem:$0x2968] =	vst v0  }
0x288: {  	[tilespmem:$0x2958] =	vst v0  }
0x289: {  	[tilespmem:$0x2948] =	vst v0  }
0x28a: {  	[tilespmem:$0x2938] =	vst v0  }
0x28b: {  	[tilespmem:$0x2928] =	vst v0  }
0x28c: {  	[tilespmem:$0x2918] =	vst v0  }
0x28d: {  	[tilespmem:$0x2908] =	vst v0  }
0x28e: {  	[tilespmem:$0x28F8] =	vst v0  }
0x28f: {  	[tilespmem:$0x28E8] =	vst v0  }
0x290: {  	[tilespmem:$0x28D8] =	vst v0  }
0x291: {  	[tilespmem:$0x28C8] =	vst v0  }
0x292: {  	[tilespmem:$0x28B8] =	vst v0  }
0x293: {  	[tilespmem:$0x28A8] =	vst v0  }
0x294: {  	[tilespmem:$0x2898] =	vst v0  }
0x295: {  	[tilespmem:$0x2888] =	vst v0  }
0x296: {  	[tilespmem:$0x2878] =	vst v0  }
0x297: {  	[tilespmem:$0x2868] =	vst v0  }
0x298: {  	[tilespmem:$0x2858] =	vst v0  }
0x299: {  	[tilespmem:$0x2848] =	vst v0  }
0x29a: {  	[tilespmem:$0x2838] =	vst v0  }
0x29b: {  	[tilespmem:$0x2828] =	vst v0  }
0x29c: {  	[tilespmem:$0x2818] =	vst v0  }
0x29d: {  	[tilespmem:$0x2808] =	vst v0  }
0x29e: {  	[tilespmem:$0x27F8] =	vst v0  }
0x29f: {  	[tilespmem:$0x27E8] =	vst v0  }
0x2a0: {  	[tilespmem:$0x27D8] =	vst v0  }
0x2a1: {  	[tilespmem:$0x27C8] =	vst v0  }
0x2a2: {  	[tilespmem:$0x27B8] =	vst v0  }
0x2a3: {  	[tilespmem:$0x27A8] =	vst v0  }
0x2a4: {  	[tilespmem:$0x2798] =	vst v0  }
0x2a5: {  	[tilespmem:$0x2788] =	vst v0  }
0x2a6: {  	[tilespmem:$0x2778] =	vst v0  }
0x2a7: {  	[tilespmem:$0x2768] =	vst v0  }
0x2a8: {  	[tilespmem:$0x2758] =	vst v0  }
0x2a9: {  	[tilespmem:$0x2748] =	vst v0  }
0x2aa: {  	[tilespmem:$0x2738] =	vst v0  }
0x2ab: {  	[tilespmem:$0x2728] =	vst v0  }
0x2ac: {  	[tilespmem:$0x2718] =	vst v0  }
0x2ad: {  	[tilespmem:$0x2708] =	vst v0  }
0x2ae: {  	[tilespmem:$0x26F8] =	vst v0  }
0x2af: {  	[tilespmem:$0x26E8] =	vst v0  }
0x2b0: {  	[tilespmem:$0x26D8] =	vst v0  }
0x2b1: {  	[tilespmem:$0x26C8] =	vst v0  }
0x2b2: {  	[tilespmem:$0x26B8] =	vst v0  }
0x2b3: {  	[tilespmem:$0x26A8] =	vst v0  }
0x2b4: {  	[tilespmem:$0x2698] =	vst v0  }
0x2b5: {  	[tilespmem:$0x2688] =	vst v0  }
0x2b6: {  	[tilespmem:$0x2678] =	vst v0  }
0x2b7: {  	[tilespmem:$0x2668] =	vst v0  }
0x2b8: {  	[tilespmem:$0x2658] =	vst v0  }
0x2b9: {  	[tilespmem:$0x2648] =	vst v0  }
0x2ba: {  	[tilespmem:$0x2638] =	vst v0  }
0x2bb: {  	[tilespmem:$0x2628] =	vst v0  }
0x2bc: {  	[tilespmem:$0x2618] =	vst v0  }
0x2bd: {  	[tilespmem:$0x2608] =	vst v0  }
0x2be: {  	[tilespmem:$0x25F8] =	vst v0  }
0x2bf: {  	[tilespmem:$0x25E8] =	vst v0  }
0x2c0: {  	[tilespmem:$0x25D8] =	vst v0  }
0x2c1: {  	[tilespmem:$0x25C8] =	vst v0  }
0x2c2: {  	[tilespmem:$0x25B8] =	vst v0  }
0x2c3: {  	[tilespmem:$0x25A8] =	vst v0  }
0x2c4: {  	[tilespmem:$0x2598] =	vst v0  }
0x2c5: {  	[tilespmem:$0x2588] =	vst v0  }
0x2c6: {  	[tilespmem:$0x2578] =	vst v0  }
0x2c7: {  	[tilespmem:$0x2568] =	vst v0  }
0x2c8: {  	[tilespmem:$0x2558] =	vst v0  }
0x2c9: {  	[tilespmem:$0x2548] =	vst v0  }
0x2ca: {  	[tilespmem:$0x2538] =	vst v0  }
0x2cb: {  	[tilespmem:$0x2528] =	vst v0  }
0x2cc: {  	[tilespmem:$0x2518] =	vst v0  }
0x2cd: {  	[tilespmem:$0x2508] =	vst v0  }
0x2ce: {  	[tilespmem:$0x24F8] =	vst v0  }
0x2cf: {  	[tilespmem:$0x24E8] =	vst v0  }
0x2d0: {  	[tilespmem:$0x24D8] =	vst v0  }
0x2d1: {  	[tilespmem:$0x24C8] =	vst v0  }
0x2d2: {  	[tilespmem:$0x24B8] =	vst v0  }
0x2d3: {  	[tilespmem:$0x24A8] =	vst v0  }
0x2d4: {  	[tilespmem:$0x2498] =	vst v0  }
0x2d5: {  	[tilespmem:$0x2488] =	vst v0  }
0x2d6: {  	[tilespmem:$0x2478] =	vst v0  }
0x2d7: {  	[tilespmem:$0x2468] =	vst v0  }
0x2d8: {  	[tilespmem:$0x2458] =	vst v0  }
0x2d9: {  	[tilespmem:$0x2448] =	vst v0  }
0x2da: {  	[tilespmem:$0x2438] =	vst v0  }
0x2db: {  	[tilespmem:$0x2428] =	vst v0  }
0x2dc: {  	[tilespmem:$0x2418] =	vst v0  }
0x2dd: {  	[tilespmem:$0x2408] =	vst v0  }
0x2de: {  	[tilespmem:$0x23F8] =	vst v0  }
0x2df: {  	[tilespmem:$0x23E8] =	vst v0  }
0x2e0: {  	[tilespmem:$0x23D8] =	vst v0  }
0x2e1: {  	[tilespmem:$0x23C8] =	vst v0  }
0x2e2: {  	[tilespmem:$0x23B8] =	vst v0  }
0x2e3: {  	[tilespmem:$0x23A8] =	vst v0  }
0x2e4: {  	[tilespmem:$0x2398] =	vst v0  }
0x2e5: {  	[tilespmem:$0x2388] =	vst v0  }
0x2e6: {  	[tilespmem:$0x2378] =	vst v0  }
0x2e7: {  	[tilespmem:$0x2368] =	vst v0  }
0x2e8: {  	[tilespmem:$0x2358] =	vst v0  }
0x2e9: {  	[tilespmem:$0x2348] =	vst v0  }
0x2ea: {  	[tilespmem:$0x2338] =	vst v0  }
0x2eb: {  	[tilespmem:$0x2328] =	vst v0  }
0x2ec: {  	[tilespmem:$0x2318] =	vst v0  }
0x2ed: {  	[tilespmem:$0x2308] =	vst v0  }
0x2ee: {  	[tilespmem:$0x22F8] =	vst v0  }
0x2ef: {  	[tilespmem:$0x22E8] =	vst v0  }
0x2f0: {  	[tilespmem:$0x22D8] =	vst v0  }
0x2f1: {  	[tilespmem:$0x22C8] =	vst v0  }
0x2f2: {  	[tilespmem:$0x22B8] =	vst v0  }
0x2f3: {  	[tilespmem:$0x22A8] =	vst v0  }
0x2f4: {  	[tilespmem:$0x2298] =	vst v0  }
0x2f5: {  	[tilespmem:$0x2288] =	vst v0  }
0x2f6: {  	[tilespmem:$0x2278] =	vst v0  }
0x2f7: {  	[tilespmem:$0x2268] =	vst v0  }
0x2f8: {  	[tilespmem:$0x2258] =	vst v0  }
0x2f9: {  	[tilespmem:$0x2248] =	vst v0  }
0x2fa: {  	[tilespmem:$0x2238] =	vst v0  }
0x2fb: {  	[tilespmem:$0x2228] =	vst v0  }
0x2fc: {  	[tilespmem:$0x2218] =	vst v0  }
0x2fd: {  	[tilespmem:$0x2208] =	vst v0  }
0x2fe: {  	[tilespmem:$0x21F8] =	vst v0  }
0x2ff: {  	s1 =	simm.s32 $0x2;
	s2 =	stileid.u32;
	s3 =	simm.s32 $0x9;
	[tilespmem:$0x21E8] =	vst v0  }
0x300: {  	s30 =	simm.s32 $0xA;
	s31 =	simm.s32 $0xB;
	s17 =	simm.s32 $0x0;
	[tilespmem:$0x21D8] =	vst v0  }
0x301: {  	p0 =	por $0x1, $0x1;
	s18 =	simm.s32 $0xFF;
	p1 =	por $0x0, $0x0;
	[tilespmem:$0x21C8] =	vst v0  }
0x302: {  	s13 =	simm.s32 $0xC;
	s23 =	simm.s32 $0x0;
	s21 =	simm.s32 $0x0;
	[tilespmem:$0x21B8] =	vst v0  }
0x303: {  	s20 =	simm.s32 $0x0;
	s0 =	sand.u32 $0x1, s0;
	s11 =	smul.u32 $0x3D80, s2;
	[tilespmem:$0x21A8] =	vst v0  }
0x304: {  	s4 =	sadd.s32 $0xFBDE00, s8;
	[dreg:$0x5] =	wrdreg s0;
	s0 =	smul.u32 $0x7B00, s0;
	[tilespmem:$0x2198] =	vst v0  }
.Ltmp0:
0x305: {  	s10 =	sadd.s32 $0x1F1DE00, s8;
	s16 =	sshll.u32 s2, $0x6;
	[tilespmem:$0x2188] =	vst v0;
	(pc) =	sbr.rel .LBB2_1-.Ltmp0, $4  }
0x306: {  	[tilespmem:$0x2158] =	vst v0;
	[sflag:s1] =	ssyncpa.u1 $0x0;
	v0 =	vimm.s32 $0xFFFFFFFF;
	s29 =	sadd.s32 s0, s8;
	s0 =	sadd.s32 s0, s7  }
0x307: {  	[tilespmem:$0x6088] =	vst v0;
	[sflag:s3] =	ssyncpa.u1 $0x0;
	s8 =	sadd.s32 $0x3D80, s11;
	[dreg:$0x8] =	wrdreg s0  }
0x308: {  	[sflag:s30] =	ssyncpa.u1 $0x0;
	s12 =	sadd.s32 $0xFAE800, s29;
	[dreg:$0x6] =	wrdreg s8  }
0x309: {  	v0 =	vlaneseq.u32;
	s22 =	smov.u32 s11;
	[sflag:s31] =	ssyncpa.u1 $0x0;
	[dreg:$0x7] =	wrdreg s12  }
.LBB2_20:
0x30a: {  	s1 =	sshrl.u32 s1, $0x2  }
.LBB2_22:
0x30b: {  	_ =	swait.ge [sflag:s13], s1  }
0x30c: {  	s31 =	ssub.s32 $0x0, s1;
	v1 =	vmov s26;
	vm0 =	veq.s32 v0, $0x0;
	[sflag:s13] =	ssyncset.done $0x0  }
0x30d: {  	vm15 =	veq.s32 v0, $0x2;
	v1 =	vsel vm0, s0, v1;
	[sflag:s13] =	ssyncadd.s32 s31  }
0x30e: {  	v1 =	vsel vm15, s23, v1;
	[sflag:s13] =	ssyncpa.u1 $0x1  }
0x30f: {  	[tilespmem:$0x6088] =	vst v1  }
.LBB2_23:
0x310: {  	s0 =	sadd.s32 $0x180, s22  }
0x311: {  	s1 =	smov.u32 s11;
	s20 =	sadd.s32 $0x1, s20;
	p2 =	slt.s32 s0, s8  }
0x312: {  	s1 =	smov.u32 @p2 s0;
	p2 =	sne.s32 s20, $0x2B  }
.Ltmp1:
0x313: {  	_ = 	snop;
	(pc) =	sbr.rel @!p2 .LBB2_24-.Ltmp1, $3  }
0x314: {  	_ =	sdelay $0x1  }
0x315: {  	s23 =	smov.u32 s21;
	s21 =	smov.u32 s22;
	p0 =	por !p0, !p0  }
0x316: {  	s18 =	sadd.s32 $0x1, s18;
	p1 =	por !p1, !p1;
	s22 =	smov.u32 s1  }
.LBB2_1:
0x317: {  	p2 =	sgt.u32 s20, $0x28  }
0x318: {  	s0 =	smul.u32 @!p2 $0xAB, s20;
	_ =	sdelay $0x1  }
0x319: {  	s0 =	sshrl.u32 @!p2 s0, $0x9  }
0x31a: {  	s1 =	smov.u32 s22;
	p3 =	sgt.s32 @!p2 s22, $0x3D680;
	s0 =	sand.u32 @!p2 $0x7F, s0  }
0x31b: {  	s2 =	sshra.s32 @!p2 s22, $0x1F;
	p3 =	por !p3, p2;
	s0 =	smul.u32 @!p2 $0x3, s0  }
0x31c: {  	s2 =	sand.u32 @!p2 s2, s22;
	s1 =	simm.s32 @p3 $0x3D680  }
0x31d: {  	s1 =	ssub.s32 @!p2 s1, s2;
	s0 =	ssub.s32 @!p2 s20, s0  }
0x31e: {  	s1 =	sadd.s32 @!p2 $0xFFFC2980, s1;
	s0 =	sand.u32 @!p2 $0xFF, s0  }
0x31f: {  	s2 =	sshll.u32 @!p2 s1, $0x2;
	p3 =	sgt.s32 @!p2 s1, $0x17F;
	s0 =	smul.u32 @!p2 $0x600, s0  }
0x320: {  	s5 =	sand.u32 @!p2 $0x7, s22;
	s1 =	ssub.s32 @!p2 $0x600, s2;
	p3 =	por !p3, p2  }
0x321: {  	s2 =	sshrl.u32 @!p2 s22, $0x3;
	s1 =	sshrl.u32 @!p2 s1, $0x2;
	s0 =	sshrl.u32 @!p2 s0, $0x2  }
0x322: {  	s2 =	sadd.s32 @!p2 s2, s12;
	s1 =	simm.s32 @!p3 $0x0;
	s0 =	sadd.s32 @!p2 $0x64C8, s0  }
0x323: {  	[tilespmem:s0], [sflag:$0xA] =	stream.linear.gather @!p2 [hbm4b:s2+s5], s1, $0x38;
	[tilespmem:$0x1EC48] =	vst v63  }
0x324: {  	s0 =	sadd.s32 $0xFFFFFFFF, s20  }
0x325: {  	p2 =	sgt.u32 s0, $0x28  }
.Ltmp2:
0x326: {  	_ = 	snop;
	(pc) =	sbr.rel @p2 .LBB2_5-.Ltmp2, $1  }
0x327: {  	_ =	sdelay $0x3  }
0x328: {  	p2 =	sgt.s32 s21, $0x3D680;
	s1 =	smov.u32 s21;
	s2 =	sshra.s32 s21, $0x1F  }
0x329: {  	s5 =	sand.u32 $0xFF, s18;
	s1 =	simm.s32 @!p2 $0x3D680;
	s2 =	sand.u32 s2, s21  }
0x32a: {  	s13 =	smov.u32 s11;
	s9 =	smulhi.u32 $0x55555556, s5;
	s1 =	ssub.s32 s1, s2  }
0x32b: {  	s0 =	sand.u32 $0x1, s0;
	s5 =	smul.u32 $0x600, s5;
	s1 =	sadd.s32 $0xFFFC2980, s1  }
0x32c: {  	s3 =	simm.s32 $0xA;
	s0 =	smul.u32 $0x600, s0;
	s6 =	sshll.u32 s1, $0x2  }
0x32d: {  	s12 =	sshrl.u32 s21, $0x3;
	s2 =	smul.u32 $0x1200, s9;
	s6 =	ssub.s32 $0x600, s6  }
0x32e: {  	s15 =	sand.u32 $0x7, s21;
	p2 =	sgt.s32 s1, $0x17F;
	s1 =	sshrl.u32 s6, $0x2  }
0x32f: {  	s0 =	sshrl.u32 s0, $0x2;
	s2 =	ssub.s32 s5, s2;
	s1 =	simm.s32 @p2 $0x0  }
0x330: {  	s0 =	sadd.s32 $0x6948, s0;
	s2 =	sshra.s32 s2, $0x2;
	_ =	swait.ge [sflag:s3], s1  }
0x331: {  	s11 =	ssub.s32 $0x0, s1;
	[sflag:s3] =	ssyncset.done $0x0;
	s14 =	rddreg [dreg:$0x8]  }
0x332: {  	s28 =	sadd.s32 $0x64C8, s2;
	[sflag:s3] =	ssyncadd.s32 s11;
	s2 =	sadd.s32 s12, s14  }
0x333: {  	[tilespmem:s0], [sflag:$0xB] =	stream.linear.gather [hbm4b:s2+s15], s1, $0x38;
	[tilespmem:$0x1EC48] =	vst v63  }
0x334: {  	v1 =	vld.msk [tilespmem:s28+$0x0], $0xffff;
	_ =	sdelay $0x4  }
0x335: {  	v1 =	vshll.u32 v1, $0x4  }
0x336: {  	(v2sf) =	vpush v1, $0x0  }
0x337: {  	(v2sf) =	vpush v1, $0x1  }
0x338: {  	(v2sf) =	vpush v1, $0x2;
	_ =	sdelay $0x1  }
0x339: {  	(v2sf) =	vpush v1, $0x3;
	_ =	sdelay $0x1  }
0x33a: {  	s0 =	simm.s32 $0x1;
	(v2sf) =	vpush v1, $0x4  }
0x33b: {  	s0 =	simm.s32 @!p0 $0x0  }
0x33c: {  	s0 =	smul.u32 $0x30000, s0;
	(v2sf) =	vpush v1, $0x5;
	_ =	sdelay $0x1  }
0x33d: {  	s0 =	sshrl.u32 s0, $0x2;
	(v2sf) =	vpush v1, $0x6  }
0x33e: {  	s24 =	sadd.s32 $0x73C8, s0  }
0x33f: {  	s28 =	sadd.s32 $0x10, s28;
	s0 =	sadd.s32 $0xFFFFFE80, s24;
	s5 =	sadd.s32 $0xFFFFFD00, s24;
	(v2sf) =	vpush v1, $0x7  }
0x340: {  	s2 =	sadd.s32 $0xFFFFFD80, s24;
	s1 =	sadd.s32 $0xFFFFFE00, s24;
	s6 =	sadd.s32 $0xFFFFFB80, s24  }
0x341: {  	s26 =	sadd.s32 $0xFFFFFA00, s24;
	s29 =	sadd.s32 $0xFFFFFA80, s24;
	s30 =	sadd.s32 $0xFFFFFB00, s24;
	(v2sf) =	vpush v1, $0x8  }
0x342: {  	s31 =	sadd.s32 $0xFFFFF900, s24;
	s9 =	sadd.s32 $0xFFFFF980, s24;
	s12 =	spop (v2sf)  }
0x343: {  	s8 =	sadd.s32 $0xFFFFF880, s24;
	(v2sf) =	vpush v1, $0x9;
	s12 =	sand.u32 $0x1FFFFFF0, s12;
	s14 =	spop (v2sf)  }
0x344: {  	(v2sf) =	vpush v1, $0xA;
	s12 =	sadd.s32 s10, s12;
	s14 =	sand.u32 $0x1FFFFFF0, s14;
	s15 =	spop (v2sf)  }
0x345: {  	[tilespmem:s8], [sflag:$0x9] =	stream.linear.gather [hbm4b:s12+s17], $0x20, $0x38;
	[tilespmem:$0x1EC48] =	vst v63  }
0x346: {  	s19 =	sadd.s32 s10, s14;
	s3 =	sand.u32 $0x1FFFFFF0, s15;
	s11 =	spop (v2sf)  }
0x347: {  	(v2sf) =	vpush v1, $0xB;
	[tilespmem:s31], [sflag:$0x9] =	stream.linear.gather [hbm4b:s19+s17], $0x20, $0x38;
	[tilespmem:$0x1EC48] =	vst v63  }
0x348: {  	s12 =	sadd.s32 s10, s3;
	s14 =	sand.u32 $0x1FFFFFF0, s11;
	s15 =	spop (v2sf)  }
0x349: {  	(v2sf) =	vpush v1, $0xC;
	[tilespmem:s9], [sflag:$0x9] =	stream.linear.gather [hbm4b:s12+s17], $0x20, $0x38;
	[tilespmem:$0x1EC48] =	vst v63  }
0x34a: {  	s19 =	sadd.s32 s10, s14;
	s31 =	sand.u32 $0x1FFFFFF0, s15;
	s3 =	spop (v2sf)  }
0x34b: {  	(v2sf) =	vpush v1, $0xD;
	[tilespmem:s26], [sflag:$0x9] =	stream.linear.gather [hbm4b:s19+s17], $0x20, $0x38;
	[tilespmem:$0x1EC48] =	vst v63  }
0x34c: {  	s11 =	sadd.s32 s10, s31;
	s14 =	sand.u32 $0x1FFFFFF0, s3;
	s15 =	spop (v2sf)  }
0x34d: {  	(v2sf) =	vpush v1, $0xE;
	[tilespmem:s29], [sflag:$0x9] =	stream.linear.gather [hbm4b:s11+s17], $0x20, $0x38;
	[tilespmem:$0x1EC48] =	vst v63  }
0x34e: {  	s19 =	sadd.s32 s10, s14;
	s26 =	sand.u32 $0x1FFFFFF0, s15;
	s29 =	spop (v2sf)  }
0x34f: {  	(v2sf) =	vpush v1, $0xF;
	[tilespmem:s30], [sflag:$0x9] =	stream.linear.gather [hbm4b:s19+s17], $0x20, $0x38;
	[tilespmem:$0x1EC48] =	vst v63  }
0x350: {  	s7 =	sadd.s32 $0xFFFFFC00, s24;
	s3 =	spop (v2sf);
	s30 =	sadd.s32 s10, s26  }
0x351: {  	[tilespmem:s6], [sflag:$0x9] =	stream.linear.gather [hbm4b:s30+s17], $0x20, $0x38;
	[tilespmem:$0x1EC48] =	vst v63  }
0x352: {  	s25 =	sadd.s32 $0xFFFFFC80, s24;
	s31 =	sand.u32 $0x1FFFFFF0, s29;
	s12 =	spop (v2sf)  }
0x353: {  	s9 =	sadd.s32 s10, s31;
	s11 =	sand.u32 $0x1FFFFFF0, s3;
	s19 =	spop (v2sf)  }
0x354: {  	[tilespmem:s7], [sflag:$0x9] =	stream.linear.gather [hbm4b:s9+s17], $0x20, $0x38;
	[tilespmem:$0x1EC48] =	vst v63  }
0x355: {  	s14 =	sadd.s32 s10, s11;
	s15 =	sand.u32 $0x1FFFFFF0, s12;
	s26 =	sand.u32 $0x1FFFFFF0, s19  }
0x356: {  	s29 =	spop (v2sf);
	s19 =	sadd.s32 $0xFFFFFF00, s24;
	s30 =	sadd.s32 s10, s26  }
0x357: {  	[tilespmem:s25], [sflag:$0x9] =	stream.linear.gather [hbm4b:s14+s17], $0x20, $0x38;
	[tilespmem:$0x1EC48] =	vst v63  }
0x358: {  	s31 =	sand.u32 $0x1FFFFFF0, s29;
	s3 =	spop (v2sf);
	s25 =	sadd.s32 s10, s15  }
0x359: {  	[tilespmem:s5], [sflag:$0x9] =	stream.linear.gather [hbm4b:s25+s17], $0x20, $0x38;
	[tilespmem:$0x1EC48] =	vst v63  }
0x35a: {  	s8 =	sadd.s32 s10, s31;
	s9 =	sand.u32 $0x1FFFFFF0, s3;
	s11 =	spop (v2sf)  }
0x35b: {  	[tilespmem:s2], [sflag:$0x9] =	stream.linear.gather [hbm4b:s30+s17], $0x20, $0x38;
	[tilespmem:$0x1EC48] =	vst v63  }
0x35c: {  	s31 =	sadd.s32 $0xFFFFFF80, s24;
	s12 =	sadd.s32 s10, s9;
	s15 =	spop (v2sf)  }
0x35d: {  	[tilespmem:s1], [sflag:$0x9] =	stream.linear.gather [hbm4b:s8+s17], $0x20, $0x38;
	[tilespmem:$0x1EC48] =	vst v63  }
0x35e: {  	s14 =	sand.u32 $0x1FFFFFF0, s11;
	s26 =	sand.u32 $0x1FFFFFF0, s15;
	s29 =	spop (v2sf)  }
0x35f: {  	[tilespmem:s0], [sflag:$0x9] =	stream.linear.gather [hbm4b:s12+s17], $0x20, $0x38;
	[tilespmem:$0x1EC48] =	vst v63  }
0x360: {  	s25 =	sadd.s32 s10, s14;
	s30 =	sadd.s32 s10, s26;
	s0 =	sand.u32 $0x1FFFFFF0, s29  }
0x361: {  	[tilespmem:s19], [sflag:$0x9] =	stream.linear.gather [hbm4b:s25+s17], $0x20, $0x38;
	[tilespmem:$0x1EC48] =	vst v63  }
0x362: {  	s26 =	sadd.s32 $0x800, s24;
	s0 =	sadd.s32 s10, s0;
	s25 =	simm.s32 $0x0  }
0x363: {  	[tilespmem:s31], [sflag:$0x9] =	stream.linear.gather [hbm4b:s30+s17], $0x20, $0x38;
	[tilespmem:$0x1EC48] =	vst v63  }
.LBB2_3:
0x364: {  	[tilespmem:s24], [sflag:$0x9] =	stream.linear.gather [hbm4b:s0+s17], $0x20, $0x38;
	[tilespmem:$0x1EC48] =	vst v63  }
0x365: {  	s25 =	sadd.s32 $0x10, s25;
	s24 =	smov.u32 s26  }
0x366: {  	p2 =	slt.u32 s25, $0x170;
	v1 =	vld.msk [tilespmem:s28+$0x0], $0xffff;
	_ =	sdelay $0x4  }
0x367: {  	v1 =	vshll.u32 v1, $0x4  }
0x368: {  	(v2sf) =	vpush v1, $0x0  }
0x369: {  	(v2sf) =	vpush v1, $0x1  }
0x36a: {  	(v2sf) =	vpush v1, $0x2;
	_ =	sdelay $0x1  }
0x36b: {  	(v2sf) =	vpush v1, $0x3;
	_ =	sdelay $0x1  }
0x36c: {  	(v2sf) =	vpush v1, $0x4;
	_ =	sdelay $0x1  }
0x36d: {  	(v2sf) =	vpush v1, $0x5;
	_ =	sdelay $0x1  }
0x36e: {  	(v2sf) =	vpush v1, $0x6  }
0x36f: {  	s30 =	sadd.s32 $0xFFFFFE80, s26;
	s29 =	sadd.s32 $0xFFFFFF00, s26  }
0x370: {  	s1 =	sadd.s32 $0xFFFFFD00, s26;
	s0 =	sadd.s32 $0xFFFFFD80, s26;
	s31 =	sadd.s32 $0xFFFFFE00, s26;
	(v2sf) =	vpush v1, $0x7  }
0x371: {  	s5 =	sadd.s32 $0xFFFFFB80, s26;
	s6 =	sadd.s32 $0xFFFFFC00, s26;
	s2 =	sadd.s32 $0xFFFFFC80, s26  }
0x372: {  	s7 =	sadd.s32 $0xFFFFFA00, s26;
	s8 =	sadd.s32 $0xFFFFFA80, s26;
	s9 =	sadd.s32 $0xFFFFFB00, s26;
	(v2sf) =	vpush v1, $0x8  }
0x373: {  	s12 =	sadd.s32 $0xFFFFF900, s26;
	s14 =	sadd.s32 $0xFFFFF980, s26;
	s15 =	spop (v2sf)  }
0x374: {  	s11 =	sadd.s32 $0xFFFFF880, s26;
	s15 =	sand.u32 $0x1FFFFFF0, s15;
	s19 =	spop (v2sf);
	(v2sf) =	vpush v1, $0x9  }
0x375: {  	s15 =	sadd.s32 s10, s15;
	s19 =	sand.u32 $0x1FFFFFF0, s19;
	s3 =	spop (v2sf)  }
0x376: {  	[tilespmem:s11], [sflag:$0x9] =	stream.linear.gather [hbm4b:s15+s17], $0x20, $0x38;
	(v2sf) =	vpush v1, $0xA;
	[tilespmem:$0x1EC48] =	vst v63  }
0x377: {  	s11 =	sadd.s32 s10, s19;
	s3 =	sand.u32 $0x1FFFFFF0, s3;
	s15 =	spop (v2sf)  }
0x378: {  	[tilespmem:s12], [sflag:$0x9] =	stream.linear.gather [hbm4b:s11+s17], $0x20, $0x38;
	(v2sf) =	vpush v1, $0xB;
	[tilespmem:$0x1EC48] =	vst v63  }
0x379: {  	s3 =	sadd.s32 s10, s3;
	s11 =	sand.u32 $0x1FFFFFF0, s15;
	s12 =	spop (v2sf)  }
0x37a: {  	[tilespmem:s14], [sflag:$0x9] =	stream.linear.gather [hbm4b:s3+s17], $0x20, $0x38;
	(v2sf) =	vpush v1, $0xC;
	[tilespmem:$0x1EC48] =	vst v63  }
0x37b: {  	s3 =	sadd.s32 s10, s11;
	s11 =	sand.u32 $0x1FFFFFF0, s12;
	s12 =	spop (v2sf)  }
0x37c: {  	[tilespmem:s7], [sflag:$0x9] =	stream.linear.gather [hbm4b:s3+s17], $0x20, $0x38;
	(v2sf) =	vpush v1, $0xD;
	[tilespmem:$0x1EC48] =	vst v63  }
0x37d: {  	s3 =	sadd.s32 s10, s11;
	s7 =	sand.u32 $0x1FFFFFF0, s12;
	s11 =	spop (v2sf)  }
0x37e: {  	[tilespmem:s8], [sflag:$0x9] =	stream.linear.gather [hbm4b:s3+s17], $0x20, $0x38;
	(v2sf) =	vpush v1, $0xE;
	[tilespmem:$0x1EC48] =	vst v63  }
0x37f: {  	s3 =	sadd.s32 s10, s7;
	s7 =	sand.u32 $0x1FFFFFF0, s11;
	s8 =	spop (v2sf)  }
0x380: {  	[tilespmem:s9], [sflag:$0x9] =	stream.linear.gather [hbm4b:s3+s17], $0x20, $0x38;
	(v2sf) =	vpush v1, $0xF;
	[tilespmem:$0x1EC48] =	vst v63  }
0x381: {  	s3 =	sadd.s32 s10, s7;
	s7 =	sand.u32 $0x1FFFFFF0, s8;
	s8 =	spop (v2sf)  }
0x382: {  	[tilespmem:s5], [sflag:$0x9] =	stream.linear.gather [hbm4b:s3+s17], $0x20, $0x38;
	[tilespmem:$0x1EC48] =	vst v63  }
0x383: {  	s3 =	sadd.s32 s10, s7;
	s5 =	sand.u32 $0x1FFFFFF0, s8;
	s7 =	spop (v2sf)  }
0x384: {  	[tilespmem:s6], [sflag:$0x9] =	stream.linear.gather [hbm4b:s3+s17], $0x20, $0x38;
	[tilespmem:$0x1EC48] =	vst v63  }
0x385: {  	s3 =	sadd.s32 s10, s5;
	s5 =	sand.u32 $0x1FFFFFF0, s7;
	s6 =	spop (v2sf)  }
0x386: {  	[tilespmem:s2], [sflag:$0x9] =	stream.linear.gather [hbm4b:s3+s17], $0x20, $0x38;
	[tilespmem:$0x1EC48] =	vst v63  }
0x387: {  	s2 =	sadd.s32 s10, s5;
	s3 =	sand.u32 $0x1FFFFFF0, s6;
	s5 =	spop (v2sf)  }
0x388: {  	[tilespmem:s1], [sflag:$0x9] =	stream.linear.gather [hbm4b:s2+s17], $0x20, $0x38;
	[tilespmem:$0x1EC48] =	vst v63  }
0x389: {  	s1 =	sadd.s32 s10, s3;
	s2 =	sand.u32 $0x1FFFFFF0, s5;
	s3 =	spop (v2sf)  }
0x38a: {  	[tilespmem:s0], [sflag:$0x9] =	stream.linear.gather [hbm4b:s1+s17], $0x20, $0x38;
	[tilespmem:$0x1EC48] =	vst v63  }
0x38b: {  	s0 =	sadd.s32 s10, s2;
	s1 =	sand.u32 $0x1FFFFFF0, s3;
	s2 =	spop (v2sf)  }
0x38c: {  	[tilespmem:s31], [sflag:$0x9] =	stream.linear.gather [hbm4b:s0+s17], $0x20, $0x38;
	[tilespmem:$0x1EC48] =	vst v63  }
0x38d: {  	s0 =	sadd.s32 s10, s1;
	s1 =	sand.u32 $0x1FFFFFF0, s2;
	s2 =	spop (v2sf)  }
0x38e: {  	[tilespmem:s30], [sflag:$0x9] =	stream.linear.gather [hbm4b:s0+s17], $0x20, $0x38;
	[tilespmem:$0x1EC48] =	vst v63  }
0x38f: {  	s0 =	sadd.s32 s10, s1  }
.Ltmp3:
0x390: {  	s1 =	sand.u32 $0x1FFFFFF0, s2;
	s2 =	spop (v2sf);
	(pc) =	sbr.rel @p2 .LBB2_3-.Ltmp3, $4  }
0x391: {  	[tilespmem:s29], [sflag:$0x9] =	stream.linear.gather [hbm4b:s0+s17], $0x20, $0x38;
	[tilespmem:$0x1EC48] =	vst v63  }
0x392: {  	s0 =	sadd.s32 s10, s1;
	s1 =	sadd.s32 $0xFFFFFF80, s26;
	s2 =	sand.u32 $0x1FFFFFF0, s2  }
0x393: {  	[tilespmem:s1], [sflag:$0x9] =	stream.linear.gather [hbm4b:s0+s17], $0x20, $0x38;
	[tilespmem:$0x1EC48] =	vst v63  }
0x394: {  	s28 =	sadd.s32 $0x10, s28;
	s26 =	sadd.s32 $0x800, s26;
	s0 =	sadd.s32 s10, s2  }
0x395: {  	[tilespmem:s24], [sflag:$0x9] =	stream.linear.gather [hbm4b:s0+s17], $0x20, $0x38;
	[tilespmem:$0x1EC48] =	vst v63  }
0x396: {  	s9 =	simm.s32 $0x1;
	s8 =	rddreg [dreg:$0x6]  }
0x397: {  	s11 =	smov.u32 s13;
	s12 =	rddreg [dreg:$0x7];
	s13 =	simm.s32 $0xC  }
.LBB2_5:
0x398: {  	p2 =	slt.u32 s20, $0x2  }
.Ltmp4:
0x399: {  	_ = 	snop;
	(pc) =	sbr.rel @p2 .LBB2_23-.Ltmp4, $1  }
0x39a: {  	_ =	sdelay $0x3  }
0x39b: {  	p2 =	sgt.s32 s23, $0x3D680;
	s0 =	smov.u32 s23;
	s1 =	sshra.s32 s23, $0x1F  }
0x39c: {  	s0 =	simm.s32 @!p2 $0x3D680;
	s1 =	sand.u32 s1, s23  }
0x39d: {  	s0 =	ssub.s32 s0, s1  }
0x39e: {  	s0 =	sadd.s32 $0xFFFC2980, s0  }
0x39f: {  	s2 =	simm.s32 $0x9;
	s30 =	sshll.u32 s0, $0x2  }
0x3a0: {  	_ =	swait.ge [sflag:s2], $0x3000;
	s1 =	ssub.s32 $0x600, s30  }
0x3a1: {  	[sflag:s2] =	ssyncset.done $0x0;
	p2 =	sgt.s32 s0, $0x17F;
	s0 =	sshrl.u32 s1, $0x2  }
0x3a2: {  	s31 =	simm.s32 $0xB;
	[sflag:s2] =	ssyncadd.s32 $0xFFFFD000;
	s0 =	simm.s32 @p2 $0x0  }
0x3a3: {  	_ =	swait.ge [sflag:s31], s0  }
0x3a4: {  	s0 =	ssub.s32 $0x0, s0;
	[sflag:s31] =	ssyncset.done $0x0  }
0x3a5: {  	[sflag:s31] =	ssyncadd.s32 s0  }
0x3a6: {  	v1 =	vld [tilespmem:$0x6088];
	_ =	sdelay $0x4  }
0x3a7: {  	(v2sf) =	vpush v1, $0x0  }
0x3a8: {  	(v2sf) =	vpush v1, $0x1  }
0x3a9: {  	(v2sf) =	vpush v1, $0x2;
	_ =	sdelay $0x3  }
0x3aa: {  	s1 =	sadd.s32 $0x180, s23  }
0x3ab: {  	s2 =	ssub.s32 $0x7B000, s23;
	p2 =	slt.s32 s8, s1  }
0x3ac: {  	s1 =	smov.u32 @p2 s8;
	p2 =	sgt.s32 s2, $0x0  }
0x3ad: {  	s24 =	ssub.s32 s1, s23;
	s2 =	simm.s32 @!p2 $0x0  }
0x3ae: {  	p2 =	slt.s32 s2, s24  }
0x3af: {  	s24 =	smov.u32 @p2 s2  }
0x3b0: {  	s0 =	simm.s32 $0x1;
	p2 =	slt.s32 s24, $0x1  }
.Ltmp5:
0x3b1: {  	s0 =	simm.s32 @!p1 $0x0;
	(pc) =	sbr.rel @p2 .LBB2_10-.Ltmp5, $4  }
0x3b2: {  	s3 =	smul.u32 $0x600, s0  }
0x3b3: {  	s1 =	spop (v2sf)  }
0x3b4: {  	s3 =	sshrl.u32 s3, $0x2;
	s2 =	spop (v2sf)  }
0x3b5: {  	s25 =	sadd.s32 $0x6948, s3;
	s23 =	spop (v2sf)  }
0x3b6: {  	s3 =	smin.u32 s24, $0x10  }
0x3b7: {  	v1 =	vmov s3  }
0x3b8: {  	p3 =	sgt.s32 s24, $0x10;
	vm1 =	vgt.u32 v1, v0  }
.Ltmp6:
0x3b9: {  	_ = 	snop;
	(pc) =	sbr.rel @!p3 .LBB2_9-.Ltmp6, $2  }
0x3ba: {  	_ =	sdelay $0x2  }
0x3bb: {  	s6 =	simm.s32 $0x10;
	s26 =	sadd.s32 $0xFFFFFFF0, s24;
	s5 =	smov.u32 s25;
	vm0 =	vmmov vm1  }
.LBB2_8:
0x3bc: {  	s3 =	smin.u32 s26, $0x10;
	s6 =	sadd.s32 $0x10, s6;
	v1 =	vld.msk [tilespmem:s5+$0x0 ss:$0x1], vm1  }
0x3bd: {  	v2 =	vmov s3;
	p3 =	slt.s32 s6, s24  }
0x3be: {  	vm1 =	vgt.u32 v2, v0  }
.Ltmp7:
0x3bf: {  	(pc) =	sbr.rel @p3 .LBB2_8-.Ltmp7, $3  }
0x3c0: {  	_ =	sdelay $0x1  }
0x3c1: {  	v1 =	vshll.u32 v1, $0x4  }
0x3c2: {  	s26 =	sadd.s32 $0xFFFFFFF0, s26;
	[tilespmem:s5+$0x0] =	vst.msk vm0, v1;
	s5 =	sadd.s32 $0x10, s5;
	vm0 =	vmmov vm1  }
.LBB2_9:
0x3c3: {  	_ =	sdelay $0x4  }
0x3c4: {  	v1 =	vld.msk [tilespmem:s5+$0x0 ss:$0x1], vm1;
	_ =	sdelay $0x4  }
0x3c5: {  	v1 =	vshll.u32 v1, $0x4  }
0x3c6: {  	[tilespmem:s5+$0x0] =	vst.msk vm0, v1  }
.LBB2_10:
0x3c7: {  	s3 =	sand.u32 $0x1, s20  }
0x3c8: {  	s3 =	smul.u32 $0x180, s3  }
0x3c9: {  	p3 =	sne.s32 s2, $0xFFFFFFFF  }
0x3ca: {  	v1 =	vld.msk @!p3 [tilespmem:s3+$0x6948], $0x1;
	_ =	sdelay $0x4  }
0x3cb: {  	(v2sf) =	vpush @!p3 v1, $0x0;
	_ =	sdelay $0xc  }
.Ltmp8:
0x3cc: {  	_ = 	snop;
	(pc) =	sbr.rel @p2 .LBB2_21-.Ltmp8, $4  }
0x3cd: {  	_ = 	snop  }
0x3ce: {  	s30 =	spop @!p3 (v2sf)  }
0x3cf: {  	s23 =	simm.s32 @!p3 $0x0;
	s26 =	smov.u32 s30  }
0x3d0: {  	[sflag:s13] =	ssyncpa.u1 $0x0;
	s30 =	smov.u32 @p3 s1;
	s26 =	smov.u32 @p3 s2  }
0x3d1: {  	v1 =	vld.msk [tilespmem:s25+$0x0], $0x1;
	_ =	sdelay $0x4  }
0x3d2: {  	(v2sf) =	vpush v1, $0x0;
	_ =	sdelay $0xe  }
0x3d3: {  	s0 =	smul.u32 $0x30000, s0;
	s2 =	spop (v2sf)  }
0x3d4: {  	p2 =	seq.s32 s30, s2  }
0x3d5: {  	s1 =	smov.u32 s30;
	s0 =	sshrl.u32 s0, $0x2;
	p3 =	sgt.s32 @!p2 s30, $0x0  }
0x3d6: {  	s28 =	sadd.s32 $0x6C58, s0;
	s0 =	sadd.s32 $0xFFFFFFFF, s24;
	p3 =	por !p3, p2  }
0x3d7: {  	s1 =	simm.s32 @p3 $0x0;
	p3 =	sne.s32 s0, $0x0  }
.Ltmp9:
0x3d8: {  	_ = 	snop;
	(pc) =	sbr.rel @!p3 .LBB2_13-.Ltmp9, $4  }
0x3d9: {  	_ = 	snop  }
0x3da: {  	s29 =	simm.s32 $0x0;
	s5 =	simm.s32 @!p2 $0x1;
	s1 =	smin.u32 @!p2 s1, $0xC67FC  }
0x3db: {  	s6 =	simm.s32 @!p2 $0x3068;
	s5 =	smov.u32 @p2 s29;
	s3 =	sand.u32 @!p2 $0xFFFF8, s1  }
0x3dc: {  	s31 =	sand.u32 @!p2 $0x7, s1;
	s1 =	sadd.s32 $0x1, s25;
	s7 =	sadd.s32 @!p2 s4, s3  }
.LBB2_12:
0x3dd: {  	s3 =	smov.u32 s5  }
0x3de: {  	[tilespmem:s6], [sflag:$0x2] =	stream.linear.gather @!p2 [hbm4b:s7+s31], $0x20, $0x38;
	[tilespmem:$0x1EC48] =	vst v63  }
0x3df: {  	s0 =	sadd.s32 $0xFFFFFFFF, s0;
	s7 =	smov.u32 s2;
	v1 =	vld.msk [tilespmem:s1+$0x0], $0x1  }
0x3e0: {  	p3 =	sne.s32 s0, $0x0;
	_ =	sdelay $0x3  }
0x3e1: {  	(v2sf) =	vpush v1, $0x0;
	_ =	sdelay $0xe  }
0x3e2: {  	s2 =	spop (v2sf)  }
0x3e3: {  	p2 =	seq.s32 s7, s2  }
0x3e4: {  	p4 =	sgt.s32 @!p2 s7, $0x0;
	s6 =	sshll.u32 @!p2 s5, $0x7;
	s5 =	sadd.s32 @!p2 $0x1, s5  }
.Ltmp10:
0x3e5: {  	p4 =	por !p4, p2;
	s6 =	sshra.s32 @!p2 s6, $0x2;
	(pc) =	sbr.rel @p3 .LBB2_12-.Ltmp10, $4  }
0x3e6: {  	s5 =	smov.u32 @p2 s3;
	s7 =	simm.s32 @p4 $0x0;
	s6 =	sadd.s32 @!p2 $0x3068, s6  }
0x3e7: {  	s3 =	smin.u32 @!p2 s7, $0xC67FC  }
0x3e8: {  	s7 =	sand.u32 @!p2 $0xFFFF8, s3;
	s31 =	sand.u32 @!p2 $0x7, s3  }
0x3e9: {  	s1 =	sadd.s32 $0x1, s1;
	s7 =	sadd.s32 @!p2 s4, s7  }
.LBB2_13:
0x3ea: {  	[tilespmem:s6], [sflag:$0x2] =	stream.linear.gather @!p2 [hbm4b:s7+s31], $0x20, $0x38;
	[tilespmem:$0x1EC48] =	vst v63  }
.Ltmp11:
0x3eb: {  	s0 =	sshll.u32 s5, $0x5;
	(pc) =	sbr.rel .LBB2_14-.Ltmp11, $4  }
0x3ec: {  	s1 =	simm.s32 $0x2;
	s0 =	sand.u32 $0x3FFFFFE0, s0  }
0x3ed: {  	_ =	swait.ge [sflag:s1], s0  }
0x3ee: {  	s0 =	ssub.s32 $0x0, s0;
	[sflag:s1] =	ssyncset.done $0x0  }
0x3ef: {  	[sflag:s1] =	ssyncadd.s32 s0;
	s1 =	simm.s32 $0x0  }
.LBB2_15:
0x3f0: {  	v1 =	vld [tilespmem:s28+$0xFFFFFFF0];
	_ =	sdelay $0x4  }
0x3f1: {  	[tilespmem:s2+$0x48] =	vst.add.f32.msk $0xffff, v1  }
0x3f2: {  	v1 =	vld [tilespmem:s28+$0x0];
	_ =	sdelay $0x4  }
0x3f3: {  	[tilespmem:s2+$0x58] =	vst.add.f32.msk $0xffff, v1  }
.LBB2_19:
0x3f4: {  	s24 =	sadd.s32 $0xFFFFFFFF, s24  }
0x3f5: {  	p2 =	sne.s32 s24, $0x0  }
.Ltmp12:
0x3f6: {  	_ = 	snop;
	(pc) =	sbr.rel @!p2 .LBB2_20-.Ltmp12, $2  }
0x3f7: {  	_ =	sdelay $0x2  }
0x3f8: {  	s28 =	sadd.s32 $0x80, s28;
	s25 =	sadd.s32 $0x1, s25;
	s30 =	smov.u32 s0  }
.LBB2_14:
0x3f9: {  	v1 =	vld.msk [tilespmem:s25+$0x0], $0x1;
	_ =	sdelay $0x4  }
0x3fa: {  	(v2sf) =	vpush v1, $0x0;
	_ =	sdelay $0xe  }
0x3fb: {  	s0 =	spop (v2sf)  }
0x3fc: {  	p2 =	sne.s32 s30, s0  }
.Ltmp13:
0x3fd: {  	_ = 	snop;
	(pc) =	sbr.rel @!p2 .LBB2_15-.Ltmp13, $3  }
0x3fe: {  	_ =	sdelay $0x1  }
0x3ff: {  	s2 =	sshll.u32 s23, $0x7  }
0x400: {  	s2 =	sshra.s32 s2, $0x2  }
0x401: {  	p2 =	seq.s32 s30, s26  }
.Ltmp14:
0x402: {  	_ = 	snop;
	(pc) =	sbr.rel @!p2 .LBB2_17-.Ltmp14, $1  }
0x403: {  	_ =	sdelay $0x3  }
.Ltmp15:
0x404: {  	s2 =	sadd.s32 $0x48, s2;
	(pc) =	sbr.rel .LBB2_18-.Ltmp15, $4  }
0x405: {  	[spmem:s16] =	stream.linear.scatter [tilespmem:s2], [sflag:$0x1], $0x20, $0x38;
	[tilespmem:$0x1EC48] =	vst v63  }
0x406: {  	_ =	swait.ge [sflag:s9], $0x20  }
0x407: {  	[sflag:s9] =	ssyncset.done $0x0  }
0x408: {  	[sflag:s9] =	ssyncadd.s32 $0xFFFFFFE0  }
.LBB2_17:
0x409: {  	s3 =	sshll.u32 s29, $0x7  }
0x40a: {  	s3 =	sshra.s32 s3, $0x2  }
0x40b: {  	v1 =	vld [tilespmem:s3+$0x3068];
	_ =	sdelay $0x4  }
0x40c: {  	[tilespmem:s2+$0x48] =	vst.add.f32.msk $0xffff, v1  }
0x40d: {  	v1 =	vld [tilespmem:s3+$0x3078];
	_ =	sdelay $0x2  }
0x40e: {  	p2 =	sgt.u32 s30, $0xC67FC  }
0x40f: {  	s3 =	sand.u32 @!p2 $0xFFFF8, s30  }
0x410: {  	s5 =	sadd.s32 $0x48, s2;
	[tilespmem:s2+$0x58] =	vst.add.f32.msk $0xffff, v1;
	s2 =	sadd.s32 @!p2 s4, s3;
	s3 =	sand.u32 @!p2 $0x7, s30  }
0x411: {  	[hbm4b:s2+s3] =	stream.linear.scatter @!p2 [tilespmem:s5], [sflag:$0xC], $0x20, $0x38;
	[tilespmem:$0x1EC48] =	vst v63  }
0x412: {  	s2 =	simm.s32 $0x0  }
0x413: {  	s2 =	simm.s32 @!p2 $0x80  }
0x414: {  	s1 =	sadd.s32 s2, s1  }
.LBB2_18:
0x415: {  	s2 =	sadd.s32 $0x1, s23  }
0x416: {  	s3 =	smulhi.u32 $0xAAAAAAAB, s2;
	_ =	sdelay $0x1  }
0x417: {  	v1 =	vld [tilespmem:s28+$0xFFFFFFF0];
	s3 =	sshrl.u32 s3, $0x8  }
0x418: {  	s3 =	smul.u32 $0x180, s3;
	_ =	sdelay $0x1  }
0x419: {  	s23 =	ssub.s32 s2, s3  }
0x41a: {  	s2 =	sshll.u32 s23, $0x5  }
0x41b: {  	[tilespmem:s2+$0x48] =	vst v1  }
0x41c: {  	v1 =	vld [tilespmem:s28+$0x0]  }
.Ltmp16:
0x41d: {  	_ = 	snop;
	(pc) =	sbr.rel .LBB2_19-.Ltmp16, $2  }
0x41e: {  	_ =	sdelay $0x2  }
0x41f: {  	s29 =	sadd.s32 $0x1, s29;
	[tilespmem:s2+$0x58] =	vst v1  }
.LBB2_21:
.Ltmp17:
0x420: {  	(pc) =	sbr.rel .LBB2_22-.Ltmp17, $4  }
0x421: {  	_ = 	snop  }
0x422: {  	s0 =	simm.s32 $0x2  }
0x423: {  	_ =	swait.ge [sflag:s0], $0x0  }
0x424: {  	s1 =	simm.s32 $0x0;
	[sflag:s0] =	ssyncset.done $0x0;
	s0 =	smov.u32 s30  }
.LBB2_24:
0x425: {  	_ =	sfence.sel $0x180000  }
0x426: {  	s0 =	simm.s32 $0x9;
	[bflag:$0x0] =	sbarrier.arrive $0xFFFF  }
0x427: {  	s24 =	simm.s32 $0xA;
	[sflag:s0] =	ssyncpa.u1 $0x1  }
0x428: {  	s25 =	simm.s32 $0xB;
	[sflag:s24] =	ssyncpa.u1 $0x1  }
0x429: {  	s26 =	simm.s32 $0x2;
	[sflag:s25] =	ssyncpa.u1 $0x1  }
0x42a: {  	[sflag:s26] =	ssyncpa.u1 $0x1  }
0x42b: {  	v0 =	vld [tilespmem:$0x6088];
	_ =	sdelay $0x4  }
0x42c: {  	(v2sf) =	vpush v0, $0x0  }
0x42d: {  	(v2sf) =	vpush v0, $0x1;
	_ =	sdelay $0x1  }
0x42e: {  	(v2sf) =	vpush v0, $0x2;
	_ =	sdelay $0xb  }
0x42f: {  	s0 =	spop (v2sf)  }
0x430: {  	s1 =	spop (v2sf)  }
0x431: {  	s2 =	smov.u32 s0;
	p0 =	sne.s32 s0, s1  }
0x432: {  	s3 =	spop (v2sf);
	s2 =	simm.s32 @!p0 $0xFFFFFFFF  }
0x433: {  	v2 =	vimm.s32 $0x1;
	v3 =	vlaneseq.u32;
	p0 =	seq.s32 s3, $0xFFFFFFFF;
	v1 =	vmov s2  }
0x434: {  	s14 =	stileid.u32;
	v0 =	vperm.xlane v0, v2;
	p1 =	sne.s32 @!p0 s0, s1;
	v1 =	vperm.xlane v1, v3  }
0x435: {  	vm0 =	vcmask $0x3F04;
	s6 =	simm.s32 $0x6088;
	s0 =	simm.s32 @!p0 $0x1;
	p1 =	por !p1, p0  }
0x436: {  	s2 =	sshll.u32 s14, $0x1;
	s1 =	sshll.u32 @!p0 s3, $0x7;
	s0 =	simm.s32 @p1 $0x0;
	v0 =	vsel vm0, v1, v0  }
0x437: {  	s5 =	sor.u32 $0x400, s2;
	s1 =	sshra.s32 @!p0 s1, $0x2;
	s0 =	sor.u32 @!p0 s0, s2;
	[tilespmem:$0x6088] =	vst v0  }
0x438: {  	[spmem:s5] =	stream.linear.scatter [tilespmem:s6], [sflag:$0x1], $0x2, $0x38;
	[tilespmem:$0x1EC48] =	vst v63  }
0x439: {  	s1 =	sadd.s32 @!p0 $0x48, s1;
	s0 =	sshll.u32 @!p0 s0, $0x5  }
0x43a: {  	[spmem:s0] =	stream.linear.scatter @!p0 [tilespmem:s1], [sflag:$0x1], $0x20, $0x38;
	[tilespmem:$0x1EC48] =	vst v63  }
0x43b: {  	s0 =	simm.s32 @!p0 $0x22  }
0x43c: {  	s28 =	simm.s32 $0x1;
	s0 =	simm.s32 @p0 $0x2  }
0x43d: {  	_ =	swait.ge [sflag:s28], s0  }
0x43e: {  	s0 =	ssub.s32 $0x0, s0;
	[sflag:s28] =	ssyncset.done $0x0  }
0x43f: {  	p0 =	sne.s32 s14, $0x0;
	[sflag:s28] =	ssyncadd.s32 s0  }
.Ltmp18:
0x440: {  	_ =	sfence.stream.spmem;
	(pc) =	sbr.rel @p0 .LBB2_41-.Ltmp18, $4  }
0x441: {  	s29 =	simm.s32 $0x3;
	[bflag:$0x0] =	sbarrier.arrive $0xFFFF  }
0x442: {  	s30 =	simm.s32 $0x4;
	[sflag:s29] =	ssyncpa.u1 $0x1  }
0x443: {  	s31 =	simm.s32 $0x3C;
	[sflag:s30] =	ssyncpa.u1 $0x1  }
0x444: {  	s13 =	rddreg [dreg:$0x5];
	[sflag:s31] =	ssyncpa.u1 $0x1  }
0x445: {  	_ =	sfence.stream.spmem;
	s0 =	simm.s32 $0x5  }
0x446: {  	s1 =	simm.s32 $0x400;
	s2 =	simm.s32 $0x6098;
	[sflag:s0] =	ssyncpa.u1 $0x0  }
0x447: {  	[tilespmem:s2], [sflag:$0x5] =	stream.linear.gather [spmem:s1], $0x20, $0x38;
	[tilespmem:$0x1EC48] =	vst v63  }
0x448: {  	s26 =	simm.s32 $0x0;
	s28 =	simm.s32 $0x60B8  }
0x449: {  	[tilespmem:s28], [sflag:$0x5] =	stream.linear.gather [spmem:s26], $0x400, $0x38;
	[tilespmem:$0x1EC48] =	vst v63  }
0x44a: {  	_ =	swait.ge [sflag:s0], $0x420  }
0x44b: {  	[sflag:s0] =	ssyncset.done $0x0  }
0x44c: {  	s29 =	simm.s32 $0x0;
	[sflag:s0] =	ssyncadd.s32 $0xFFFFFBE0  }
0x44d: {  	v0 =	vld.msk [tilespmem:s29+$0x6098], $0x1;
	_ =	sdelay $0x1  }
0x44e: {  	s30 =	simm.s32 $0x1  }
0x44f: {  	v1 =	vld.msk [tilespmem:s30+$0x6098], $0x1;
	_ =	sdelay $0x1  }
0x450: {  	(v2sf) =	vpush v0, $0x0;
	_ =	sdelay $0x2  }
0x451: {  	(v2sf) =	vpush v1, $0x0;
	_ =	sdelay $0x2  }
0x452: {  	s31 =	simm.s32 $0x2  }
0x453: {  	v0 =	vld.msk [tilespmem:s31+$0x6098], $0x1;
	_ =	sdelay $0x2  }
0x454: {  	s1 =	simm.s32 $0xFFFFFFFF;
	s2 =	simm.s32 $0xFFFFFFFF;
	s0 =	simm.s32 $0xC  }
.LBB2_26:
0x455: {  	s3 =	smov.u32 s2;
	s5 =	smov.u32 s1  }
0x456: {  	s1 =	sshra.s32 s0, $0x2;
	p1 =	sne.s32 s0, $0x7C;
	s0 =	sadd.s32 $0x4, s0;
	(v2sf) =	vpush v0, $0x0  }
0x457: {  	v0 =	vld.msk [tilespmem:s1+$0x6098], $0x1  }
.Ltmp19:
0x458: {  	(pc) =	sbr.rel @p1 .LBB2_26-.Ltmp19, $4  }
0x459: {  	s2 =	spop (v2sf)  }
0x45a: {  	p2 =	sne.s32 s5, $0xFFFFFFFF;
	s1 =	smov.u32 s2  }
0x45b: {  	p3 =	seq.s32 s2, $0xFFFFFFFF;
	s1 =	smov.u32 @p2 s5  }
0x45c: {  	s2 =	smov.u32 @p3 s3;
	s1 =	smov.u32 @p3 s5  }
0x45d: {  	(v2sf) =	vpush v0, $0x0;
	_ =	sdelay $0x8  }
0x45e: {  	s0 =	spop (v2sf)  }
0x45f: {  	p1 =	sne.s32 s1, $0xFFFFFFFF;
	s3 =	smov.u32 s0  }
0x460: {  	s9 =	simm.s32 $0x6;
	p2 =	seq.s32 s0, $0xFFFFFFFF;
	s3 =	smov.u32 @p1 s1  }
0x461: {  	s10 =	simm.s32 $0x6068;
	s3 =	smov.u32 @p2 s1;
	s1 =	spop (v2sf)  }
0x462: {  	s0 =	smov.u32 @p2 s2;
	p1 =	sne.s32 s3, $0xFFFFFFFF;
	s5 =	smov.u32 s1  }
.Ltmp20:
0x463: {  	p2 =	seq.s32 s1, $0xFFFFFFFF;
	s5 =	smov.u32 @p1 s3;
	(pc) =	sbr.rel .LBB2_28-.Ltmp20, $4  }
0x464: {  	s11 =	simm.s32 $0x0;
	s5 =	smov.u32 @p2 s3;
	s7 =	spop (v2sf)  }
0x465: {  	[sflag:s9] =	ssyncpa.u1 $0x0;
	p1 =	sne.s32 s5, $0xFFFFFFFF;
	s8 =	smov.u32 s7  }
0x466: {  	s1 =	smov.u32 @p2 s0;
	p2 =	seq.s32 s7, $0xFFFFFFFF;
	s8 =	smov.u32 @p1 s5  }
0x467: {  	s3 =	simm.s32 $0x0;
	s7 =	smov.u32 @p2 s1;
	s8 =	smov.u32 @p2 s5  }
.LBB2_34:
0x468: {  	p1 =	sgt.u32 s0, $0xC67FC  }
0x469: {  	p2 =	seq.s32 @!p1 s0, s8  }
0x46a: {  	p1 =	por p1, p2  }
0x46b: {  	p2 =	sne.s32 @!p1 s0, s7  }
0x46c: {  	p1 =	por p1, !p2  }
0x46d: {  	s0 =	sshll.u32 @p1 s11, $0x7  }
0x46e: {  	s1 =	sand.u32 @!p1 $0xFFFF8, s0  }
0x46f: {  	s0 =	sand.u32 @!p1 $0x7, s0;
	s1 =	sadd.s32 @!p1 s4, s1  }
0x470: {  	[tilespmem:s10], [sflag:$0x6] =	stream.linear.gather @!p1 [hbm4b:s1+s0], $0x20, $0x38;
	[tilespmem:$0x1EC48] =	vst v63  }
0x471: {  	_ =	swait.ge @!p1 [sflag:s9], $0x20  }
0x472: {  	[sflag:s9] =	ssyncset.done @!p1 $0x0  }
0x473: {  	[sflag:s9] =	ssyncadd.s32 @!p1 $0xFFFFFFE0  }
0x474: {  	v1 =	vld @!p1 [tilespmem:$0x6068];
	_ =	sdelay $0x2  }
0x475: {  	s0 =	sshll.u32 @!p1 s11, $0x7  }
0x476: {  	s1 =	sshrl.u32 @!p1 s0, $0x2  }
0x477: {  	[tilespmem:s1+$0x60B8] =	vst.add.f32.msk @!p1 $0xffff, v1  }
0x478: {  	v1 =	vld @!p1 [tilespmem:$0x6078];
	_ =	sdelay $0x4  }
0x479: {  	[tilespmem:s1+$0x60C8] =	vst.add.f32.msk @!p1 $0xffff, v1  }
0x47a: {  	s0 =	sshrl.u32 s0, $0x2;
	[tilespmem:s3+$0x6098] =	vst.msk $0x1, v0  }
0x47b: {  	v0 =	vld [tilespmem:s0+$0x60B8];
	_ =	sdelay $0x2  }
0x47c: {  	s31 =	sshll.u32 s3, $0x7  }
0x47d: {  	s1 =	sshra.s32 s31, $0x2  }
0x47e: {  	[tilespmem:s1+$0x60B8] =	vst v0  }
0x47f: {  	v0 =	vld [tilespmem:s0+$0x60C8];
	_ =	sdelay $0x4  }
0x480: {  	s3 =	sadd.s32 $0x1, s3;
	[tilespmem:s1+$0x60C8] =	vst v0  }
.LBB2_35:
0x481: {  	s11 =	sadd.s32 $0x1, s11  }
0x482: {  	p1 =	sne.s32 s11, $0x20  }
.Ltmp21:
0x483: {  	_ = 	snop;
	(pc) =	sbr.rel @!p1 .LBB2_36-.Ltmp21, $1  }
0x484: {  	_ =	sdelay $0x3  }
.LBB2_28:
0x485: {  	v0 =	vld.msk [tilespmem:s11+$0x6098], $0x1;
	_ =	sdelay $0x4  }
0x486: {  	(v2sf) =	vpush v0, $0x0;
	_ =	sdelay $0xe  }
0x487: {  	s0 =	spop (v2sf)  }
0x488: {  	p1 =	seq.s32 s0, $0xFFFFFFFF  }
.Ltmp22:
0x489: {  	_ = 	snop;
	(pc) =	sbr.rel @p1 .LBB2_35-.Ltmp22, $1  }
0x48a: {  	_ =	sdelay $0x3  }
0x48b: {  	p1 =	slt.s32 s3, $0x1  }
.Ltmp23:
0x48c: {  	_ = 	snop;
	(pc) =	sbr.rel @p1 .LBB2_34-.Ltmp23, $1  }
0x48d: {  	_ =	sdelay $0x3  }
0x48e: {  	s1 =	simm.s32 $0x6098;
	p1 =	por $0x0, $0x0  }
0x48f: {  	v1 =	vld.msk @!p1 [tilespmem:s1+$0x0], $0x1;
	_ =	sdelay $0x4  }
0x490: {  	(v2sf) =	vpush @!p1 v1, $0x0;
	_ =	sdelay $0xd  }
0x491: {  	p3 =	sne.s32 s3, $0x1  }
.Ltmp24:
0x492: {  	s2 =	spop @!p1 (v2sf);
	(pc) =	sbr.rel @!p3 .LBB2_32-.Ltmp24, $4  }
0x493: {  	p2 =	seq.s32 @!p1 s0, s2  }
0x494: {  	s2 =	simm.s32 $0x0;
	p2 =	por !p2, p1  }
0x495: {  	s6 =	simm.s32 $0xFFFFFFFF;
	s2 =	simm.s32 @p2 $0xFFFFFFFF  }
0x496: {  	s5 =	simm.s32 $0x1;
	s2 =	smov.u32 @p1 s6  }
.LBB2_31:
0x497: {  	s6 =	smov.u32 s2;
	p1 =	sne.s32 s2, $0xFFFFFFFF  }
0x498: {  	s1 =	sadd.s32 $0x1, s1;
	s2 =	smov.u32 s5;
	s5 =	sadd.s32 $0x1, s5  }
0x499: {  	p2 =	sne.s32 s3, s5;
	v1 =	vld.msk @!p1 [tilespmem:s1+$0x0], $0x1;
	_ =	sdelay $0x4  }
0x49a: {  	(v2sf) =	vpush @!p1 v1, $0x0;
	_ =	sdelay $0xe  }
.Ltmp25:
0x49b: {  	s12 =	spop @!p1 (v2sf);
	(pc) =	sbr.rel @p2 .LBB2_31-.Ltmp25, $4  }
0x49c: {  	p3 =	seq.s32 @!p1 s0, s12  }
0x49d: {  	p3 =	por !p3, p1  }
0x49e: {  	s2 =	simm.s32 @p3 $0xFFFFFFFF  }
0x49f: {  	s2 =	smov.u32 @p1 s6  }
.LBB2_32:
0x4a0: {  	p1 =	seq.s32 s2, $0xFFFFFFFF  }
.Ltmp26:
0x4a1: {  	_ = 	snop;
	(pc) =	sbr.rel @p1 .LBB2_34-.Ltmp26, $1  }
0x4a2: {  	_ =	sdelay $0x3  }
0x4a3: {  	s0 =	sshll.u32 s11, $0x5  }
0x4a4: {  	s0 =	sand.u32 $0x3FFFFFE0, s0  }
0x4a5: {  	v0 =	vld [tilespmem:s0+$0x60B8];
	_ =	sdelay $0x2  }
0x4a6: {  	s1 =	sshll.u32 s2, $0x7  }
0x4a7: {  	s1 =	sshra.s32 s1, $0x2  }
0x4a8: {  	[tilespmem:s1+$0x60B8] =	vst.add.f32.msk $0xffff, v0  }
0x4a9: {  	v0 =	vld [tilespmem:s0+$0x60C8]  }
.Ltmp27:
0x4aa: {  	_ = 	snop;
	(pc) =	sbr.rel .LBB2_35-.Ltmp27, $2  }
0x4ab: {  	_ =	sdelay $0x2  }
0x4ac: {  	[tilespmem:s1+$0x60C8] =	vst.add.f32.msk $0xffff, v0  }
.LBB2_36:
0x4ad: {  	s0 =	simm.s32 $0x6;
	p1 =	seq.s32 s3, $0x0  }
0x4ae: {  	[sflag:s0] =	ssyncpa.u1 $0x1;
	v0 =	vimm.s32 @p1 $0xFFFFFFFF  }
0x4af: {  	s0 =	sadd.s32 $0xFFFFFFFF, s3;
	[tilespmem:$0x64B8] =	vst @p1 v0  }
0x4b0: {  	v0 =	vld.msk @!p1 [tilespmem:s0+$0x6098], $0x1;
	_ =	sdelay $0x1  }
0x4b1: {  	v1 =	vld.msk @!p1 [tilespmem:$0x6098], $0x1;
	_ =	sdelay $0x2  }
0x4b2: {  	p2 =	seq.s32 @!p1 s0, $0x0;
	v0 =	vbroadcast @!p1 v0, $0x0  }
0x4b3: {  	vm0 =	vmmov @!p1 $0x1;
	p2 =	por !p2, p1  }
0x4b4: {  	v1 =	vnsel @!p1 vm0, $0xFFFFFFFF, v1;
	vm0 =	vcmask @!p1 $0x308;
	v0 =	vpsel !p2, $0xFFFFFFFF, v0  }
0x4b5: {  	p2 =	sne.s32 @!p1 s8, s7;
	v0 =	vsel @!p1 vm0, v1, v0  }
0x4b6: {  	s1 =	simm.s32 @!p1 $0x60B8;
	s2 =	simm.s32 @!p1 $0x0;
	p3 =	por !p2, p1;
	[tilespmem:$0x64B8] =	vst @!p1 v0  }
0x4b7: {  	[spmem:s2] =	stream.linear.scatter @!p1 [tilespmem:s1], [sflag:$0x1], $0x20, $0x38;
	[tilespmem:$0x1EC48] =	vst v63  }
0x4b8: {  	s1 =	sshll.u32 @!p3 s0, $0x7  }
0x4b9: {  	s1 =	sshra.s32 @!p3 s1, $0x2  }
0x4ba: {  	s2 =	simm.s32 @!p3 $0x20;
	s1 =	sadd.s32 @!p3 $0x60B8, s1  }
0x4bb: {  	[spmem:s2] =	stream.linear.scatter @!p3 [tilespmem:s1], [sflag:$0x1], $0x20, $0x38;
	[tilespmem:$0x1EC48] =	vst v63  }
0x4bc: {  	s1 =	simm.s32 @!p3 $0x1  }
0x4bd: {  	_ =	swait.ge @!p3 [sflag:s1], $0x40  }
0x4be: {  	p1 =	por p2, p1;
	[sflag:s1] =	ssyncset.done @!p3 $0x0  }
0x4bf: {  	[sflag:s1] =	ssyncadd.s32 @!p3 $0xFFFFFFC0;
	s1 =	simm.s32 @!p1 $0x1  }
0x4c0: {  	_ =	swait.ge @!p1 [sflag:s1], $0x20  }
0x4c1: {  	s29 =	simm.s32 $0x64B8;
	[sflag:s1] =	ssyncset.done @!p1 $0x0  }
0x4c2: {  	s30 =	simm.s32 $0x400;
	s31 =	simm.s32 $0x1;
	[sflag:s1] =	ssyncadd.s32 @!p1 $0xFFFFFFE0  }
0x4c3: {  	[spmem:s30] =	stream.linear.scatter [tilespmem:s29], [sflag:$0x1], $0x10, $0x38;
	[tilespmem:$0x1EC48] =	vst v63  }
0x4c4: {  	_ =	swait.ge [sflag:s31], $0x10  }
0x4c5: {  	[sflag:s31] =	ssyncset.done $0x0  }
0x4c6: {  	p1 =	seq.s32 s13, $0x0;
	s9 =	rddreg [dreg:$0x2];
	[sflag:s31] =	ssyncadd.s32 $0xFFFFFFF0  }
0x4c7: {  	s2 =	sshll.u32 @p1 s9, $0xE;
	s8 =	rddreg [dreg:$0x3]  }
0x4c8: {  	s1 =	sadd.s32 @p1 $0x15C3C, s2;
	s2 =	sshll.u32 @p1 s8, $0x11  }
0x4c9: {  	_ =	sfence.stream.spmem;
	s1 =	sor.u32 @p1 s2, s1  }
0x4ca: {  	[sflag:s1] =	ssyncadd.remote.s32 @p1 $0x1;
	s1 =	simm.s32 @p1 $0x4  }
0x4cb: {  	s5 =	simm.s32 @!p1 $0x3C;
	s2 =	sand.u32 $0xFFFFFFFE, s9;
	_ =	swait.ge @p1 [sflag:s1], $0xA  }
0x4cc: {  	s6 =	simm.s32 @!p1 $0x0;
	s2 =	sadd.s32 @!p1 $0x4, s2;
	[sflag:s1] =	ssyncset.done @p1 $0x0  }
0x4cd: {  	s7 =	simm.s32 @!p1 $0x40;
	[sflag:s1] =	ssyncadd.s32 @p1 $0xFFFFFFF6;
	s1 =	sshll.u32 @!p1 s2, $0x1A  }
0x4ce: {  	s2 =	sshll.u32 @!p1 s2, $0xD;
	s1 =	sor.u32 @!p1 s1, s8;
	_ =	swait.eq @!p1 [sflag:s5], $0x1  }
0x4cf: {  	s2 =	sor.u32 @!p1 $0x1C04, s2;
	s5 =	simm.s32 @!p1 $0x1C03;
	s1 =	sor.u32 @!p1 $0x80004000, s1  }
0x4d0: {  	[spmem:s7], [sflag:s2] =	dma.general @!p1 [spmem:s6], [sflag:s5], length:$0x8, [dreg:$0x0], stride_count:$0x0, ici_dest:s1, dma_misc:DstOpCode:WRITE  }
0x4d1: {  	p2 =	slt.s32 s0, $0x2;
	s6 =	simm.s32 @!p1 $0x80;
	s7 =	simm.s32 @!p1 $0x82  }
0x4d2: {  	[spmem:s7], [sflag:s2] =	dma.general @!p1 [spmem:s6], [sflag:s5], length:$0x2, [dreg:$0x0], stride_count:$0x0, ici_dest:s1, dma_misc:DstOpCode:WRITE  }
.Ltmp28:
0x4d3: {  	s1 =	simm.s32 @!p1 $0x3;
	(pc) =	sbr.rel @p2 .LBB2_40-.Ltmp28, $4  }
0x4d4: {  	s2 =	sshll.u32 @!p1 s9, $0xE;
	_ =	swait.ge @!p1 [sflag:s1], $0xA  }
0x4d5: {  	s5 =	sshll.u32 @!p1 s8, $0x11;
	s2 =	sadd.s32 @!p1 $0x11C3C, s2;
	[sflag:s1] =	ssyncset.done @!p1 $0x0  }
0x4d6: {  	[sflag:s1] =	ssyncadd.s32 @!p1 $0xFFFFFFF6;
	s1 =	sor.u32 @!p1 s5, s2  }
0x4d7: {  	s0 =	simm.s32 $0x0;
	[sflag:s1] =	ssyncadd.remote.s32 @!p1 $0xFFFFFFFF  }
0x4d8: {  	s0 =	simm.s32 $0x6099  }
0x4d9: {  	v0 =	vld.msk [tilespmem:s0+$0x0], $0x1;
	_ =	sdelay $0x4  }
0x4da: {  	(v2sf) =	vpush v0, $0x0;
	_ =	sdelay $0xc  }
0x4db: {  	s1 =	sadd.s32 $0xFFFFFFFE, s3  }
0x4dc: {  	s1 =	sadd.s32 $0xFFFFFFFF, s1  }
0x4dd: {  	p2 =	sne.s32 s1, $0x0;
	s2 =	spop (v2sf)  }
.Ltmp29:
0x4de: {  	p1 =	sgt.u32 s2, $0xC67FC;
	(pc) =	sbr.rel @!p2 .LBB2_39-.Ltmp29, $4  }
0x4df: {  	s5 =	simm.s32 $0x0;
	s3 =	sand.u32 @!p1 $0xFFFF8, s2  }
0x4e0: {  	s0 =	simm.s32 $0x60D8;
	s2 =	sand.u32 @!p1 $0x7, s2;
	s3 =	sadd.s32 @!p1 s4, s3  }
0x4e1: {  	[hbm4b:s3+s2] =	stream.linear.scatter @!p1 [tilespmem:s0], [sflag:$0x5], $0x20, $0x38;
	[tilespmem:$0x1EC48] =	vst v63  }
0x4e2: {  	s5 =	simm.s32 @!p1 $0x80;
	s2 =	simm.s32 $0x0;
	s3 =	simm.s32 $0x609A  }
.LBB2_38:
0x4e3: {  	v0 =	vld.msk [tilespmem:s3+$0x0], $0x1;
	s1 =	sadd.s32 $0xFFFFFFFF, s1;
	s2 =	sadd.s32 s2, s5  }
0x4e4: {  	p1 =	sne.s32 s1, $0x0;
	_ =	sdelay $0x3  }
0x4e5: {  	(v2sf) =	vpush v0, $0x0;
	_ =	sdelay $0xe  }
.Ltmp30:
0x4e6: {  	s6 =	spop (v2sf);
	(pc) =	sbr.rel @p1 .LBB2_38-.Ltmp30, $4  }
0x4e7: {  	s5 =	simm.s32 $0x0;
	p2 =	sgt.u32 s6, $0xC67FC  }
0x4e8: {  	s0 =	sadd.s32 $0x20, s0;
	s5 =	simm.s32 @!p2 $0x80;
	s7 =	sand.u32 @!p2 $0xFFFF8, s6  }
0x4e9: {  	s3 =	sadd.s32 $0x1, s3;
	s6 =	sand.u32 @!p2 $0x7, s6;
	s7 =	sadd.s32 @!p2 s4, s7  }
0x4ea: {  	[hbm4b:s7+s6] =	stream.linear.scatter @!p2 [tilespmem:s0], [sflag:$0x5], $0x20, $0x38;
	[tilespmem:$0x1EC48] =	vst v63  }
.LBB2_39:
0x4eb: {  	s0 =	sadd.s32 s2, s5  }
0x4ec: {  	s0 =	sshrl.u32 s0, $0x2  }
.LBB2_40:
0x4ed: {  	s1 =	simm.s32 $0x5  }
0x4ee: {  	_ =	swait.ge [sflag:s1], s0  }
0x4ef: {  	s31 =	ssub.s32 $0x0, s0;
	[sflag:s1] =	ssyncset.done $0x0  }
0x4f0: {  	[sflag:s1] =	ssyncadd.s32 s31  }
0x4f1: {  	[sflag:s1] =	ssyncpa.u1 $0x1  }
.LBB2_41:
0x4f2: {  	s0 =	sor.u32 s13, s14  }
0x4f3: {  	p1 =	sne.s32 s0, $0x0  }
.Ltmp31:
0x4f4: {  	_ = 	snop;
	(pc) =	sbr.rel @p1 .LBB2_56-.Ltmp31, $3  }
0x4f5: {  	_ =	sdelay $0x1  }
0x4f6: {  	[bflag:$0x0] =	sbarrier.arrive $0xFFFF  }
0x4f7: {  	_ =	sfence  }
0x4f8: {  	s0 =	simm.s32 $0x7  }
0x4f9: {  	s1 =	simm.s32 $0x400;
	s2 =	simm.s32 $0x6098;
	[sflag:s0] =	ssyncpa.u1 $0x0  }
0x4fa: {  	[tilespmem:s2], [sflag:$0x7] =	stream.linear.gather [spmem:s1], $0x20, $0x38;
	[tilespmem:$0x1EC48] =	vst v63  }
0x4fb: {  	s30 =	simm.s32 $0x60B8;
	s1 =	simm.s32 $0x0  }
0x4fc: {  	[tilespmem:s30], [sflag:$0x7] =	stream.linear.gather [spmem:s1], $0x400, $0x38;
	[tilespmem:$0x1EC48] =	vst v63  }
.Ltmp32:
0x4fd: {  	_ = 	snop;
	(pc) =	sbr.rel .LBB2_43-.Ltmp32, $4  }
0x4fe: {  	_ =	swait.ge [sflag:s0], $0x420  }
0x4ff: {  	[sflag:s0] =	ssyncset.done $0x0  }
0x500: {  	s31 =	simm.s32 $0x8;
	[sflag:s0] =	ssyncadd.s32 $0xFFFFFBE0  }
0x501: {  	s2 =	simm.s32 $0x0;
	[sflag:s31] =	ssyncpa.u1 $0x0  }
.LBB2_49:
0x502: {  	p1 =	slt.u32 s0, $0xC67FD  }
0x503: {  	s3 =	sand.u32 @p1 $0xFFFF8, s0  }
0x504: {  	s0 =	sand.u32 @p1 $0x7, s0;
	s5 =	simm.s32 @p1 $0x6068;
	s3 =	sadd.s32 @p1 s4, s3  }
0x505: {  	[tilespmem:s5], [sflag:$0x8] =	stream.linear.gather @p1 [hbm4b:s3+s0], $0x20, $0x38;
	[tilespmem:$0x1EC48] =	vst v63  }
0x506: {  	s0 =	simm.s32 @p1 $0x8  }
0x507: {  	_ =	swait.ge @p1 [sflag:s0], $0x20  }
0x508: {  	[sflag:s0] =	ssyncset.done @p1 $0x0  }
0x509: {  	[sflag:s0] =	ssyncadd.s32 @p1 $0xFFFFFFE0  }
0x50a: {  	v1 =	vld @p1 [tilespmem:$0x6068];
	_ =	sdelay $0x2  }
0x50b: {  	s0 =	sshll.u32 @p1 s2, $0x7  }
0x50c: {  	s3 =	sshrl.u32 @p1 s0, $0x2  }
0x50d: {  	[tilespmem:s3+$0x60B8] =	vst.add.f32.msk @p1 $0xffff, v1  }
0x50e: {  	v1 =	vld @p1 [tilespmem:$0x6078];
	_ =	sdelay $0x3  }
0x50f: {  	s5 =	sshll.u32 @!p1 s2, $0x7  }
0x510: {  	s5 =	smov.u32 @p1 s0;
	[tilespmem:s3+$0x60C8] =	vst.add.f32.msk @p1 $0xffff, v1  }
0x511: {  	s0 =	sshrl.u32 s5, $0x2;
	[tilespmem:s1+$0x6098] =	vst.msk $0x1, v0  }
0x512: {  	v0 =	vld [tilespmem:s0+$0x60B8];
	_ =	sdelay $0x2  }
0x513: {  	s31 =	sshll.u32 s1, $0x7  }
0x514: {  	s3 =	sshra.s32 s31, $0x2  }
0x515: {  	[tilespmem:s3+$0x60B8] =	vst v0  }
0x516: {  	v0 =	vld [tilespmem:s0+$0x60C8];
	_ =	sdelay $0x4  }
0x517: {  	s1 =	sadd.s32 $0x1, s1;
	[tilespmem:s3+$0x60C8] =	vst v0  }
.LBB2_50:
0x518: {  	s2 =	sadd.s32 $0x1, s2  }
0x519: {  	p1 =	sne.s32 s2, $0x20  }
.Ltmp33:
0x51a: {  	_ = 	snop;
	(pc) =	sbr.rel @!p1 .LBB2_51-.Ltmp33, $1  }
0x51b: {  	_ =	sdelay $0x3  }
.LBB2_43:
0x51c: {  	v0 =	vld.msk [tilespmem:s2+$0x6098], $0x1;
	_ =	sdelay $0x4  }
0x51d: {  	(v2sf) =	vpush v0, $0x0;
	_ =	sdelay $0xe  }
0x51e: {  	s0 =	spop (v2sf)  }
0x51f: {  	p1 =	seq.s32 s0, $0xFFFFFFFF  }
.Ltmp34:
0x520: {  	_ = 	snop;
	(pc) =	sbr.rel @p1 .LBB2_50-.Ltmp34, $1  }
0x521: {  	_ =	sdelay $0x3  }
0x522: {  	p1 =	slt.s32 s1, $0x1  }
.Ltmp35:
0x523: {  	_ = 	snop;
	(pc) =	sbr.rel @p1 .LBB2_49-.Ltmp35, $1  }
0x524: {  	_ =	sdelay $0x3  }
0x525: {  	s3 =	simm.s32 $0x6098;
	p1 =	por $0x0, $0x0  }
0x526: {  	v1 =	vld.msk @!p1 [tilespmem:s3+$0x0], $0x1;
	_ =	sdelay $0x4  }
0x527: {  	(v2sf) =	vpush @!p1 v1, $0x0;
	_ =	sdelay $0xd  }
0x528: {  	p3 =	sne.s32 s1, $0x1  }
.Ltmp36:
0x529: {  	s5 =	spop @!p1 (v2sf);
	(pc) =	sbr.rel @!p3 .LBB2_47-.Ltmp36, $4  }
0x52a: {  	p2 =	seq.s32 @!p1 s0, s5  }
0x52b: {  	s5 =	simm.s32 $0x0;
	p2 =	por !p2, p1  }
0x52c: {  	s7 =	simm.s32 $0xFFFFFFFF;
	s5 =	simm.s32 @p2 $0xFFFFFFFF  }
0x52d: {  	s6 =	simm.s32 $0x1;
	s5 =	smov.u32 @p1 s7  }
.LBB2_46:
0x52e: {  	s7 =	smov.u32 s5;
	p1 =	sne.s32 s5, $0xFFFFFFFF  }
0x52f: {  	s3 =	sadd.s32 $0x1, s3;
	s5 =	smov.u32 s6;
	s6 =	sadd.s32 $0x1, s6  }
0x530: {  	p2 =	sne.s32 s1, s6;
	v1 =	vld.msk @!p1 [tilespmem:s3+$0x0], $0x1;
	_ =	sdelay $0x4  }
0x531: {  	(v2sf) =	vpush @!p1 v1, $0x0;
	_ =	sdelay $0xe  }
.Ltmp37:
0x532: {  	s8 =	spop @!p1 (v2sf);
	(pc) =	sbr.rel @p2 .LBB2_46-.Ltmp37, $4  }
0x533: {  	p3 =	seq.s32 @!p1 s0, s8  }
0x534: {  	p3 =	por !p3, p1  }
0x535: {  	s5 =	simm.s32 @p3 $0xFFFFFFFF  }
0x536: {  	s5 =	smov.u32 @p1 s7  }
.LBB2_47:
0x537: {  	p1 =	seq.s32 s5, $0xFFFFFFFF  }
.Ltmp38:
0x538: {  	_ = 	snop;
	(pc) =	sbr.rel @p1 .LBB2_49-.Ltmp38, $1  }
0x539: {  	_ =	sdelay $0x3  }
0x53a: {  	s0 =	sshll.u32 s2, $0x5  }
0x53b: {  	s0 =	sand.u32 $0x3FFFFFE0, s0  }
0x53c: {  	v0 =	vld [tilespmem:s0+$0x60B8];
	_ =	sdelay $0x2  }
0x53d: {  	s3 =	sshll.u32 s5, $0x7  }
0x53e: {  	s3 =	sshra.s32 s3, $0x2  }
0x53f: {  	[tilespmem:s3+$0x60B8] =	vst.add.f32.msk $0xffff, v0  }
0x540: {  	v0 =	vld [tilespmem:s0+$0x60C8]  }
.Ltmp39:
0x541: {  	_ = 	snop;
	(pc) =	sbr.rel .LBB2_50-.Ltmp39, $2  }
0x542: {  	_ =	sdelay $0x2  }
0x543: {  	[tilespmem:s3+$0x60C8] =	vst.add.f32.msk $0xffff, v0  }
.LBB2_51:
0x544: {  	p1 =	slt.s32 s1, $0x1  }
.Ltmp40:
0x545: {  	_ = 	snop;
	(pc) =	sbr.rel @p1 .LBB2_55-.Ltmp40, $3  }
0x546: {  	_ =	sdelay $0x1  }
0x547: {  	s0 =	simm.s32 $0x8  }
0x548: {  	[sflag:s0] =	ssyncpa.u1 $0x1;
	s0 =	simm.s32 $0x0  }
0x549: {  	s2 =	simm.s32 $0x6098  }
0x54a: {  	v0 =	vld.msk [tilespmem:s2+$0x0], $0x1;
	_ =	sdelay $0x4  }
0x54b: {  	(v2sf) =	vpush v0, $0x0;
	_ =	sdelay $0xe  }
0x54c: {  	s1 =	sadd.s32 $0xFFFFFFFF, s1;
	s3 =	spop (v2sf)  }
0x54d: {  	p2 =	sne.s32 s1, $0x0;
	p1 =	sgt.u32 s3, $0xC67FC  }
.Ltmp41:
0x54e: {  	s5 =	sand.u32 @!p1 $0xFFFF8, s3;
	(pc) =	sbr.rel @!p2 .LBB2_54-.Ltmp41, $4  }
0x54f: {  	s2 =	simm.s32 $0x60B8;
	s3 =	sand.u32 @!p1 $0x7, s3;
	s5 =	sadd.s32 @!p1 s4, s5  }
0x550: {  	[hbm4b:s5+s3] =	stream.linear.scatter @!p1 [tilespmem:s2], [sflag:$0x7], $0x20, $0x38;
	[tilespmem:$0x1EC48] =	vst v63  }
0x551: {  	s5 =	simm.s32 $0x0  }
0x552: {  	s3 =	simm.s32 $0x6099;
	s5 =	simm.s32 @!p1 $0x80  }
.LBB2_53:
0x553: {  	v0 =	vld.msk [tilespmem:s3+$0x0], $0x1;
	s1 =	sadd.s32 $0xFFFFFFFF, s1;
	s0 =	sadd.s32 s0, s5  }
0x554: {  	p1 =	sne.s32 s1, $0x0;
	_ =	sdelay $0x3  }
0x555: {  	(v2sf) =	vpush v0, $0x0;
	_ =	sdelay $0xe  }
.Ltmp42:
0x556: {  	s6 =	spop (v2sf);
	(pc) =	sbr.rel @p1 .LBB2_53-.Ltmp42, $4  }
0x557: {  	s5 =	simm.s32 $0x0;
	p2 =	sgt.u32 s6, $0xC67FC  }
0x558: {  	s2 =	sadd.s32 $0x20, s2;
	s5 =	simm.s32 @!p2 $0x80;
	s7 =	sand.u32 @!p2 $0xFFFF8, s6  }
0x559: {  	s3 =	sadd.s32 $0x1, s3;
	s6 =	sand.u32 @!p2 $0x7, s6;
	s7 =	sadd.s32 @!p2 s4, s7  }
0x55a: {  	[hbm4b:s7+s6] =	stream.linear.scatter @!p2 [tilespmem:s2], [sflag:$0x7], $0x20, $0x38;
	[tilespmem:$0x1EC48] =	vst v63  }
.LBB2_54:
0x55b: {  	s0 =	sadd.s32 s0, s5  }
0x55c: {  	s0 =	sshrl.u32 s0, $0x2  }
.LBB2_55:
0x55d: {  	s1 =	simm.s32 $0x7  }
0x55e: {  	_ =	swait.ge [sflag:s1], s0  }
0x55f: {  	s31 =	ssub.s32 $0x0, s0;
	[sflag:s1] =	ssyncset.done $0x0  }
0x560: {  	[sflag:s1] =	ssyncadd.s32 s31  }
0x561: {  	[sflag:s1] =	ssyncpa.u1 $0x1  }
.LBB2_56:
0x562: {  	_ =	sfence;
	s0 =	simm.s32 $0x1  }
0x563: {  	[sflag:s0] =	ssyncpa.u1 $0x1  }
0x564: {  	_ =	strace $0x9000004A  }
0x565: {  	[bflag:$0x2] =	sbarrier.arrive $0xFFFF  }
0x566: {  	s0 =	rddreg [dreg:$0x4]  }
0x567: {  	s0 =	sadd.s32 @!p0 $0x100000, s0  }
0x568: {  	[sflag:s0] =	ssyncadd.tile.s32 @!p0 $0x1;
	_ =	shalt  }
.Lfunc_end2:
_tile_overlayer_lowered:
.L_overlay_start_2:
0x569: {  	(tag) =	ssettag $0x2  }
0x56a: {  	s0 =	rddreg [dreg:$0x0];
	s2 =	stileid.u32  }
0x56b: {  	s1 =	rddreg [dreg:$0x1];
	p0 =	sne.s32 s2, $0x0  }
0x56c: {  	s3 =	rddreg [dreg:$0x2];
	[bflag:$0x3] =	sbarrier.arrive $0xFFFF;
	s2 =	simm.s32 @!p0 $0x1C01  }
0x56d: {  	[timem:s3], [sflag:s2] =	dma.local @!p0 [hbm:s0], s1  }
0x56e: {  	s0 =	simm.s32 @!p0 $0x1  }
0x56f: {  	_ =	swait.ge @!p0 [sflag:s0], s1  }
0x570: {  	s1 =	ssub.s32 @!p0 $0x0, s1;
	[sflag:s0] =	ssyncset.done @!p0 $0x0  }
0x571: {  	[sflag:s0] =	ssyncadd.s32 @!p0 s1  }
0x572: {  	[bflag:$0x3] =	sbarrier.arrive $0xFFFF  }
0x573: {  	_ =	shalt  }

// kernel: scatter_offload_async_start
scs
__scs_entry_jumppad:
0x0: {  	(pc) =	sbr.rel $0x88, $3  }
0x1: {  	(tag) =	ssettag $0x0;
	lr =	simm.s32 $0x1  }
0x2: {  	[smem:$0x3F8F] =	sst lr;
	_ =	strace $0xD0000000  }
0x3: {  	_ = 	snop  }
0x4: {  	_ = 	snop  }
0x5: {  	_ = 	snop  }
0x6: {  	_ = 	snop  }
0x7: {  	_ = 	snop  }
__scs_overlays_trampoline_lowered:
0x8: {  	[smem:$0x3F9E] =	sst s0  }
0x9: {  	[smem:$0x3F9F] =	sst s1  }
0xa: {  	[smem:$0x3FA0] =	sst s2  }
0xb: {  	[smem:$0x3FA1] =	sst s3  }
0xc: {  	[smem:$0x3FA2] =	sst s4  }
0xd: {  	[smem:$0x3FA3] =	sst s5  }
0xe: {  	[smem:$0x3FA4] =	sst s6  }
0xf: {  	[smem:$0x3FA5] =	sst s7  }
0x10: {  	[smem:$0x3FA6] =	sst s8  }
0x11: {  	[smem:$0x3FA7] =	sst s9;
	s0 =	simm.s32 @!p0 $0x0  }
0x12: {  	s1 =	sld [smem:$0x3F8D];
	s0 =	simm.s32 @p0 $0x1  }
0x13: {  	[smem:$0x3FA8] =	sst s0;
	s0 =	simm.s32 @!p1 $0x0  }
0x14: {  	s2 =	sld [smem:$0x3F8C];
	s0 =	simm.s32 @p1 $0x1  }
0x15: {  	[smem:$0x3FA9] =	sst s0;
	s0 =	simm.s32 @!p2 $0x0  }
0x16: {  	s3 =	sld [smem:$0x3FDB];
	s0 =	simm.s32 @p2 $0x1  }
0x17: {  	s4 =	simm.s32 $0x1BF5;
	[smem:$0x3FAB] =	sst s0  }
0x18: {  	s0 =	sld [smem:$0x3F8E];
	_ =	swait.ge [sflag:s4], $0x0  }
0x19: {  	s7 =	sld [smem:$0x3F8F]  }
0x1a: {  	s8 =	sadd.s32 $0xFFFFE003, lr  }
0x1b: {  	s9 =	sadd.s32 $0xFFFFFEF7, lr;
	s5 =	simm.s32 $0xFFFFFFFF;
	p2 =	slt.u32 s8, $0xFFFFF086  }
0x1c: {  	p1 =	slt.u32 s9, $0xF7A;
	s5 =	simm.s32 @!p2 $0x0  }
0x1d: {  	s5 =	simm.s32 @p1 $0x1;
	p0 =	seq.s32 s7, s2  }
0x1e: {  	s7 =	smul.u32 @!p0 $0xF7A, s2;
	p2 =	seq.s32 @!p0 s5, $0x0  }
0x1f: {  	s9 =	smul.u32 $0xF7A, s1;
	s8 =	simm.s32 @!p0 $0x1BF5;
	p2 =	por !p2, p0  }
0x20: {  	[sflag:s8] =	ssyncset.s32 @!p0 $0xFFFFF086;
	s6 =	sadd.s32 @!p0 s3, s7;
	s7 =	simm.s32 @!p0 $0x108  }
0x21: {  	s3 =	sadd.s32 s3, s9;
	s6 =	sadd.s32 @!p0 $0x88, s6;
	s7 =	simm.s32 @p2 $0x1082  }
0x22: {  	[simem:s7], [sflag:s8] =	dma.local @!p0 [hbm:s6], $0xF7A  }
0x23: {  	s9 =	sor.u32 $0xD0000000, s2;
	s6 =	simm.s32 $0x108;
	_ =	swait.ge @!p0 [sflag:s8], $0x0  }
0x24: {  	s3 =	sadd.s32 $0x88, s3;
	s6 =	simm.s32 @!p1 $0x1082;
	[sflag:s4] =	ssyncset.s32 $0xFFFFF086  }
0x25: {  	[simem:s6], [sflag:s4] =	dma.local [hbm:s3], $0xF7A  }
0x26: {  	[smem:$0x3F8F] =	sst s1;
	(tag) =	ssettag s2;
	_ =	strace s9  }
0x27: {  	s1 =	sld [smem:$0x3F9F]  }
0x28: {  	s2 =	sld [smem:$0x3FA0]  }
0x29: {  	s4 =	sld [smem:$0x3FA2]  }
0x2a: {  	p0 =	seq.s32 s5, $0x0;
	s5 =	sld [smem:$0x3FA3]  }
0x2b: {  	s6 =	sld [smem:$0x3FA4]  }
0x2c: {  	s7 =	sld [smem:$0x3FA5]  }
0x2d: {  	s3 =	simm.s32 $0x108;
	s8 =	sld [smem:$0x3FA6]  }
0x2e: {  	s3 =	simm.s32 @!p0 $0x1082;
	s9 =	sld [smem:$0x3FA7]  }
0x2f: {  	lr =	sadd.s32 s0, s3;
	s0 =	sld [smem:$0x3F9E]  }
0x30: {  	s3 =	sld [smem:$0x3FA1]  }
0x31: {  	[smem:$0x3FAA] =	sst s10  }
0x32: {  	s10 =	sld [smem:$0x3FA8];
	_ =	sdelay $0x3  }
0x33: {  	p0 =	seq.s32 s10, $0x1;
	s10 =	sld [smem:$0x3FAA];
	_ =	sdelay $0x3  }
0x34: {  	[smem:$0x3FAA] =	sst s10  }
0x35: {  	s10 =	sld [smem:$0x3FA9];
	_ =	sdelay $0x3  }
0x36: {  	p1 =	seq.s32 s10, $0x1;
	s10 =	sld [smem:$0x3FAA];
	_ =	sdelay $0x3  }
0x37: {  	[smem:$0x3FAA] =	sst s10  }
0x38: {  	s10 =	sld [smem:$0x3FAB]  }
0x39: {  	_ = 	snop;
	(pc) =	sbr.ind lr, $3  }
0x3a: {  	_ = 	snop  }
0x3b: {  	_ = 	snop  }
0x3c: {  	p2 =	seq.s32 s10, $0x1;
	s10 =	sld [smem:$0x3FAA]  }
0x3d: {  	_ =	shalt  }
0x3e: {  	_ =	shalt  }
0x3f: {  	_ =	shalt  }
0x40: {  	_ =	shalt  }
0x41: {  	_ =	shalt  }
0x42: {  	_ =	shalt  }
0x43: {  	_ =	shalt  }
0x44: {  	_ =	shalt  }
0x45: {  	_ =	shalt  }
0x46: {  	_ =	shalt  }
0x47: {  	_ =	shalt  }
0x48: {  	_ =	shalt  }
0x49: {  	_ =	shalt  }
0x4a: {  	_ =	shalt  }
0x4b: {  	_ =	shalt  }
0x4c: {  	_ =	shalt  }
0x4d: {  	_ =	shalt  }
0x4e: {  	_ =	shalt  }
0x4f: {  	_ =	shalt  }
0x50: {  	_ =	shalt  }
0x51: {  	_ =	shalt  }
0x52: {  	_ =	shalt  }
0x53: {  	_ =	shalt  }
0x54: {  	_ =	shalt  }
0x55: {  	_ =	shalt  }
0x56: {  	_ =	shalt  }
0x57: {  	_ =	shalt  }
0x58: {  	_ =	shalt  }
0x59: {  	_ =	shalt  }
0x5a: {  	_ =	shalt  }
0x5b: {  	_ =	shalt  }
0x5c: {  	_ =	shalt  }
0x5d: {  	_ =	shalt  }
0x5e: {  	_ =	shalt  }
0x5f: {  	_ =	shalt  }
0x60: {  	_ =	shalt  }
0x61: {  	_ =	shalt  }
0x62: {  	_ =	shalt  }
0x63: {  	_ =	shalt  }
0x64: {  	_ =	shalt  }
0x65: {  	_ =	shalt  }
0x66: {  	_ =	shalt  }
0x67: {  	_ =	shalt  }
0x68: {  	_ =	shalt  }
0x69: {  	_ =	shalt  }
0x6a: {  	_ =	shalt  }
0x6b: {  	_ =	shalt  }
0x6c: {  	_ =	shalt  }
0x6d: {  	_ =	shalt  }
0x6e: {  	_ =	shalt  }
0x6f: {  	_ =	shalt  }
0x70: {  	_ =	shalt  }
0x71: {  	_ =	shalt  }
0x72: {  	_ =	shalt  }
0x73: {  	_ =	shalt  }
0x74: {  	_ =	shalt  }
0x75: {  	_ =	shalt  }
0x76: {  	_ =	shalt  }
0x77: {  	_ =	shalt  }
0x78: {  	_ =	shalt  }
0x79: {  	_ =	shalt  }
0x7a: {  	_ =	shalt  }
0x7b: {  	_ =	shalt  }
0x7c: {  	_ =	shalt  }
0x7d: {  	_ =	shalt  }
0x7e: {  	_ =	shalt  }
0x7f: {  	_ =	shalt  }
0x80: {  	_ =	shalt  }
0x81: {  	_ =	shalt  }
0x82: {  	_ =	shalt  }
0x83: {  	_ =	shalt  }
0x84: {  	_ =	shalt  }
0x85: {  	_ =	shalt  }
0x86: {  	_ =	shalt  }
0x87: {  	_ =	shalt  }
.Lfunc_end0:
.L_simem_size_0:
called_computation_lowered:
.L_overlay_start_0:
0x88: {  	s2 =	sld [smem:$0x3FD9]  }
0x89: {  	s3 =	sld [smem:$0x3FFE];
	_ =	sdelay $0x1  }
0x8a: {  	s1 =	srdreg.scid  }
0x8b: {  	s0 =	sand.u32 $0x1, s1  }
0x8c: {  	s17 =	sshll.u32 s0, $0xA;
	s2 =	sadd.s32 s3, s2  }
0x8d: {  	s2 =	sadd.s32 s2, s17  }
0x8e: {  	[smem:$0x3FB6] =	sst s2  }
0x8f: {  	_ = 	snop  }
0x90: {  	s18 =	sld [smem:$0x3FD0];
	(tm) =	ssettm $0x1  }
0x91: {  	s19 =	sld [smem:$0x3FFB];
	_ =	sdelay $0x3  }
0x92: {  	_ =	strace s19  }
0x93: {  	s2 =	sld [smem:$0x3FFC];
	_ =	sdelay $0x3  }
0x94: {  	_ =	strace s2  }
0x95: {  	s2 =	sld [smem:$0x3FFD];
	_ =	sdelay $0x3  }
0x96: {  	_ =	strace s2  }
0x97: {  	_ =	strace $0x8FFFFFFF  }
0x98: {  	s20 =	sld [smem:$0x3FDB];
	_ =	sdelay $0x1  }
0x99: {  	s4 =	simm.s32 $_scs_section_size  }
0x9a: {  	s5 =	simm.s32 $_size__tile_overlayer_lowered;
	s6 =	simm.s32 $_tile_overlayer_lowered  }
0x9b: {  	s7 =	simm.s32 $0x1BFF;
	s21 =	sshll.u32 s6, $0x1;
	s4 =	sadd.s32 s4, s20  }
0x9c: {  	s22 =	simm.s32 $0x0;
	s5 =	sshll.u32 s5, $0x1;
	s6 =	sadd.s32 s21, s4  }
0x9d: {  	[timem:s22], [sflag:s7] =	dma.local [hbm:s6], s5  }
0x9e: {  	_ =	swait.ge [sflag:s7], s5  }
0x9f: {  	s5 =	ssub.s32 $0x0, s5;
	[sflag:s7] =	ssyncset.done $0x0  }
0xa0: {  	[sflag:s7] =	ssyncadd.s32 s5;
	_ =	sdelay $0x1  }
0xa1: {  	s23 =	simm.s32 $0x1B8B  }
0xa2: {  	_ =	swait.ge [sflag:s23], $0x1  }
0xa3: {  	[sflag:s23] =	ssyncset.done $0x0  }
0xa4: {  	[sflag:s23] =	ssyncadd.s32 $0xFFFFFFFF  }
0xa5: {  	s5 =	sld [smem:$0x0]  }
0xa6: {  	s6 =	sand.u32 $0xFFFFFFFE, s1  }
0xa7: {  	p0 =	sne.s32 s1, s6  }
0xa8: {  	s6 =	sshll.u32 @p0 s6, $0xE  }
0xa9: {  	s6 =	sadd.s32 @p0 $0x11B8D, s6;
	s7 =	sshll.u32 @p0 s5, $0x11  }
0xaa: {  	s6 =	sor.u32 @p0 s7, s6  }
0xab: {  	[sflag:s6] =	ssyncadd.remote.s32 @p0 $0x1;
	_ =	sdelay $0x1  }
0xac: {  	s6 =	simm.s32 @p0 $0x1B8D  }
0xad: {  	_ =	swait.eq @p0 [sflag:s6], $0x1  }
0xae: {  	[sflag:s6] =	ssyncadd.s32 @p0 $0xFFFFFFFF  }
0xaf: {  	s7 =	sshll.u32 @!p0 s1, $0xE  }
0xb0: {  	s7 =	sor.u32 @!p0 $0x4000, s7;
	s6 =	simm.s32 @!p0 $0x1B8D  }
0xb1: {  	s8 =	sshll.u32 @!p0 s5, $0x11;
	s7 =	sadd.s32 @!p0 $0x11B8D, s7;
	_ =	swait.eq @!p0 [sflag:s6], $0x1  }
0xb2: {  	[sflag:s6] =	ssyncadd.s32 @!p0 $0xFFFFFFFF;
	s6 =	sor.u32 @!p0 s8, s7  }
0xb3: {  	s25 =	simm.s32 $0x1B8E;
	s24 =	sld [smem:$0x3FFE];
	[sflag:s6] =	ssyncadd.remote.s32 @!p0 $0x1  }
0xb4: {  	s26 =	simm.s32 $execute0_lowered;
	[smem:$0x3FD2] =	sst s25  }
0xb5: {  	s7 =	sshll.u32 s26, $0x1;
	_ =	strace $0x8000004C;
	[dreg:$0x1] =	wrdreg $0xFFFFFFFF  }
0xb6: {  	s28 =	simm.s32 $_size_execute0_lowered;
	s4 =	sadd.s32 s4, s7;
	[dreg:$0x0] =	wrdreg $0x0  }
0xb7: {  	s7 =	sshll.u32 s28, $0x1;
	[dreg:$0x2] =	wrdreg s4  }
0xb8: {  	[dreg:$0x3] =	wrdreg s7  }
0xb9: {  	[dreg:$0x4] =	wrdreg $0xC0  }
0xba: {  	_ =	task [dreg:s22], $0x5FFFF  }
0xbb: {  	[dreg:$0x1] =	wrdreg $0xFFFFFFFF  }
0xbc: {  	[dreg:$0x0] =	wrdreg $0x60  }
0xbd: {  	[dreg:$0x2] =	wrdreg s24  }
0xbe: {  	[dreg:$0x3] =	wrdreg s18  }
0xbf: {  	[dreg:$0x4] =	wrdreg s1  }
0xc0: {  	[dreg:$0x5] =	wrdreg s5  }
0xc1: {  	[dreg:$0x6] =	wrdreg $0x9  }
0xc2: {  	_ =	task.clear_ibuf [dreg:s22], $0x7FFFF;
	_ =	strace $0x9000004C  }
0xc3: {  	s29 =	simm.s32 $0x9;
	_ =	strace $0x8000004E  }
0xc4: {  	_ =	swait.ge [sflag:s29], $0x1  }
0xc5: {  	[sflag:s29] =	ssyncadd.s32 $0xFFFFFFFF  }
0xc6: {  	_ =	strace $0x9000004E  }
0xc7: {  	_ =	sfence  }
0xc8: {  	s30 =	sld [smem:$0x0];
	_ =	sdelay $0x2  }
0xc9: {  	s31 =	sshll.u32 s1, $0xD;
	s1 =	sshrl.u32 s1, $0x2  }
0xca: {  	s4 =	sand.u32 $0x4000, s31;
	s1 =	sadd.s32 s1, s30  }
0xcb: {  	s0 =	sor.u32 s4, s0;
	s1 =	sshll.u32 s1, $0x11  }
0xcc: {  	s0 =	sor.u32 s1, s0  }
0xcd: {  	s0 =	sadd.s32 $0x8F2B, s0  }
0xce: {  	[sflag:s0] =	ssyncadd.remote.s32 $0x1  }
0xcf: {  	_ =	sfence.sel $0xFFFF  }
0xd0: {  	[dreg:$0x0] =	wrdreg $0xFFFFFFFF;
	(pc) =	sbr.abs _section_cstart, $3  }
0xd1: {  	[dreg:$0x1] =	wrdreg $0xFFFFFFFF  }
0xd2: {  	_ =	task.clear_ibuf [dreg:s22], $0x2FFFF;
	_ =	strace $0x9FFFFFFF  }
0xd3: {  	(tm) =	ssettm $0x7FFFFFFF  }
tec
execute0_lowered:
.L_overlay_start_1:
0x0: {  	(tag) =	ssettag $0x1  }
0x1: {  	s2 =	rddreg [dreg:$0x0]  }
0x2: {  	s15 =	rddreg [dreg:$0x1]  }
0x3: {  	s3 =	rddreg [dreg:$0x2];
	_ =	strace $0x8000004D;
	s0 =	simm.s32 $0x1  }
0x4: {  	v0 =	vimm.s32 $0x0;
	[sflag:s0] =	ssyncpa.u1 $0x0;
	s0 =	simm.s32 $0x108  }
0x5: {  	[tilespmem:s0+$0x70] =	vst v0  }
0x6: {  	[tilespmem:s0+$0x60] =	vst v0  }
0x7: {  	[tilespmem:s0+$0x50] =	vst v0  }
0x8: {  	[tilespmem:s0+$0x40] =	vst v0  }
0x9: {  	[tilespmem:s0+$0x30] =	vst v0  }
0xa: {  	s1 =	sadd.s32 $0x1084600, s2;
	s6 =	sadd.s32 $0x26CDE00, s2;
	[tilespmem:s0+$0x20] =	vst v0  }
0xb: {  	s14 =	sadd.s32 $0xFAE800, s2;
	s5 =	sand.u32 $0x1, s3;
	s3 =	simm.s32 $0x40;
	[tilespmem:s0+$0x10] =	vst v0  }
.LBB2_1:
0xc: {  	s3 =	sadd.s32 $0x40, s3;
	[tilespmem:s0+$0x0] =	vst v0;
	s0 =	sadd.s32 $0x80, s0  }
0xd: {  	p0 =	slt.u32 s3, $0x3C40;
	[tilespmem:s0+$0x70] =	vst v0  }
0xe: {  	[tilespmem:s0+$0x60] =	vst v0  }
.Ltmp0:
0xf: {  	[tilespmem:s0+$0x50] =	vst v0;
	(pc) =	sbr.rel @p0 .LBB2_1-.Ltmp0, $4  }
0x10: {  	[tilespmem:s0+$0x40] =	vst v0  }
0x11: {  	[tilespmem:s0+$0x30] =	vst v0  }
0x12: {  	[tilespmem:s0+$0x20] =	vst v0  }
0x13: {  	[tilespmem:s0+$0x10] =	vst v0  }
0x14: {  	s9 =	stileid.u32  }
0x15: {  	s2 =	smul.u32 $0x41, s9  }
0x16: {  	s3 =	smin.u32 s9, $0xA  }
0x17: {  	s2 =	sadd.s32 s3, s2  }
0x18: {  	p0 =	slt.u32 s9, $0xA;
	s7 =	smul.u32 $0xF0, s2;
	s2 =	simm.s32 $0x3DE0  }
0x19: {  	s2 =	simm.s32 @!p0 $0x3CF0  }
0x1a: {  	s2 =	sadd.s32 s2, s7  }
0x1b: {  	s8 =	smin.u32 s2, $0x3D800  }
0x1c: {  	s2 =	ssub.s32 s8, s7  }
0x1d: {  	p0 =	sgt.s32 s2, $0x0  }
0x1e: {  	s29 =	simm.s32 $0x2;
	s10 =	simm.s32 $0x9;
	s2 =	simm.s32 @!p0 $0x0  }
0x1f: {  	s4 =	simm.s32 $0xA;
	s11 =	simm.s32 $0xB;
	s28 =	smulhi.u32 $0x88888889, s2  }
0x20: {  	[dreg:$0x5] =	wrdreg s5;
	s31 =	smul.u32 $0x7B00, s5;
	s12 =	simm.s32 $0x1  }
0x21: {  	s22 =	simm.s32 $0x0;
	s18 =	simm.s32 $0xC;
	s30 =	sshrl.u32 s28, $0x7  }
0x22: {  	s20 =	simm.s32 $0x0;
	s21 =	simm.s32 $0x0;
	s3 =	smul.u32 $0xF0, s30  }
.Ltmp1:
0x23: {  	[tilespmem:s0+$0x0] =	vst v0;
	v0 =	vimm.s32 $0xFFFFFFFF;
	[sflag:s29] =	ssyncpa.u1 $0x0;
	s16 =	sshll.u32 s9, $0x8;
	(pc) =	sbr.rel .LBB2_3-.Ltmp1, $4  }
0x24: {  	[tilespmem:$0xF208] =	vst v0;
	[sflag:s10] =	ssyncpa.u1 $0x0;
	p0 =	sne.s32 s2, s3;
	s2 =	simm.s32 $0x1  }
0x25: {  	s14 =	sadd.s32 s31, s14;
	[sflag:s4] =	ssyncpa.u1 $0x0;
	s2 =	simm.s32 @!p0 $0x0  }
0x26: {  	s15 =	sadd.s32 s31, s15;
	[sflag:s11] =	ssyncpa.u1 $0x0;
	s13 =	sadd.s32 s2, s30  }
0x27: {  	v0 =	vlaneseq.u32;
	s19 =	smov.u32 s7;
	p0 =	por $0x0, $0x0;
	s17 =	sadd.s32 $0x1, s13  }
.LBB2_18:
0x28: {  	s0 =	sshrl.u32 s31, $0x2  }
.LBB2_20:
0x29: {  	_ =	swait.ge [sflag:s18], s0  }
0x2a: {  	s31 =	ssub.s32 $0x0, s0;
	v1 =	vmov s24;
	vm0 =	veq.s32 v0, $0x0;
	[sflag:s18] =	ssyncset.done $0x0  }
0x2b: {  	vm15 =	veq.s32 v0, $0x2;
	v1 =	vsel vm0, s30, v1;
	[sflag:s18] =	ssyncadd.s32 s31  }
0x2c: {  	v1 =	vsel vm15, s22, v1;
	[sflag:s18] =	ssyncpa.u1 $0x1  }
0x2d: {  	[tilespmem:$0xF208] =	vst v1  }
.LBB2_21:
0x2e: {  	s0 =	sadd.s32 $0xF0, s19  }
0x2f: {  	s2 =	smov.u32 s7;
	p1 =	slt.s32 s0, s8  }
0x30: {  	s2 =	smov.u32 @p1 s0;
	p1 =	sne.s32 s21, s17  }
.Ltmp2:
0x31: {  	_ = 	snop;
	(pc) =	sbr.rel @!p1 .LBB2_22-.Ltmp2, $3  }
0x32: {  	_ =	sdelay $0x1  }
0x33: {  	s22 =	smov.u32 s20;
	s31 =	sadd.s32 $0x1, s21;
	s20 =	smov.u32 s19  }
0x34: {  	p0 =	por !p0, !p0;
	s21 =	smov.u32 s31;
	s19 =	smov.u32 s2  }
.LBB2_3:
0x35: {  	p1 =	sge.u32 s21, s13  }
0x36: {  	s0 =	smulhi.u32 @!p1 $0xAAAAAAAB, s21  }
0x37: {  	s2 =	smov.u32 s19;
	p2 =	sgt.s32 @!p1 s19, $0x3D710  }
0x38: {  	s3 =	sshra.s32 @!p1 s19, $0x1F;
	p2 =	por !p2, p1;
	s0 =	sshrl.u32 @!p1 s0, $0x1  }
0x39: {  	s3 =	sand.u32 @!p1 s3, s19;
	s2 =	simm.s32 @p2 $0x3D710;
	s0 =	smul.u32 @!p1 $0x3, s0  }
0x3a: {  	s2 =	ssub.s32 @!p1 s2, s3  }
0x3b: {  	s2 =	sadd.s32 @!p1 $0xFFFC28F0, s2;
	s0 =	ssub.s32 @!p1 s21, s0  }
0x3c: {  	s3 =	sshll.u32 @!p1 s2, $0x2;
	p2 =	sgt.s32 @!p1 s2, $0xEF;
	s0 =	smul.u32 @!p1 $0x3C0, s0  }
0x3d: {  	s4 =	sand.u32 @!p1 $0x7, s19;
	s2 =	ssub.s32 @!p1 $0x3C0, s3;
	p2 =	por !p2, p1  }
0x3e: {  	s3 =	sshrl.u32 @!p1 s19, $0x3;
	s2 =	sshrl.u32 @!p1 s2, $0x2;
	s0 =	sshrl.u32 @!p1 s0, $0x2  }
0x3f: {  	s3 =	sadd.s32 @!p1 s3, s14;
	s2 =	simm.s32 @!p2 $0x0;
	s0 =	sadd.s32 @!p1 $0x10248, s0  }
0x40: {  	[tilespmem:s0], [sflag:$0xA] =	stream.linear.gather @!p1 [hbm4b:s3+s4], s2, $0x38;
	[tilespmem:$0x1F6F8] =	vst v63  }
0x41: {  	s0 =	sadd.s32 $0xFFFFFFFF, s21  }
0x42: {  	p1 =	sge.u32 s0, s13  }
0x43: {  	p2 =	sgt.s32 @!p1 s20, $0x3D710  }
0x44: {  	s2 =	smov.u32 s20;
	s3 =	sshra.s32 @!p1 s20, $0x1F;
	p2 =	por !p2, p1  }
0x45: {  	s3 =	sand.u32 @!p1 s3, s20;
	s2 =	simm.s32 @p2 $0x3D710  }
0x46: {  	s2 =	ssub.s32 @!p1 s2, s3  }
0x47: {  	s2 =	sadd.s32 @!p1 $0xFFFC28F0, s2  }
0x48: {  	s4 =	sand.u32 @!p1 $0x1, s0;
	s3 =	sshll.u32 @!p1 s2, $0x2  }
0x49: {  	p2 =	sgt.s32 @!p1 s2, $0xEF;
	s2 =	ssub.s32 @!p1 $0x3C0, s3;
	s3 =	smulhi.u32 @!p1 $0xAAAAAAAB, s0  }
0x4a: {  	s23 =	smul.u32 @!p1 $0x3C0, s4;
	p2 =	por !p2, p1;
	s2 =	sshrl.u32 @!p1 s2, $0x2  }
0x4b: {  	s5 =	simm.s32 @!p1 $0xA;
	s2 =	simm.s32 @!p2 $0x0;
	s3 =	sshrl.u32 @!p1 s3, $0x1  }
0x4c: {  	s23 =	sshrl.u32 @!p1 s23, $0x2;
	_ =	swait.ge @!p1 [sflag:s5], s2;
	s3 =	smul.u32 @!p1 $0x3, s3  }
0x4d: {  	s23 =	sadd.s32 @!p1 $0x10518, s23;
	s24 =	ssub.s32 @!p1 $0x0, s2;
	[sflag:s5] =	ssyncset.done @!p1 $0x0  }
0x4e: {  	[sflag:s5] =	ssyncadd.s32 @!p1 s24;
	s5 =	sshrl.u32 @!p1 s20, $0x3;
	s0 =	ssub.s32 @!p1 s0, s3  }
0x4f: {  	s24 =	sand.u32 @!p1 $0x7, s20;
	s5 =	sadd.s32 @!p1 s5, s15;
	s0 =	smul.u32 @!p1 $0x3C0, s0  }
0x50: {  	[tilespmem:s23], [sflag:$0xB] =	stream.linear.gather @!p1 [hbm4b:s5+s24], s2, $0x38;
	[tilespmem:$0x1F6F8] =	vst v63  }
0x51: {  	s3 =	ssub.s32 @!p1 $0x3D800, s20;
	s2 =	smul.u32 @!p1 $0x1E000, s4  }
0x52: {  	p2 =	slt.s32 @!p1 s3, $0xF0  }
0x53: {  	p2 =	por !p2, p1;
	s0 =	sshrl.u32 @!p1 s0, $0x2;
	s2 =	sshrl.u32 @!p1 s2, $0x2  }
0x54: {  	s3 =	simm.s32 @p2 $0xF0;
	s0 =	sadd.s32 @!p1 $0x10248, s0;
	s2 =	sor.u32 @!p1 $0x106F8, s2  }
0x55: {  	[tilespmem:s2], [sflag:$0x9] =	stream.indirect.gather @!p1 [hbm4b:s6+s3], $0x80, s0, s3, $0xb8;
	[tilespmem:$0x1F6F8] =	vst v63  }
0x56: {  	p1 =	slt.u32 s21, $0x2  }
.Ltmp3:
0x57: {  	_ = 	snop;
	(pc) =	sbr.rel @p1 .LBB2_21-.Ltmp3, $1  }
0x58: {  	_ =	sdelay $0x3  }
0x59: {  	p1 =	sgt.s32 s22, $0x3D710  }
0x5a: {  	s0 =	smov.u32 s22;
	s2 =	sshra.s32 s22, $0x1F;
	s3 =	ssub.s32 $0x3D800, s22  }
0x5b: {  	s0 =	simm.s32 @!p1 $0x3D710;
	s2 =	sand.u32 s2, s22;
	p1 =	slt.s32 s3, $0xF0  }
0x5c: {  	s0 =	ssub.s32 s0, s2;
	s3 =	simm.s32 @!p1 $0xF0  }
0x5d: {  	s0 =	sadd.s32 $0xFFFC28F0, s0;
	s25 =	sshll.u32 s3, $0x7  }
0x5e: {  	s26 =	sshll.u32 s0, $0x2;
	s2 =	sand.u32 $0x3FFFFF80, s25  }
0x5f: {  	p1 =	sgt.s32 s0, $0xEF;
	s29 =	ssub.s32 $0x3C0, s26;
	_ =	swait.ge [sflag:s10], s2  }
0x60: {  	s2 =	ssub.s32 $0x0, s2;
	[sflag:s10] =	ssyncset.done $0x0;
	s0 =	sshrl.u32 s29, $0x2  }
0x61: {  	[sflag:s10] =	ssyncadd.s32 s2;
	s0 =	simm.s32 @p1 $0x0  }
0x62: {  	_ =	swait.ge [sflag:s11], s0  }
0x63: {  	s0 =	ssub.s32 $0x0, s0;
	[sflag:s11] =	ssyncset.done $0x0  }
0x64: {  	[sflag:s11] =	ssyncadd.s32 s0  }
0x65: {  	v1 =	vld [tilespmem:$0xF208];
	_ =	sdelay $0x4  }
0x66: {  	(v2sf) =	vpush v1, $0x0  }
0x67: {  	(v2sf) =	vpush v1, $0x1  }
0x68: {  	(v2sf) =	vpush v1, $0x2;
	_ =	sdelay $0x3  }
0x69: {  	s0 =	sadd.s32 $0xF0, s22  }
0x6a: {  	s2 =	ssub.s32 $0x7B000, s22;
	p1 =	slt.s32 s8, s0  }
0x6b: {  	s0 =	smov.u32 @p1 s8;
	p1 =	sgt.s32 s2, $0x0  }
0x6c: {  	s26 =	ssub.s32 s0, s22;
	s2 =	simm.s32 @!p1 $0x0  }
0x6d: {  	p1 =	slt.s32 s2, s26  }
0x6e: {  	s26 =	smov.u32 @p1 s2  }
0x6f: {  	s25 =	simm.s32 $0x1;
	p1 =	slt.s32 s26, $0x1  }
.Ltmp4:
0x70: {  	s25 =	simm.s32 @!p0 $0x0;
	(pc) =	sbr.rel @p1 .LBB2_8-.Ltmp4, $4  }
0x71: {  	s31 =	smul.u32 $0x3C0, s25  }
0x72: {  	s28 =	spop (v2sf)  }
0x73: {  	s0 =	sshrl.u32 s31, $0x2;
	s30 =	spop (v2sf)  }
0x74: {  	s23 =	sadd.s32 $0x10518, s0;
	s22 =	spop (v2sf)  }
0x75: {  	s0 =	smin.u32 s26, $0x10  }
0x76: {  	v1 =	vmov s0  }
0x77: {  	p2 =	sgt.s32 s26, $0x10;
	vm1 =	vgt.u32 v1, v0  }
.Ltmp5:
0x78: {  	_ = 	snop;
	(pc) =	sbr.rel @!p2 .LBB2_7-.Ltmp5, $2  }
0x79: {  	_ =	sdelay $0x2  }
0x7a: {  	s4 =	simm.s32 $0x10;
	s24 =	sadd.s32 $0xFFFFFFF0, s26;
	s0 =	smov.u32 s23;
	vm0 =	vmmov vm1  }
.LBB2_6:
0x7b: {  	s2 =	smin.u32 s24, $0x10;
	s4 =	sadd.s32 $0x10, s4;
	v1 =	vld.msk [tilespmem:s0+$0x0 ss:$0x1], vm1  }
0x7c: {  	v2 =	vmov s2;
	p2 =	slt.s32 s4, s26  }
0x7d: {  	vm1 =	vgt.u32 v2, v0  }
.Ltmp6:
0x7e: {  	(pc) =	sbr.rel @p2 .LBB2_6-.Ltmp6, $3  }
0x7f: {  	_ =	sdelay $0x1  }
0x80: {  	v1 =	vshll.u32 v1, $0x4  }
0x81: {  	s24 =	sadd.s32 $0xFFFFFFF0, s24;
	[tilespmem:s0+$0x0] =	vst.msk vm0, v1;
	s0 =	sadd.s32 $0x10, s0;
	vm0 =	vmmov vm1  }
.LBB2_7:
0x82: {  	_ =	sdelay $0x4  }
0x83: {  	v1 =	vld.msk [tilespmem:s0+$0x0 ss:$0x1], vm1;
	_ =	sdelay $0x4  }
0x84: {  	v1 =	vshll.u32 v1, $0x4  }
0x85: {  	[tilespmem:s0+$0x0] =	vst.msk vm0, v1  }
.LBB2_8:
0x86: {  	s0 =	sand.u32 $0x1, s21  }
0x87: {  	s0 =	smul.u32 $0xF0, s0  }
0x88: {  	p2 =	sne.s32 s30, $0xFFFFFFFF  }
0x89: {  	v1 =	vld.msk @!p2 [tilespmem:s0+$0x10518], $0x1;
	_ =	sdelay $0x4  }
0x8a: {  	(v2sf) =	vpush @!p2 v1, $0x0;
	_ =	sdelay $0xc  }
.Ltmp7:
0x8b: {  	_ = 	snop;
	(pc) =	sbr.rel @p1 .LBB2_19-.Ltmp7, $4  }
0x8c: {  	_ = 	snop  }
0x8d: {  	s29 =	spop @!p2 (v2sf)  }
0x8e: {  	s22 =	simm.s32 @!p2 $0x0;
	s24 =	smov.u32 s29  }
0x8f: {  	[sflag:s18] =	ssyncpa.u1 $0x0;
	s29 =	smov.u32 @p2 s28;
	s24 =	smov.u32 @p2 s30  }
0x90: {  	v1 =	vld.msk [tilespmem:s23+$0x0], $0x1;
	_ =	sdelay $0x4  }
0x91: {  	(v2sf) =	vpush v1, $0x0;
	_ =	sdelay $0xe  }
0x92: {  	s2 =	smul.u32 $0x1E000, s25;
	s0 =	spop (v2sf)  }
0x93: {  	s26 =	ssub.s32 $0x0, s26;
	p1 =	seq.s32 s29, s0  }
0x94: {  	s30 =	sadd.s32 $0x1, s26;
	s2 =	sshrl.u32 s2, $0x2;
	p2 =	sgt.s32 @!p1 s29, $0x0  }
0x95: {  	s25 =	sor.u32 $0x10738, s2;
	s2 =	smov.u32 s29;
	p2 =	por !p2, p1  }
0x96: {  	s2 =	simm.s32 @p2 $0x0;
	p2 =	seq.s32 s30, $0x0  }
.Ltmp8:
0x97: {  	_ = 	snop;
	(pc) =	sbr.rel @p2 .LBB2_11-.Ltmp8, $4  }
0x98: {  	_ = 	snop  }
0x99: {  	s28 =	simm.s32 $0x0;
	s31 =	sadd.s32 $0x1, s23;
	s2 =	smin.u32 @!p1 s2, $0xC67F0  }
0x9a: {  	s4 =	simm.s32 @!p1 $0x1;
	s5 =	simm.s32 @!p1 $0x7988;
	s3 =	sand.u32 @!p1 $0xFFFF8, s2  }
0x9b: {  	s4 =	smov.u32 @p1 s28;
	s2 =	sand.u32 @!p1 $0x7, s2;
	s3 =	sadd.s32 @!p1 s1, s3  }
.LBB2_10:
0x9c: {  	s9 =	smov.u32 s4  }
0x9d: {  	[tilespmem:s5], [sflag:$0x2] =	stream.linear.gather @!p1 [hbm4b:s3+s2], $0x80, $0x38;
	[tilespmem:$0x1F6F8] =	vst v63  }
0x9e: {  	s30 =	sadd.s32 $0x1, s30;
	s2 =	smov.u32 s0;
	v1 =	vld.msk [tilespmem:s31+$0x0], $0x1  }
0x9f: {  	p2 =	seq.s32 s30, $0x0;
	_ =	sdelay $0x3  }
0xa0: {  	(v2sf) =	vpush v1, $0x0;
	_ =	sdelay $0xe  }
0xa1: {  	s0 =	spop (v2sf)  }
0xa2: {  	p1 =	seq.s32 s2, s0  }
0xa3: {  	p3 =	sgt.s32 @!p1 s2, $0x0;
	s3 =	sshll.u32 @!p1 s4, $0x9;
	s4 =	sadd.s32 @!p1 $0x1, s4  }
.Ltmp9:
0xa4: {  	p3 =	por !p3, p1;
	s3 =	sshra.s32 @!p1 s3, $0x2;
	(pc) =	sbr.rel @!p2 .LBB2_10-.Ltmp9, $4  }
0xa5: {  	s4 =	smov.u32 @p1 s9;
	s2 =	simm.s32 @p3 $0x0;
	s5 =	sadd.s32 @!p1 $0x7988, s3  }
0xa6: {  	s2 =	smin.u32 @!p1 s2, $0xC67F0  }
0xa7: {  	s3 =	sand.u32 @!p1 $0xFFFF8, s2;
	s2 =	sand.u32 @!p1 $0x7, s2  }
0xa8: {  	s31 =	sadd.s32 $0x1, s31;
	s3 =	sadd.s32 @!p1 s1, s3  }
.LBB2_11:
0xa9: {  	[tilespmem:s5], [sflag:$0x2] =	stream.linear.gather @!p1 [hbm4b:s3+s2], $0x80, $0x38;
	[tilespmem:$0x1F6F8] =	vst v63  }
.Ltmp10:
0xaa: {  	s0 =	sshll.u32 s4, $0x7;
	(pc) =	sbr.rel .LBB2_12-.Ltmp10, $4  }
0xab: {  	s30 =	simm.s32 $0x2;
	s0 =	sand.u32 $0x3FFFFF80, s0  }
0xac: {  	_ =	swait.ge [sflag:s30], s0  }
0xad: {  	s0 =	ssub.s32 $0x0, s0;
	[sflag:s30] =	ssyncset.done $0x0  }
0xae: {  	s31 =	simm.s32 $0x0;
	[sflag:s30] =	ssyncadd.s32 s0  }
.LBB2_13:
0xaf: {  	v1 =	vld [tilespmem:s25+$0xFFFFFFC0];
	_ =	sdelay $0x3  }
0xb0: {  	s0 =	sshra.s32 s0, $0x2  }
0xb1: {  	[tilespmem:s0+$0x108] =	vst.add.f32.msk $0xffff, v1  }
0xb2: {  	v1 =	vld [tilespmem:s25+$0xFFFFFFD0];
	_ =	sdelay $0x4  }
0xb3: {  	[tilespmem:s0+$0x118] =	vst.add.f32.msk $0xffff, v1  }
0xb4: {  	v1 =	vld [tilespmem:s25+$0xFFFFFFE0];
	_ =	sdelay $0x4  }
0xb5: {  	[tilespmem:s0+$0x128] =	vst.add.f32.msk $0xffff, v1  }
0xb6: {  	v1 =	vld [tilespmem:s25+$0xFFFFFFF0];
	_ =	sdelay $0x4  }
0xb7: {  	[tilespmem:s0+$0x138] =	vst.add.f32.msk $0xffff, v1  }
0xb8: {  	v1 =	vld [tilespmem:s25+$0x0];
	_ =	sdelay $0x4  }
0xb9: {  	[tilespmem:s0+$0x148] =	vst.add.f32.msk $0xffff, v1  }
0xba: {  	v1 =	vld [tilespmem:s25+$0x10];
	_ =	sdelay $0x4  }
0xbb: {  	[tilespmem:s0+$0x158] =	vst.add.f32.msk $0xffff, v1  }
0xbc: {  	v1 =	vld [tilespmem:s25+$0x20];
	_ =	sdelay $0x4  }
0xbd: {  	[tilespmem:s0+$0x168] =	vst.add.f32.msk $0xffff, v1  }
0xbe: {  	v1 =	vld [tilespmem:s25+$0x30];
	_ =	sdelay $0x4  }
0xbf: {  	[tilespmem:s0+$0x178] =	vst.add.f32.msk $0xffff, v1  }
.LBB2_17:
0xc0: {  	s26 =	sadd.s32 $0x1, s26  }
0xc1: {  	p1 =	seq.s32 s26, $0x0  }
.Ltmp11:
0xc2: {  	_ = 	snop;
	(pc) =	sbr.rel @p1 .LBB2_18-.Ltmp11, $2  }
0xc3: {  	_ =	sdelay $0x2  }
0xc4: {  	s23 =	sadd.s32 $0x1, s23;
	s25 =	sadd.s32 $0x80, s25;
	s29 =	smov.u32 s30  }
.LBB2_12:
0xc5: {  	v1 =	vld.msk [tilespmem:s23+$0x0], $0x1;
	_ =	sdelay $0x4  }
0xc6: {  	(v2sf) =	vpush v1, $0x0;
	_ =	sdelay $0xe  }
0xc7: {  	s30 =	spop (v2sf)  }
0xc8: {  	p1 =	sne.s32 s29, s30  }
.Ltmp12:
0xc9: {  	_ = 	snop;
	(pc) =	sbr.rel @!p1 .LBB2_13-.Ltmp12, $2  }
0xca: {  	_ =	sdelay $0x2  }
0xcb: {  	s0 =	sshll.u32 s22, $0x9  }
0xcc: {  	p1 =	seq.s32 s29, s24  }
.Ltmp13:
0xcd: {  	_ = 	snop;
	(pc) =	sbr.rel @!p1 .LBB2_15-.Ltmp13, $1  }
0xce: {  	_ =	sdelay $0x3  }
0xcf: {  	s0 =	sshra.s32 s0, $0x2  }
.Ltmp14:
0xd0: {  	s0 =	sadd.s32 $0x108, s0;
	(pc) =	sbr.rel .LBB2_16-.Ltmp14, $4  }
0xd1: {  	[spmem:s16] =	stream.linear.scatter [tilespmem:s0], [sflag:$0x1], $0x80, $0x38;
	[tilespmem:$0x1F6F8] =	vst v63  }
0xd2: {  	_ =	swait.ge [sflag:s12], $0x80  }
0xd3: {  	[sflag:s12] =	ssyncset.done $0x0  }
0xd4: {  	[sflag:s12] =	ssyncadd.s32 $0xFFFFFF80  }
.LBB2_15:
0xd5: {  	s2 =	sshll.u32 s28, $0x9  }
0xd6: {  	s2 =	sshra.s32 s2, $0x2  }
0xd7: {  	v1 =	vld [tilespmem:s2+$0x7988];
	_ =	sdelay $0x3  }
0xd8: {  	s0 =	sshra.s32 s0, $0x2  }
0xd9: {  	[tilespmem:s0+$0x108] =	vst.add.f32.msk $0xffff, v1  }
0xda: {  	v1 =	vld [tilespmem:s2+$0x7998];
	_ =	sdelay $0x4  }
0xdb: {  	[tilespmem:s0+$0x118] =	vst.add.f32.msk $0xffff, v1  }
0xdc: {  	v1 =	vld [tilespmem:s2+$0x79A8];
	_ =	sdelay $0x4  }
0xdd: {  	[tilespmem:s0+$0x128] =	vst.add.f32.msk $0xffff, v1  }
0xde: {  	v1 =	vld [tilespmem:s2+$0x79B8];
	_ =	sdelay $0x4  }
0xdf: {  	[tilespmem:s0+$0x138] =	vst.add.f32.msk $0xffff, v1  }
0xe0: {  	v1 =	vld [tilespmem:s2+$0x79C8];
	_ =	sdelay $0x4  }
0xe1: {  	[tilespmem:s0+$0x148] =	vst.add.f32.msk $0xffff, v1  }
0xe2: {  	v1 =	vld [tilespmem:s2+$0x79D8];
	_ =	sdelay $0x4  }
0xe3: {  	[tilespmem:s0+$0x158] =	vst.add.f32.msk $0xffff, v1  }
0xe4: {  	v1 =	vld [tilespmem:s2+$0x79E8];
	_ =	sdelay $0x4  }
0xe5: {  	[tilespmem:s0+$0x168] =	vst.add.f32.msk $0xffff, v1  }
0xe6: {  	v1 =	vld [tilespmem:s2+$0x79F8];
	_ =	sdelay $0x2  }
0xe7: {  	p1 =	sgt.u32 s29, $0xC67F0  }
0xe8: {  	s2 =	sand.u32 @!p1 $0xFFFF8, s29  }
0xe9: {  	s3 =	sadd.s32 $0x108, s0;
	[tilespmem:s0+$0x178] =	vst.add.f32.msk $0xffff, v1;
	s0 =	sadd.s32 @!p1 s1, s2;
	s2 =	sand.u32 @!p1 $0x7, s29  }
0xea: {  	[hbm4b:s0+s2] =	stream.linear.scatter @!p1 [tilespmem:s3], [sflag:$0xC], $0x80, $0x38;
	[tilespmem:$0x1F6F8] =	vst v63  }
0xeb: {  	s0 =	simm.s32 $0x0  }
0xec: {  	s0 =	simm.s32 @!p1 $0x200  }
0xed: {  	s31 =	sadd.s32 s0, s31  }
.LBB2_16:
0xee: {  	s0 =	sadd.s32 $0x1, s22  }
0xef: {  	s2 =	smulhi.u32 $0x88888889, s0;
	_ =	sdelay $0x1  }
0xf0: {  	v1 =	vld [tilespmem:s25+$0xFFFFFFC0];
	s2 =	sshrl.u32 s2, $0x7  }
0xf1: {  	s2 =	smul.u32 $0xF0, s2;
	_ =	sdelay $0x1  }
0xf2: {  	s22 =	ssub.s32 s0, s2  }
0xf3: {  	s0 =	sshll.u32 s22, $0x7  }
0xf4: {  	[tilespmem:s0+$0x108] =	vst v1  }
0xf5: {  	v1 =	vld [tilespmem:s25+$0xFFFFFFD0];
	_ =	sdelay $0x4  }
0xf6: {  	[tilespmem:s0+$0x118] =	vst v1  }
0xf7: {  	v1 =	vld [tilespmem:s25+$0xFFFFFFE0];
	_ =	sdelay $0x4  }
0xf8: {  	[tilespmem:s0+$0x128] =	vst v1  }
0xf9: {  	v1 =	vld [tilespmem:s25+$0xFFFFFFF0];
	_ =	sdelay $0x4  }
0xfa: {  	[tilespmem:s0+$0x138] =	vst v1  }
0xfb: {  	v1 =	vld [tilespmem:s25+$0x0];
	_ =	sdelay $0x4  }
0xfc: {  	[tilespmem:s0+$0x148] =	vst v1  }
0xfd: {  	v1 =	vld [tilespmem:s25+$0x10];
	_ =	sdelay $0x4  }
0xfe: {  	[tilespmem:s0+$0x158] =	vst v1  }
0xff: {  	v1 =	vld [tilespmem:s25+$0x20];
	_ =	sdelay $0x4  }
0x100: {  	[tilespmem:s0+$0x168] =	vst v1  }
0x101: {  	v1 =	vld [tilespmem:s25+$0x30]  }
.Ltmp15:
0x102: {  	_ = 	snop;
	(pc) =	sbr.rel .LBB2_17-.Ltmp15, $2  }
0x103: {  	_ =	sdelay $0x2  }
0x104: {  	s28 =	sadd.s32 $0x1, s28;
	[tilespmem:s0+$0x178] =	vst v1  }
.LBB2_19:
.Ltmp16:
0x105: {  	(pc) =	sbr.rel .LBB2_20-.Ltmp16, $4  }
0x106: {  	_ = 	snop  }
0x107: {  	s0 =	simm.s32 $0x2  }
0x108: {  	_ =	swait.ge [sflag:s0], $0x0  }
0x109: {  	s30 =	smov.u32 s29;
	[sflag:s0] =	ssyncset.done $0x0;
	s0 =	simm.s32 $0x0  }
.LBB2_22:
0x10a: {  	_ =	sfence.sel $0x180000  }
0x10b: {  	s0 =	simm.s32 $0x9;
	[bflag:$0x0] =	sbarrier.arrive $0xFFFF  }
0x10c: {  	s24 =	simm.s32 $0xA;
	[sflag:s0] =	ssyncpa.u1 $0x1  }
0x10d: {  	s25 =	simm.s32 $0xB;
	[sflag:s24] =	ssyncpa.u1 $0x1  }
0x10e: {  	s26 =	simm.s32 $0x2;
	[sflag:s25] =	ssyncpa.u1 $0x1  }
0x10f: {  	[sflag:s26] =	ssyncpa.u1 $0x1  }
0x110: {  	v0 =	vld [tilespmem:$0xF208];
	_ =	sdelay $0x4  }
0x111: {  	(v2sf) =	vpush v0, $0x0  }
0x112: {  	(v2sf) =	vpush v0, $0x1;
	_ =	sdelay $0x1  }
0x113: {  	(v2sf) =	vpush v0, $0x2;
	_ =	sdelay $0xb  }
0x114: {  	s0 =	spop (v2sf)  }
0x115: {  	s2 =	spop (v2sf)  }
0x116: {  	s3 =	smov.u32 s0;
	p0 =	sne.s32 s0, s2  }
0x117: {  	s4 =	spop (v2sf);
	s3 =	simm.s32 @!p0 $0xFFFFFFFF  }
0x118: {  	v2 =	vimm.s32 $0x1;
	v3 =	vlaneseq.u32;
	p0 =	seq.s32 s4, $0xFFFFFFFF;
	v1 =	vmov s3  }
0x119: {  	s16 =	stileid.u32;
	v0 =	vperm.xlane v0, v2;
	p1 =	sne.s32 @!p0 s0, s2;
	v1 =	vperm.xlane v1, v3  }
0x11a: {  	vm0 =	vcmask $0x3F04;
	s6 =	simm.s32 $0xF208;
	s0 =	simm.s32 @!p0 $0x1;
	p1 =	por !p1, p0  }
0x11b: {  	s3 =	sshll.u32 s16, $0x1;
	s2 =	sshll.u32 @!p0 s4, $0x9;
	s0 =	simm.s32 @p1 $0x0;
	v0 =	vsel vm0, v1, v0  }
0x11c: {  	s5 =	sor.u32 $0x1000, s3;
	s2 =	sshra.s32 @!p0 s2, $0x2;
	s0 =	sor.u32 @!p0 s0, s3;
	[tilespmem:$0xF208] =	vst v0  }
0x11d: {  	[spmem:s5] =	stream.linear.scatter [tilespmem:s6], [sflag:$0x1], $0x2, $0x38;
	[tilespmem:$0x1F6F8] =	vst v63  }
0x11e: {  	s2 =	sadd.s32 @!p0 $0x108, s2;
	s0 =	sshll.u32 @!p0 s0, $0x7  }
0x11f: {  	[spmem:s0] =	stream.linear.scatter @!p0 [tilespmem:s2], [sflag:$0x1], $0x80, $0x38;
	[tilespmem:$0x1F6F8] =	vst v63  }
0x120: {  	s0 =	simm.s32 @!p0 $0x82  }
0x121: {  	s28 =	simm.s32 $0x1;
	s0 =	simm.s32 @p0 $0x2  }
0x122: {  	_ =	swait.ge [sflag:s28], s0  }
0x123: {  	s0 =	ssub.s32 $0x0, s0;
	[sflag:s28] =	ssyncset.done $0x0  }
0x124: {  	p0 =	sne.s32 s16, $0x0;
	[sflag:s28] =	ssyncadd.s32 s0  }
.Ltmp17:
0x125: {  	_ =	sfence.stream.spmem;
	(pc) =	sbr.rel @p0 .LBB2_39-.Ltmp17, $4  }
0x126: {  	s29 =	simm.s32 $0x3;
	[bflag:$0x0] =	sbarrier.arrive $0xFFFF  }
0x127: {  	s30 =	simm.s32 $0x4;
	[sflag:s29] =	ssyncpa.u1 $0x1  }
0x128: {  	s31 =	simm.s32 $0x3C;
	[sflag:s30] =	ssyncpa.u1 $0x1  }
0x129: {  	s15 =	rddreg [dreg:$0x5];
	[sflag:s31] =	ssyncpa.u1 $0x1  }
0x12a: {  	_ =	sfence.stream.spmem;
	s0 =	simm.s32 $0x5  }
0x12b: {  	s2 =	simm.s32 $0x1000;
	s3 =	simm.s32 $0xF218;
	[sflag:s0] =	ssyncpa.u1 $0x0  }
0x12c: {  	[tilespmem:s3], [sflag:$0x5] =	stream.linear.gather [spmem:s2], $0x20, $0x38;
	[tilespmem:$0x1F6F8] =	vst v63  }
0x12d: {  	s26 =	simm.s32 $0x0;
	s28 =	simm.s32 $0xF238  }
0x12e: {  	[tilespmem:s28], [sflag:$0x5] =	stream.linear.gather [spmem:s26], $0x1000, $0x38;
	[tilespmem:$0x1F6F8] =	vst v63  }
0x12f: {  	_ =	swait.ge [sflag:s0], $0x1020  }
0x130: {  	[sflag:s0] =	ssyncset.done $0x0  }
0x131: {  	s29 =	simm.s32 $0x0;
	[sflag:s0] =	ssyncadd.s32 $0xFFFFEFE0  }
0x132: {  	v0 =	vld.msk [tilespmem:s29+$0xF218], $0x1;
	_ =	sdelay $0x1  }
0x133: {  	s30 =	simm.s32 $0x1  }
0x134: {  	v1 =	vld.msk [tilespmem:s30+$0xF218], $0x1;
	_ =	sdelay $0x1  }
0x135: {  	(v2sf) =	vpush v0, $0x0;
	_ =	sdelay $0x2  }
0x136: {  	(v2sf) =	vpush v1, $0x0;
	_ =	sdelay $0x2  }
0x137: {  	s31 =	simm.s32 $0x2  }
0x138: {  	v0 =	vld.msk [tilespmem:s31+$0xF218], $0x1;
	_ =	sdelay $0x2  }
0x139: {  	s4 =	simm.s32 $0xFFFFFFFF;
	s5 =	simm.s32 $0xFFFFFFFF;
	s0 =	simm.s32 $0xC  }
.LBB2_24:
0x13a: {  	s2 =	smov.u32 s5;
	s3 =	smov.u32 s4  }
0x13b: {  	s4 =	sshra.s32 s0, $0x2;
	p1 =	sne.s32 s0, $0x7C;
	s0 =	sadd.s32 $0x4, s0;
	(v2sf) =	vpush v0, $0x0  }
0x13c: {  	v0 =	vld.msk [tilespmem:s4+$0xF218], $0x1  }
.Ltmp18:
0x13d: {  	(pc) =	sbr.rel @p1 .LBB2_24-.Ltmp18, $4  }
0x13e: {  	s5 =	spop (v2sf)  }
0x13f: {  	p2 =	sne.s32 s3, $0xFFFFFFFF;
	s4 =	smov.u32 s5  }
0x140: {  	p3 =	seq.s32 s5, $0xFFFFFFFF;
	s4 =	smov.u32 @p2 s3  }
0x141: {  	s5 =	smov.u32 @p3 s2;
	s4 =	smov.u32 @p3 s3  }
0x142: {  	(v2sf) =	vpush v0, $0x0;
	_ =	sdelay $0x8  }
0x143: {  	s0 =	spop (v2sf)  }
0x144: {  	p1 =	sne.s32 s4, $0xFFFFFFFF;
	s2 =	smov.u32 s0  }
0x145: {  	s9 =	simm.s32 $0x6;
	p2 =	seq.s32 s0, $0xFFFFFFFF;
	s2 =	smov.u32 @p1 s4  }
0x146: {  	s6 =	simm.s32 $0x0;
	s2 =	smov.u32 @p2 s4;
	s3 =	spop (v2sf)  }
0x147: {  	s0 =	smov.u32 @p2 s5;
	p1 =	sne.s32 s2, $0xFFFFFFFF;
	s4 =	smov.u32 s3  }
.Ltmp19:
0x148: {  	p2 =	seq.s32 s3, $0xFFFFFFFF;
	s4 =	smov.u32 @p1 s2;
	(pc) =	sbr.rel .LBB2_26-.Ltmp19, $4  }
0x149: {  	s10 =	simm.s32 $0xF188;
	s4 =	smov.u32 @p2 s2;
	s7 =	spop (v2sf)  }
0x14a: {  	s11 =	simm.s32 $0x0;
	p1 =	sne.s32 s4, $0xFFFFFFFF;
	s8 =	smov.u32 s7  }
0x14b: {  	s3 =	smov.u32 @p2 s0;
	p2 =	seq.s32 s7, $0xFFFFFFFF;
	s8 =	smov.u32 @p1 s4  }
0x14c: {  	[sflag:s9] =	ssyncpa.u1 $0x0;
	s7 =	smov.u32 @p2 s3;
	s8 =	smov.u32 @p2 s4  }
.LBB2_32:
0x14d: {  	p1 =	sgt.u32 s12, $0xC67F0  }
0x14e: {  	p2 =	seq.s32 @!p1 s12, s8  }
0x14f: {  	p1 =	por p1, p2  }
0x150: {  	p2 =	sne.s32 @!p1 s12, s7  }
0x151: {  	p1 =	por p1, !p2  }
0x152: {  	s0 =	sshll.u32 @p1 s11, $0x9  }
0x153: {  	s0 =	sand.u32 @!p1 $0xFFFF8, s12  }
0x154: {  	s2 =	sand.u32 @!p1 $0x7, s12;
	s0 =	sadd.s32 @!p1 s1, s0  }
0x155: {  	[tilespmem:s10], [sflag:$0x6] =	stream.linear.gather @!p1 [hbm4b:s0+s2], $0x80, $0x38;
	[tilespmem:$0x1F6F8] =	vst v63  }
0x156: {  	_ =	swait.ge @!p1 [sflag:s9], $0x80  }
0x157: {  	[sflag:s9] =	ssyncset.done @!p1 $0x0  }
0x158: {  	[sflag:s9] =	ssyncadd.s32 @!p1 $0xFFFFFF80  }
0x159: {  	v1 =	vld @!p1 [tilespmem:$0xF188];
	_ =	sdelay $0x2  }
0x15a: {  	s0 =	sshll.u32 @!p1 s11, $0x9  }
0x15b: {  	s2 =	sshrl.u32 @!p1 s0, $0x2  }
0x15c: {  	[tilespmem:s2+$0xF238] =	vst.add.f32.msk @!p1 $0xffff, v1  }
0x15d: {  	v1 =	vld @!p1 [tilespmem:$0xF198];
	_ =	sdelay $0x4  }
0x15e: {  	[tilespmem:s2+$0xF248] =	vst.add.f32.msk @!p1 $0xffff, v1  }
0x15f: {  	v1 =	vld @!p1 [tilespmem:$0xF1A8];
	_ =	sdelay $0x4  }
0x160: {  	[tilespmem:s2+$0xF258] =	vst.add.f32.msk @!p1 $0xffff, v1  }
0x161: {  	v1 =	vld @!p1 [tilespmem:$0xF1B8];
	_ =	sdelay $0x4  }
0x162: {  	[tilespmem:s2+$0xF268] =	vst.add.f32.msk @!p1 $0xffff, v1  }
0x163: {  	v1 =	vld @!p1 [tilespmem:$0xF1C8];
	_ =	sdelay $0x4  }
0x164: {  	[tilespmem:s2+$0xF278] =	vst.add.f32.msk @!p1 $0xffff, v1  }
0x165: {  	v1 =	vld @!p1 [tilespmem:$0xF1D8];
	_ =	sdelay $0x4  }
0x166: {  	[tilespmem:s2+$0xF288] =	vst.add.f32.msk @!p1 $0xffff, v1  }
0x167: {  	v1 =	vld @!p1 [tilespmem:$0xF1E8];
	_ =	sdelay $0x4  }
0x168: {  	[tilespmem:s2+$0xF298] =	vst.add.f32.msk @!p1 $0xffff, v1  }
0x169: {  	v1 =	vld @!p1 [tilespmem:$0xF1F8];
	_ =	sdelay $0x4  }
0x16a: {  	[tilespmem:s2+$0xF2A8] =	vst.add.f32.msk @!p1 $0xffff, v1  }
0x16b: {  	s0 =	sshrl.u32 s0, $0x2;
	[tilespmem:s6+$0xF218] =	vst.msk $0x1, v0  }
0x16c: {  	v0 =	vld [tilespmem:s0+$0xF238];
	_ =	sdelay $0x2  }
0x16d: {  	s31 =	sshll.u32 s6, $0x9  }
0x16e: {  	s2 =	sshra.s32 s31, $0x2  }
0x16f: {  	[tilespmem:s2+$0xF238] =	vst v0  }
0x170: {  	v0 =	vld [tilespmem:s0+$0xF248];
	_ =	sdelay $0x4  }
0x171: {  	[tilespmem:s2+$0xF248] =	vst v0  }
0x172: {  	v0 =	vld [tilespmem:s0+$0xF258];
	_ =	sdelay $0x4  }
0x173: {  	[tilespmem:s2+$0xF258] =	vst v0  }
0x174: {  	v0 =	vld [tilespmem:s0+$0xF268];
	_ =	sdelay $0x4  }
0x175: {  	[tilespmem:s2+$0xF268] =	vst v0  }
0x176: {  	v0 =	vld [tilespmem:s0+$0xF278];
	_ =	sdelay $0x4  }
0x177: {  	[tilespmem:s2+$0xF278] =	vst v0  }
0x178: {  	v0 =	vld [tilespmem:s0+$0xF288];
	_ =	sdelay $0x4  }
0x179: {  	[tilespmem:s2+$0xF288] =	vst v0  }
0x17a: {  	v0 =	vld [tilespmem:s0+$0xF298];
	_ =	sdelay $0x4  }
0x17b: {  	[tilespmem:s2+$0xF298] =	vst v0  }
0x17c: {  	v0 =	vld [tilespmem:s0+$0xF2A8];
	_ =	sdelay $0x4  }
0x17d: {  	s6 =	sadd.s32 $0x1, s6;
	[tilespmem:s2+$0xF2A8] =	vst v0  }
.LBB2_33:
0x17e: {  	s11 =	sadd.s32 $0x1, s11  }
0x17f: {  	p1 =	sne.s32 s11, $0x20  }
.Ltmp20:
0x180: {  	_ = 	snop;
	(pc) =	sbr.rel @!p1 .LBB2_34-.Ltmp20, $1  }
0x181: {  	_ =	sdelay $0x3  }
.LBB2_26:
0x182: {  	v0 =	vld.msk [tilespmem:s11+$0xF218], $0x1;
	_ =	sdelay $0x4  }
0x183: {  	(v2sf) =	vpush v0, $0x0;
	_ =	sdelay $0xe  }
0x184: {  	s12 =	spop (v2sf)  }
0x185: {  	p1 =	seq.s32 s12, $0xFFFFFFFF  }
.Ltmp21:
0x186: {  	_ = 	snop;
	(pc) =	sbr.rel @p1 .LBB2_33-.Ltmp21, $1  }
0x187: {  	_ =	sdelay $0x3  }
0x188: {  	p1 =	slt.s32 s6, $0x1  }
.Ltmp22:
0x189: {  	_ = 	snop;
	(pc) =	sbr.rel @p1 .LBB2_32-.Ltmp22, $1  }
0x18a: {  	_ =	sdelay $0x3  }
0x18b: {  	s13 =	simm.s32 $0xF218;
	p1 =	por $0x0, $0x0  }
0x18c: {  	v1 =	vld.msk @!p1 [tilespmem:s13+$0x0], $0x1;
	_ =	sdelay $0x4  }
0x18d: {  	(v2sf) =	vpush @!p1 v1, $0x0;
	_ =	sdelay $0xd  }
0x18e: {  	p3 =	sne.s32 s6, $0x1  }
.Ltmp23:
0x18f: {  	s0 =	spop @!p1 (v2sf);
	(pc) =	sbr.rel @!p3 .LBB2_30-.Ltmp23, $4  }
0x190: {  	p2 =	seq.s32 @!p1 s12, s0  }
0x191: {  	s14 =	simm.s32 $0x0;
	p2 =	por !p2, p1  }
0x192: {  	s2 =	simm.s32 $0xFFFFFFFF;
	s14 =	simm.s32 @p2 $0xFFFFFFFF  }
0x193: {  	s0 =	simm.s32 $0x1;
	s14 =	smov.u32 @p1 s2  }
.LBB2_29:
0x194: {  	s2 =	smov.u32 s14;
	p1 =	sne.s32 s14, $0xFFFFFFFF  }
0x195: {  	s13 =	sadd.s32 $0x1, s13;
	s14 =	smov.u32 s0;
	s0 =	sadd.s32 $0x1, s0  }
0x196: {  	p2 =	sne.s32 s6, s0;
	v1 =	vld.msk @!p1 [tilespmem:s13+$0x0], $0x1;
	_ =	sdelay $0x4  }
0x197: {  	(v2sf) =	vpush @!p1 v1, $0x0;
	_ =	sdelay $0xe  }
.Ltmp24:
0x198: {  	s3 =	spop @!p1 (v2sf);
	(pc) =	sbr.rel @p2 .LBB2_29-.Ltmp24, $4  }
0x199: {  	p3 =	seq.s32 @!p1 s12, s3  }
0x19a: {  	p3 =	por !p3, p1  }
0x19b: {  	s14 =	simm.s32 @p3 $0xFFFFFFFF  }
0x19c: {  	s14 =	smov.u32 @p1 s2  }
.LBB2_30:
0x19d: {  	p1 =	seq.s32 s14, $0xFFFFFFFF  }
.Ltmp25:
0x19e: {  	_ = 	snop;
	(pc) =	sbr.rel @p1 .LBB2_32-.Ltmp25, $1  }
0x19f: {  	_ =	sdelay $0x3  }
0x1a0: {  	s0 =	sshll.u32 s11, $0x7  }
0x1a1: {  	s0 =	sand.u32 $0x3FFFFF80, s0  }
0x1a2: {  	v0 =	vld [tilespmem:s0+$0xF238];
	_ =	sdelay $0x2  }
0x1a3: {  	s2 =	sshll.u32 s14, $0x9  }
0x1a4: {  	s2 =	sshra.s32 s2, $0x2  }
0x1a5: {  	[tilespmem:s2+$0xF238] =	vst.add.f32.msk $0xffff, v0  }
0x1a6: {  	v0 =	vld [tilespmem:s0+$0xF248];
	_ =	sdelay $0x4  }
0x1a7: {  	[tilespmem:s2+$0xF248] =	vst.add.f32.msk $0xffff, v0  }
0x1a8: {  	v0 =	vld [tilespmem:s0+$0xF258];
	_ =	sdelay $0x4  }
0x1a9: {  	[tilespmem:s2+$0xF258] =	vst.add.f32.msk $0xffff, v0  }
0x1aa: {  	v0 =	vld [tilespmem:s0+$0xF268];
	_ =	sdelay $0x4  }
0x1ab: {  	[tilespmem:s2+$0xF268] =	vst.add.f32.msk $0xffff, v0  }
0x1ac: {  	v0 =	vld [tilespmem:s0+$0xF278];
	_ =	sdelay $0x4  }
0x1ad: {  	[tilespmem:s2+$0xF278] =	vst.add.f32.msk $0xffff, v0  }
0x1ae: {  	v0 =	vld [tilespmem:s0+$0xF288];
	_ =	sdelay $0x4  }
0x1af: {  	[tilespmem:s2+$0xF288] =	vst.add.f32.msk $0xffff, v0  }
0x1b0: {  	v0 =	vld [tilespmem:s0+$0xF298];
	_ =	sdelay $0x4  }
0x1b1: {  	[tilespmem:s2+$0xF298] =	vst.add.f32.msk $0xffff, v0  }
0x1b2: {  	v0 =	vld [tilespmem:s0+$0xF2A8]  }
.Ltmp26:
0x1b3: {  	_ = 	snop;
	(pc) =	sbr.rel .LBB2_33-.Ltmp26, $2  }
0x1b4: {  	_ =	sdelay $0x2  }
0x1b5: {  	[tilespmem:s2+$0xF2A8] =	vst.add.f32.msk $0xffff, v0  }
.LBB2_34:
0x1b6: {  	s0 =	simm.s32 $0x6;
	p1 =	seq.s32 s6, $0x0  }
0x1b7: {  	[sflag:s0] =	ssyncpa.u1 $0x1;
	v0 =	vimm.s32 @p1 $0xFFFFFFFF  }
0x1b8: {  	s9 =	sadd.s32 $0xFFFFFFFF, s6;
	[tilespmem:$0x10238] =	vst @p1 v0  }
0x1b9: {  	v0 =	vld.msk @!p1 [tilespmem:s9+$0xF218], $0x1;
	_ =	sdelay $0x1  }
0x1ba: {  	v1 =	vld.msk @!p1 [tilespmem:$0xF218], $0x1;
	_ =	sdelay $0x2  }
0x1bb: {  	p2 =	seq.s32 @!p1 s9, $0x0;
	v0 =	vbroadcast @!p1 v0, $0x0  }
0x1bc: {  	vm0 =	vmmov @!p1 $0x1;
	p2 =	por !p2, p1  }
0x1bd: {  	v1 =	vnsel @!p1 vm0, $0xFFFFFFFF, v1;
	vm0 =	vcmask @!p1 $0x308;
	v0 =	vpsel !p2, $0xFFFFFFFF, v0  }
0x1be: {  	p2 =	sne.s32 @!p1 s8, s7;
	v0 =	vsel @!p1 vm0, v1, v0  }
0x1bf: {  	s0 =	simm.s32 @!p1 $0xF238;
	s2 =	simm.s32 @!p1 $0x0;
	p3 =	por !p2, p1;
	[tilespmem:$0x10238] =	vst @!p1 v0  }
0x1c0: {  	[spmem:s2] =	stream.linear.scatter @!p1 [tilespmem:s0], [sflag:$0x1], $0x80, $0x38;
	[tilespmem:$0x1F6F8] =	vst v63  }
0x1c1: {  	s0 =	sshll.u32 @!p3 s9, $0x9  }
0x1c2: {  	s0 =	sshra.s32 @!p3 s0, $0x2  }
0x1c3: {  	s2 =	simm.s32 @!p3 $0x80;
	s0 =	sadd.s32 @!p3 $0xF238, s0  }
0x1c4: {  	[spmem:s2] =	stream.linear.scatter @!p3 [tilespmem:s0], [sflag:$0x1], $0x80, $0x38;
	[tilespmem:$0x1F6F8] =	vst v63  }
0x1c5: {  	s0 =	simm.s32 @!p3 $0x1  }
0x1c6: {  	_ =	swait.ge @!p3 [sflag:s0], $0x100  }
0x1c7: {  	p1 =	por p2, p1;
	[sflag:s0] =	ssyncset.done @!p3 $0x0  }
0x1c8: {  	[sflag:s0] =	ssyncadd.s32 @!p3 $0xFFFFFF00;
	s0 =	simm.s32 @!p1 $0x1  }
0x1c9: {  	_ =	swait.ge @!p1 [sflag:s0], $0x80  }
0x1ca: {  	s29 =	simm.s32 $0x10238;
	[sflag:s0] =	ssyncset.done @!p1 $0x0  }
0x1cb: {  	s30 =	simm.s32 $0x1000;
	s31 =	simm.s32 $0x1;
	[sflag:s0] =	ssyncadd.s32 @!p1 $0xFFFFFF80  }
0x1cc: {  	[spmem:s30] =	stream.linear.scatter [tilespmem:s29], [sflag:$0x1], $0x10, $0x38;
	[tilespmem:$0x1F6F8] =	vst v63  }
0x1cd: {  	_ =	swait.ge [sflag:s31], $0x10  }
0x1ce: {  	[sflag:s31] =	ssyncset.done $0x0  }
0x1cf: {  	p1 =	seq.s32 s15, $0x0;
	s8 =	rddreg [dreg:$0x2];
	[sflag:s31] =	ssyncadd.s32 $0xFFFFFFF0  }
0x1d0: {  	s2 =	sshll.u32 @p1 s8, $0xE;
	s7 =	rddreg [dreg:$0x3]  }
0x1d1: {  	s0 =	sadd.s32 @p1 $0x15C3C, s2;
	s2 =	sshll.u32 @p1 s7, $0x11  }
0x1d2: {  	_ =	sfence.stream.spmem;
	s0 =	sor.u32 @p1 s2, s0  }
0x1d3: {  	[sflag:s0] =	ssyncadd.remote.s32 @p1 $0x1;
	s0 =	simm.s32 @p1 $0x4  }
0x1d4: {  	s3 =	simm.s32 @!p1 $0x3C;
	s2 =	sand.u32 $0xFFFFFFFE, s8;
	_ =	swait.ge @p1 [sflag:s0], $0x22  }
0x1d5: {  	s4 =	simm.s32 @!p1 $0x0;
	s2 =	sadd.s32 @!p1 $0x4, s2;
	[sflag:s0] =	ssyncset.done @p1 $0x0  }
0x1d6: {  	s5 =	simm.s32 @!p1 $0x100;
	[sflag:s0] =	ssyncadd.s32 @p1 $0xFFFFFFDE;
	s0 =	sshll.u32 @!p1 s2, $0x1A  }
0x1d7: {  	s2 =	sshll.u32 @!p1 s2, $0xD;
	s0 =	sor.u32 @!p1 s0, s7;
	_ =	swait.eq @!p1 [sflag:s3], $0x1  }
0x1d8: {  	s2 =	sor.u32 @!p1 $0x1C04, s2;
	s3 =	simm.s32 @!p1 $0x1C03;
	s0 =	sor.u32 @!p1 $0x80004000, s0  }
0x1d9: {  	[spmem:s5], [sflag:s2] =	dma.general @!p1 [spmem:s4], [sflag:s3], length:$0x20, [dreg:$0x0], stride_count:$0x0, ici_dest:s0, dma_misc:DstOpCode:WRITE  }
0x1da: {  	p2 =	slt.s32 s9, $0x2;
	s4 =	simm.s32 @!p1 $0x200;
	s5 =	simm.s32 @!p1 $0x202  }
0x1db: {  	[spmem:s5], [sflag:s2] =	dma.general @!p1 [spmem:s4], [sflag:s3], length:$0x2, [dreg:$0x0], stride_count:$0x0, ici_dest:s0, dma_misc:DstOpCode:WRITE  }
.Ltmp27:
0x1dc: {  	s0 =	simm.s32 @!p1 $0x3;
	(pc) =	sbr.rel @p2 .LBB2_38-.Ltmp27, $4  }
0x1dd: {  	s2 =	sshll.u32 @!p1 s8, $0xE;
	_ =	swait.ge @!p1 [sflag:s0], $0x22  }
0x1de: {  	s3 =	sshll.u32 @!p1 s7, $0x11;
	s2 =	sadd.s32 @!p1 $0x11C3C, s2;
	[sflag:s0] =	ssyncset.done @!p1 $0x0  }
0x1df: {  	[sflag:s0] =	ssyncadd.s32 @!p1 $0xFFFFFFDE;
	s0 =	sor.u32 @!p1 s3, s2  }
0x1e0: {  	[sflag:s0] =	ssyncadd.remote.s32 @!p1 $0xFFFFFFFF;
	s0 =	simm.s32 $0x0  }
0x1e1: {  	s0 =	simm.s32 $0xF219  }
0x1e2: {  	v0 =	vld.msk [tilespmem:s0+$0x0], $0x1;
	_ =	sdelay $0x4  }
0x1e3: {  	(v2sf) =	vpush v0, $0x0;
	_ =	sdelay $0xb  }
0x1e4: {  	s31 =	sadd.s32 $0xFFFFFFFE, s6  }
0x1e5: {  	s0 =	sadd.s32 $0xFFFFFFFF, s31  }
0x1e6: {  	p2 =	sne.s32 s0, $0x0  }
.Ltmp28:
0x1e7: {  	s2 =	spop (v2sf);
	(pc) =	sbr.rel @!p2 .LBB2_37-.Ltmp28, $4  }
0x1e8: {  	s4 =	simm.s32 $0xF2B8;
	s7 =	simm.s32 $0x0;
	p1 =	sgt.u32 s2, $0xC67F0  }
0x1e9: {  	s5 =	simm.s32 $0x0;
	s6 =	simm.s32 $0xF21A;
	s3 =	sand.u32 @!p1 $0xFFFF8, s2  }
0x1ea: {  	s2 =	sand.u32 @!p1 $0x7, s2;
	s7 =	simm.s32 @!p1 $0x200;
	s3 =	sadd.s32 @!p1 s1, s3  }
0x1eb: {  	[hbm4b:s3+s2] =	stream.linear.scatter @!p1 [tilespmem:s4], [sflag:$0x5], $0x80, $0x38;
	[tilespmem:$0x1F6F8] =	vst v63  }
.LBB2_36:
0x1ec: {  	v0 =	vld.msk [tilespmem:s6+$0x0], $0x1;
	s0 =	sadd.s32 $0xFFFFFFFF, s0;
	s5 =	sadd.s32 s5, s7  }
0x1ed: {  	p1 =	sne.s32 s0, $0x0;
	_ =	sdelay $0x3  }
0x1ee: {  	(v2sf) =	vpush v0, $0x0;
	_ =	sdelay $0xe  }
.Ltmp29:
0x1ef: {  	s2 =	spop (v2sf);
	(pc) =	sbr.rel @p1 .LBB2_36-.Ltmp29, $4  }
0x1f0: {  	s7 =	simm.s32 $0x0;
	p2 =	sgt.u32 s2, $0xC67F0  }
0x1f1: {  	s4 =	sadd.s32 $0x80, s4;
	s7 =	simm.s32 @!p2 $0x200;
	s3 =	sand.u32 @!p2 $0xFFFF8, s2  }
0x1f2: {  	s6 =	sadd.s32 $0x1, s6;
	s2 =	sand.u32 @!p2 $0x7, s2;
	s3 =	sadd.s32 @!p2 s1, s3  }
0x1f3: {  	[hbm4b:s3+s2] =	stream.linear.scatter @!p2 [tilespmem:s4], [sflag:$0x5], $0x80, $0x38;
	[tilespmem:$0x1F6F8] =	vst v63  }
.LBB2_37:
0x1f4: {  	s0 =	sadd.s32 s5, s7  }
0x1f5: {  	s0 =	sshrl.u32 s0, $0x2  }
.LBB2_38:
0x1f6: {  	s2 =	simm.s32 $0x5  }
0x1f7: {  	_ =	swait.ge [sflag:s2], s0  }
0x1f8: {  	s31 =	ssub.s32 $0x0, s0;
	[sflag:s2] =	ssyncset.done $0x0  }
0x1f9: {  	[sflag:s2] =	ssyncadd.s32 s31  }
0x1fa: {  	[sflag:s2] =	ssyncpa.u1 $0x1  }
.LBB2_39:
0x1fb: {  	s0 =	sor.u32 s15, s16  }
0x1fc: {  	p1 =	sne.s32 s0, $0x0  }
.Ltmp30:
0x1fd: {  	_ = 	snop;
	(pc) =	sbr.rel @p1 .LBB2_54-.Ltmp30, $3  }
0x1fe: {  	_ =	sdelay $0x1  }
0x1ff: {  	[bflag:$0x0] =	sbarrier.arrive $0xFFFF  }
0x200: {  	_ =	sfence  }
0x201: {  	s0 =	simm.s32 $0x7  }
0x202: {  	s2 =	simm.s32 $0x1000;
	s3 =	simm.s32 $0xF218;
	[sflag:s0] =	ssyncpa.u1 $0x0  }
0x203: {  	[tilespmem:s3], [sflag:$0x7] =	stream.linear.gather [spmem:s2], $0x20, $0x38;
	[tilespmem:$0x1F6F8] =	vst v63  }
0x204: {  	s30 =	simm.s32 $0xF238;
	s2 =	simm.s32 $0x0  }
0x205: {  	[tilespmem:s30], [sflag:$0x7] =	stream.linear.gather [spmem:s2], $0x1000, $0x38;
	[tilespmem:$0x1F6F8] =	vst v63  }
.Ltmp31:
0x206: {  	_ = 	snop;
	(pc) =	sbr.rel .LBB2_41-.Ltmp31, $4  }
0x207: {  	_ =	swait.ge [sflag:s0], $0x1020  }
0x208: {  	[sflag:s0] =	ssyncset.done $0x0  }
0x209: {  	s31 =	simm.s32 $0x8;
	[sflag:s0] =	ssyncadd.s32 $0xFFFFEFE0  }
0x20a: {  	s3 =	simm.s32 $0x0;
	[sflag:s31] =	ssyncpa.u1 $0x0  }
.LBB2_47:
0x20b: {  	p1 =	slt.u32 s4, $0xC67F1  }
0x20c: {  	s0 =	sand.u32 @p1 $0xFFFF8, s4  }
0x20d: {  	s4 =	sand.u32 @p1 $0x7, s4;
	s5 =	simm.s32 @p1 $0xF188;
	s0 =	sadd.s32 @p1 s1, s0  }
0x20e: {  	[tilespmem:s5], [sflag:$0x8] =	stream.linear.gather @p1 [hbm4b:s0+s4], $0x80, $0x38;
	[tilespmem:$0x1F6F8] =	vst v63  }
0x20f: {  	s0 =	simm.s32 @p1 $0x8  }
0x210: {  	_ =	swait.ge @p1 [sflag:s0], $0x80  }
0x211: {  	[sflag:s0] =	ssyncset.done @p1 $0x0  }
0x212: {  	[sflag:s0] =	ssyncadd.s32 @p1 $0xFFFFFF80  }
0x213: {  	v1 =	vld @p1 [tilespmem:$0xF188];
	_ =	sdelay $0x2  }
0x214: {  	s0 =	sshll.u32 @p1 s3, $0x9  }
0x215: {  	s4 =	sshrl.u32 @p1 s0, $0x2  }
0x216: {  	[tilespmem:s4+$0xF238] =	vst.add.f32.msk @p1 $0xffff, v1  }
0x217: {  	v1 =	vld @p1 [tilespmem:$0xF198];
	_ =	sdelay $0x4  }
0x218: {  	[tilespmem:s4+$0xF248] =	vst.add.f32.msk @p1 $0xffff, v1  }
0x219: {  	v1 =	vld @p1 [tilespmem:$0xF1A8];
	_ =	sdelay $0x4  }
0x21a: {  	[tilespmem:s4+$0xF258] =	vst.add.f32.msk @p1 $0xffff, v1  }
0x21b: {  	v1 =	vld @p1 [tilespmem:$0xF1B8];
	_ =	sdelay $0x4  }
0x21c: {  	[tilespmem:s4+$0xF268] =	vst.add.f32.msk @p1 $0xffff, v1  }
0x21d: {  	v1 =	vld @p1 [tilespmem:$0xF1C8];
	_ =	sdelay $0x4  }
0x21e: {  	[tilespmem:s4+$0xF278] =	vst.add.f32.msk @p1 $0xffff, v1  }
0x21f: {  	v1 =	vld @p1 [tilespmem:$0xF1D8];
	_ =	sdelay $0x4  }
0x220: {  	[tilespmem:s4+$0xF288] =	vst.add.f32.msk @p1 $0xffff, v1  }
0x221: {  	v1 =	vld @p1 [tilespmem:$0xF1E8];
	_ =	sdelay $0x4  }
0x222: {  	[tilespmem:s4+$0xF298] =	vst.add.f32.msk @p1 $0xffff, v1  }
0x223: {  	v1 =	vld @p1 [tilespmem:$0xF1F8];
	_ =	sdelay $0x3  }
0x224: {  	s5 =	sshll.u32 @!p1 s3, $0x9  }
0x225: {  	s5 =	smov.u32 @p1 s0;
	[tilespmem:s4+$0xF2A8] =	vst.add.f32.msk @p1 $0xffff, v1  }
0x226: {  	s0 =	sshrl.u32 s5, $0x2;
	[tilespmem:s2+$0xF218] =	vst.msk $0x1, v0  }
0x227: {  	v0 =	vld [tilespmem:s0+$0xF238];
	_ =	sdelay $0x2  }
0x228: {  	s31 =	sshll.u32 s2, $0x9  }
0x229: {  	s4 =	sshra.s32 s31, $0x2  }
0x22a: {  	[tilespmem:s4+$0xF238] =	vst v0  }
0x22b: {  	v0 =	vld [tilespmem:s0+$0xF248];
	_ =	sdelay $0x4  }
0x22c: {  	[tilespmem:s4+$0xF248] =	vst v0  }
0x22d: {  	v0 =	vld [tilespmem:s0+$0xF258];
	_ =	sdelay $0x4  }
0x22e: {  	[tilespmem:s4+$0xF258] =	vst v0  }
0x22f: {  	v0 =	vld [tilespmem:s0+$0xF268];
	_ =	sdelay $0x4  }
0x230: {  	[tilespmem:s4+$0xF268] =	vst v0  }
0x231: {  	v0 =	vld [tilespmem:s0+$0xF278];
	_ =	sdelay $0x4  }
0x232: {  	[tilespmem:s4+$0xF278] =	vst v0  }
0x233: {  	v0 =	vld [tilespmem:s0+$0xF288];
	_ =	sdelay $0x4  }
0x234: {  	[tilespmem:s4+$0xF288] =	vst v0  }
0x235: {  	v0 =	vld [tilespmem:s0+$0xF298];
	_ =	sdelay $0x4  }
0x236: {  	[tilespmem:s4+$0xF298] =	vst v0  }
0x237: {  	v0 =	vld [tilespmem:s0+$0xF2A8];
	_ =	sdelay $0x4  }
0x238: {  	s2 =	sadd.s32 $0x1, s2;
	[tilespmem:s4+$0xF2A8] =	vst v0  }
.LBB2_48:
0x239: {  	s3 =	sadd.s32 $0x1, s3  }
0x23a: {  	p1 =	sne.s32 s3, $0x20  }
.Ltmp32:
0x23b: {  	_ = 	snop;
	(pc) =	sbr.rel @!p1 .LBB2_49-.Ltmp32, $1  }
0x23c: {  	_ =	sdelay $0x3  }
.LBB2_41:
0x23d: {  	v0 =	vld.msk [tilespmem:s3+$0xF218], $0x1;
	_ =	sdelay $0x4  }
0x23e: {  	(v2sf) =	vpush v0, $0x0;
	_ =	sdelay $0xe  }
0x23f: {  	s4 =	spop (v2sf)  }
0x240: {  	p1 =	seq.s32 s4, $0xFFFFFFFF  }
.Ltmp33:
0x241: {  	_ = 	snop;
	(pc) =	sbr.rel @p1 .LBB2_48-.Ltmp33, $1  }
0x242: {  	_ =	sdelay $0x3  }
0x243: {  	p1 =	slt.s32 s2, $0x1  }
.Ltmp34:
0x244: {  	_ = 	snop;
	(pc) =	sbr.rel @p1 .LBB2_47-.Ltmp34, $1  }
0x245: {  	_ =	sdelay $0x3  }
0x246: {  	s5 =	simm.s32 $0xF218;
	p1 =	por $0x0, $0x0  }
0x247: {  	v1 =	vld.msk @!p1 [tilespmem:s5+$0x0], $0x1;
	_ =	sdelay $0x4  }
0x248: {  	(v2sf) =	vpush @!p1 v1, $0x0;
	_ =	sdelay $0xd  }
0x249: {  	p3 =	sne.s32 s2, $0x1  }
.Ltmp35:
0x24a: {  	s0 =	spop @!p1 (v2sf);
	(pc) =	sbr.rel @!p3 .LBB2_45-.Ltmp35, $4  }
0x24b: {  	p2 =	seq.s32 @!p1 s4, s0  }
0x24c: {  	s6 =	simm.s32 $0x0;
	p2 =	por !p2, p1  }
0x24d: {  	s7 =	simm.s32 $0xFFFFFFFF;
	s6 =	simm.s32 @p2 $0xFFFFFFFF  }
0x24e: {  	s0 =	simm.s32 $0x1;
	s6 =	smov.u32 @p1 s7  }
.LBB2_44:
0x24f: {  	s7 =	smov.u32 s6;
	p1 =	sne.s32 s6, $0xFFFFFFFF  }
0x250: {  	s5 =	sadd.s32 $0x1, s5;
	s6 =	smov.u32 s0;
	s0 =	sadd.s32 $0x1, s0  }
0x251: {  	p2 =	sne.s32 s2, s0;
	v1 =	vld.msk @!p1 [tilespmem:s5+$0x0], $0x1;
	_ =	sdelay $0x4  }
0x252: {  	(v2sf) =	vpush @!p1 v1, $0x0;
	_ =	sdelay $0xe  }
.Ltmp36:
0x253: {  	s8 =	spop @!p1 (v2sf);
	(pc) =	sbr.rel @p2 .LBB2_44-.Ltmp36, $4  }
0x254: {  	p3 =	seq.s32 @!p1 s4, s8  }
0x255: {  	p3 =	por !p3, p1  }
0x256: {  	s6 =	simm.s32 @p3 $0xFFFFFFFF  }
0x257: {  	s6 =	smov.u32 @p1 s7  }
.LBB2_45:
0x258: {  	p1 =	seq.s32 s6, $0xFFFFFFFF  }
.Ltmp37:
0x259: {  	_ = 	snop;
	(pc) =	sbr.rel @p1 .LBB2_47-.Ltmp37, $1  }
0x25a: {  	_ =	sdelay $0x3  }
0x25b: {  	s0 =	sshll.u32 s3, $0x7  }
0x25c: {  	s0 =	sand.u32 $0x3FFFFF80, s0  }
0x25d: {  	v0 =	vld [tilespmem:s0+$0xF238];
	_ =	sdelay $0x2  }
0x25e: {  	s4 =	sshll.u32 s6, $0x9  }
0x25f: {  	s4 =	sshra.s32 s4, $0x2  }
0x260: {  	[tilespmem:s4+$0xF238] =	vst.add.f32.msk $0xffff, v0  }
0x261: {  	v0 =	vld [tilespmem:s0+$0xF248];
	_ =	sdelay $0x4  }
0x262: {  	[tilespmem:s4+$0xF248] =	vst.add.f32.msk $0xffff, v0  }
0x263: {  	v0 =	vld [tilespmem:s0+$0xF258];
	_ =	sdelay $0x4  }
0x264: {  	[tilespmem:s4+$0xF258] =	vst.add.f32.msk $0xffff, v0  }
0x265: {  	v0 =	vld [tilespmem:s0+$0xF268];
	_ =	sdelay $0x4  }
0x266: {  	[tilespmem:s4+$0xF268] =	vst.add.f32.msk $0xffff, v0  }
0x267: {  	v0 =	vld [tilespmem:s0+$0xF278];
	_ =	sdelay $0x4  }
0x268: {  	[tilespmem:s4+$0xF278] =	vst.add.f32.msk $0xffff, v0  }
0x269: {  	v0 =	vld [tilespmem:s0+$0xF288];
	_ =	sdelay $0x4  }
0x26a: {  	[tilespmem:s4+$0xF288] =	vst.add.f32.msk $0xffff, v0  }
0x26b: {  	v0 =	vld [tilespmem:s0+$0xF298];
	_ =	sdelay $0x4  }
0x26c: {  	[tilespmem:s4+$0xF298] =	vst.add.f32.msk $0xffff, v0  }
0x26d: {  	v0 =	vld [tilespmem:s0+$0xF2A8]  }
.Ltmp38:
0x26e: {  	_ = 	snop;
	(pc) =	sbr.rel .LBB2_48-.Ltmp38, $2  }
0x26f: {  	_ =	sdelay $0x2  }
0x270: {  	[tilespmem:s4+$0xF2A8] =	vst.add.f32.msk $0xffff, v0  }
.LBB2_49:
0x271: {  	p1 =	slt.s32 s2, $0x1  }
.Ltmp39:
0x272: {  	_ = 	snop;
	(pc) =	sbr.rel @p1 .LBB2_53-.Ltmp39, $3  }
0x273: {  	_ =	sdelay $0x1  }
0x274: {  	s0 =	simm.s32 $0x8  }
0x275: {  	s3 =	simm.s32 $0x0;
	[sflag:s0] =	ssyncpa.u1 $0x1  }
0x276: {  	s0 =	simm.s32 $0xF218  }
0x277: {  	v0 =	vld.msk [tilespmem:s0+$0x0], $0x1;
	_ =	sdelay $0x4  }
0x278: {  	(v2sf) =	vpush v0, $0x0;
	_ =	sdelay $0xe  }
0x279: {  	s0 =	sadd.s32 $0xFFFFFFFF, s2;
	s5 =	spop (v2sf)  }
0x27a: {  	p2 =	sne.s32 s0, $0x0;
	p1 =	sgt.u32 s5, $0xC67F0  }
.Ltmp40:
0x27b: {  	s6 =	sand.u32 @!p1 $0xFFFF8, s5;
	(pc) =	sbr.rel @!p2 .LBB2_52-.Ltmp40, $4  }
0x27c: {  	s4 =	simm.s32 $0xF238;
	s5 =	sand.u32 @!p1 $0x7, s5;
	s2 =	sadd.s32 @!p1 s1, s6  }
0x27d: {  	[hbm4b:s2+s5] =	stream.linear.scatter @!p1 [tilespmem:s4], [sflag:$0x7], $0x80, $0x38;
	[tilespmem:$0x1F6F8] =	vst v63  }
0x27e: {  	s5 =	simm.s32 $0x0  }
0x27f: {  	s2 =	simm.s32 $0xF219;
	s5 =	simm.s32 @!p1 $0x200  }
.LBB2_51:
0x280: {  	v0 =	vld.msk [tilespmem:s2+$0x0], $0x1;
	s0 =	sadd.s32 $0xFFFFFFFF, s0;
	s3 =	sadd.s32 s3, s5  }
0x281: {  	p1 =	sne.s32 s0, $0x0;
	_ =	sdelay $0x3  }
0x282: {  	(v2sf) =	vpush v0, $0x0;
	_ =	sdelay $0xe  }
.Ltmp41:
0x283: {  	s6 =	spop (v2sf);
	(pc) =	sbr.rel @p1 .LBB2_51-.Ltmp41, $4  }
0x284: {  	s5 =	simm.s32 $0x0;
	p2 =	sgt.u32 s6, $0xC67F0  }
0x285: {  	s4 =	sadd.s32 $0x80, s4;
	s5 =	simm.s32 @!p2 $0x200;
	s7 =	sand.u32 @!p2 $0xFFFF8, s6  }
0x286: {  	s2 =	sadd.s32 $0x1, s2;
	s6 =	sand.u32 @!p2 $0x7, s6;
	s7 =	sadd.s32 @!p2 s1, s7  }
0x287: {  	[hbm4b:s7+s6] =	stream.linear.scatter @!p2 [tilespmem:s4], [sflag:$0x7], $0x80, $0x38;
	[tilespmem:$0x1F6F8] =	vst v63  }
.LBB2_52:
0x288: {  	s0 =	sadd.s32 s3, s5  }
0x289: {  	s3 =	sshrl.u32 s0, $0x2  }
.LBB2_53:
0x28a: {  	s0 =	simm.s32 $0x7  }
0x28b: {  	_ =	swait.ge [sflag:s0], s3  }
0x28c: {  	s1 =	ssub.s32 $0x0, s3;
	[sflag:s0] =	ssyncset.done $0x0  }
0x28d: {  	[sflag:s0] =	ssyncadd.s32 s1  }
0x28e: {  	[sflag:s0] =	ssyncpa.u1 $0x1  }
.LBB2_54:
0x28f: {  	_ =	sfence;
	s0 =	simm.s32 $0x1  }
0x290: {  	[sflag:s0] =	ssyncpa.u1 $0x1  }
0x291: {  	_ =	strace $0x9000004D  }
0x292: {  	[bflag:$0x2] =	sbarrier.arrive $0xFFFF  }
0x293: {  	s0 =	rddreg [dreg:$0x4]  }
0x294: {  	s0 =	sadd.s32 @!p0 $0x100000, s0  }
0x295: {  	[sflag:s0] =	ssyncadd.tile.s32 @!p0 $0x1;
	_ =	shalt  }
.Lfunc_end2:
_tile_overlayer_lowered:
.L_overlay_start_2:
0x296: {  	(tag) =	ssettag $0x2  }
0x297: {  	s0 =	rddreg [dreg:$0x0];
	s2 =	stileid.u32  }
0x298: {  	s1 =	rddreg [dreg:$0x1];
	p0 =	sne.s32 s2, $0x0  }
0x299: {  	s3 =	rddreg [dreg:$0x2];
	[bflag:$0x3] =	sbarrier.arrive $0xFFFF;
	s2 =	simm.s32 @!p0 $0x1C01  }
0x29a: {  	[timem:s3], [sflag:s2] =	dma.local @!p0 [hbm:s0], s1  }
0x29b: {  	s0 =	simm.s32 @!p0 $0x1  }
0x29c: {  	_ =	swait.ge @!p0 [sflag:s0], s1  }
0x29d: {  	s1 =	ssub.s32 @!p0 $0x0, s1;
	[sflag:s0] =	ssyncset.done @!p0 $0x0  }
0x29e: {  	[sflag:s0] =	ssyncadd.s32 @!p0 s1  }
0x29f: {  	[bflag:$0x3] =	sbarrier.arrive $0xFFFF  }
0x2a0: {  	_ =	shalt  }

</sc_bundles>
